<compile_context>
chip_gen: v7x
topology: tpu7x:2x2x1
jax: 0.10.2.dev20260603
libtpu: 0.0.44.dev20260713+nightly
codegen_flags: <defaults>
</compile_context>

<pallas_src>
import functools

import jax
import jax.numpy as jnp
from jax import lax
from jax.experimental import pallas as pl
from jax.experimental.pallas import tpu as pltpu
from jax.experimental.pallas import tpu_sc as plsc

N = 10000
E = 320000
D = 128
G = 64
NC, NS = 2, 16
NW = NC * NS
NPAD = 10240
EPW = E // NW
K = 80
NCHUNK = EPW // K
NSLOT = 3 * ((NCHUNK + 2) // 3)
RPT = NPAD // NS
CH = K
NBF = RPT // CH
TAIL = RPT - NBF * CH
R = 2048
DW = 16

_sc_mesh = plsc.VectorSubcoreMesh(
    core_axis_name="c", subcore_axis_name="s", num_cores=NC, num_subcores=NS)

_sc_params = pltpu.CompilerParams(
    use_tc_tiling_on_sc=False, needs_layout_passes=False)


@functools.partial(
    pl.kernel,
    out_type=jax.ShapeDtypeStruct((NW, NPAD), jnp.float32),
    mesh=_sc_mesh,
    compiler_params=_sc_params,
    scratch_types=[
        pltpu.VMEM((NCHUNK, K), jnp.int32),
        pltpu.VMEM((NPAD,), jnp.float32),
        pltpu.SemaphoreType.DMA,
    ],
)
def _sc_degree(dst_hbm, out_hbm, didx, deg_v, sem):
    c = lax.axis_index("c")
    s = lax.axis_index("s")
    w = c * NS + s

    pltpu.async_copy(dst_hbm.at[w], didx, sem)

    @pl.loop(0, NPAD // 16)
    def _zero(i):
        deg_v[pl.ds(i * 16, 16)] = jnp.zeros((16,), jnp.float32)

    pltpu.make_async_copy(dst_hbm.at[w], didx, sem).wait()
    ones16 = jnp.ones((16,), jnp.float32)

    @pl.loop(0, NCHUNK)
    def _chunk(i):
        for j in range(K // 16):
            idx = didx[i, pl.ds(j * 16, 16)]
            plsc.addupdate_scatter(deg_v, [idx], ones16)

    pltpu.sync_copy(deg_v, out_hbm.at[w])


@functools.partial(
    pl.kernel,
    out_type=jax.ShapeDtypeStruct((NC, NPAD, D), jnp.float32),
    mesh=_sc_mesh,
    compiler_params=_sc_params,
    scratch_types=[
        pltpu.VMEM((NCHUNK, K), jnp.int32),
        pltpu.VMEM((NCHUNK, K), jnp.int32),
        pltpu.VMEM((K, D), jnp.float32),
        pltpu.VMEM((K, D), jnp.float32),
        pltpu.VMEM_SHARED((NPAD, D), jnp.float32),
        pltpu.SemaphoreType.DMA,
        pltpu.SemaphoreType.DMA,
        pltpu.SemaphoreType.DMA,
        pltpu.SemaphoreType.DMA,
    ],
)
def _sc_propagate(h_hbm, src_hbm, dst_hbm, out_hbm,
                  sidx, didx, rows0, rows1, acc_sh,
                  gsem0, gsem1, ssem0, ssem1):
    c = lax.axis_index("c")
    s = lax.axis_index("s")
    w = c * NS + s

    pltpu.async_copy(src_hbm.at[w], sidx, gsem0)
    pltpu.async_copy(dst_hbm.at[w], didx, gsem1)

    @pl.loop(0, CH)
    def _zero(i):
        for j in range(D // 16):
            rows0[i, pl.ds(j * 16, 16)] = jnp.zeros((16,), jnp.float32)

    for b in range(NBF):
        pltpu.async_copy(rows0, acc_sh.at[pl.ds(s * RPT + b * CH, CH)], ssem0)
    if TAIL:
        pltpu.async_copy(rows0.at[pl.ds(0, TAIL)],
                         acc_sh.at[pl.ds(s * RPT + NBF * CH, TAIL)], ssem1)
    for b in range(NBF):
        pltpu.make_async_copy(rows0, acc_sh.at[pl.ds(s * RPT, CH)], ssem0).wait()
    if TAIL:
        pltpu.make_async_copy(rows0.at[pl.ds(0, TAIL)],
                              acc_sh.at[pl.ds(s * RPT, TAIL)], ssem1).wait()

    pltpu.make_async_copy(src_hbm.at[w], sidx, gsem0).wait()
    pltpu.make_async_copy(dst_hbm.at[w], didx, gsem1).wait()
    plsc.subcore_barrier()

    def g_start(slot, rows, gsem):
        ch = jnp.minimum(slot, NCHUNK - 1)
        pltpu.async_copy(h_hbm.at[sidx.at[ch]], rows, gsem)

    def g_wait(rows, gsem):
        pltpu.make_async_copy(h_hbm.at[sidx.at[0]], rows, gsem).wait()

    def s_start(slot, rows, ssem):
        pltpu.async_copy(rows, acc_sh.at[didx.at[slot]], ssem, add=True)

    def s_wait(rows, ssem):
        pltpu.make_async_copy(rows, acc_sh.at[didx.at[0]], ssem).wait()

    g_start(0, rows0, gsem0)

    @pl.loop(0, NSLOT // 2)
    def _pair(g):
        s0 = 2 * g
        s1 = s0 + 1

        @pl.when(g > 0)
        def _():
            s_wait(rows1, ssem1)

        g_start(s1, rows1, gsem1)
        g_wait(rows0, gsem0)
        s_start(s0, rows0, ssem0)
        s_wait(rows0, ssem0)

        @pl.when(g < NSLOT // 2 - 1)
        def _():
            g_start(s0 + 2, rows0, gsem0)

        g_wait(rows1, gsem1)

        @pl.when(s1 < NCHUNK)
        def _():
            s_start(s1, rows1, ssem1)

    if NCHUNK % 2 == 0:
        s_wait(rows1, ssem1)

    plsc.subcore_barrier()

    bufs = (rows0, rows1)
    isems = (gsem0, gsem1)
    osems = (ssem0, ssem1)
    NBLK = NBF + (1 if TAIL else 0)

    def _nr(b):
        return CH if b < NBF else TAIL

    for b in range(NBLK):
        buf, isem, osem = bufs[b % 2], isems[b % 2], osems[b % 2]
        nr = _nr(b)
        if b >= 2:
            pltpu.make_async_copy(
                buf.at[pl.ds(0, CH)],
                out_hbm.at[c, pl.ds(s * RPT, CH)], osem).wait()
        pltpu.async_copy(
            acc_sh.at[pl.ds(s * RPT + b * CH, nr)], buf.at[pl.ds(0, nr)], isem)
        pltpu.make_async_copy(
            acc_sh.at[pl.ds(s * RPT, nr)], buf.at[pl.ds(0, nr)], isem).wait()
        pltpu.async_copy(
            buf.at[pl.ds(0, nr)], out_hbm.at[c, pl.ds(s * RPT + b * CH, nr)],
            osem)
    for b in (NBLK - 2, NBLK - 1):
        nr = _nr(b)
        pltpu.make_async_copy(
            bufs[b % 2].at[pl.ds(0, nr)],
            out_hbm.at[c, pl.ds(s * RPT, nr)], osems[b % 2]).wait()


def _dinv_of(dp_ref):
    deg = jnp.sum(dp_ref[...], axis=0) + 1.0
    return lax.rsqrt(deg)[:, None]


def _tc1_body(x_ref, w_ref, dp_ref, h_ref):
    h_ref[...] = jnp.dot(x_ref[...], w_ref[...],
                         preferred_element_type=jnp.float32) * _dinv_of(dp_ref)


def _tc2_body(ap_ref, hp_ref, dp_ref, b_ref, w_ref, o_ref):
    dinv = _dinv_of(dp_ref)
    h = ap_ref[0] + ap_ref[1] + hp_ref[...]
    h = jnp.maximum(h * dinv + b_ref[...], 0.0)
    o_ref[...] = jnp.dot(h, w_ref[...],
                         preferred_element_type=jnp.float32) * dinv


def _tc3_body(ap_ref, hp_ref, dp_ref, b_ref, batch_ref, linw_ref, linb_ref,
              o_ref, pool_acc, cnt_acc):
    i = pl.program_id(0)
    dinv = _dinv_of(dp_ref)
    h = ap_ref[0] + ap_ref[1] + hp_ref[...]
    h = jnp.maximum(h * dinv + b_ref[...], 0.0)
    bat = batch_ref[0, 0, :]
    gids = lax.broadcasted_iota(jnp.int32, (G, R), 0)
    onehot = (bat[None, :] == gids).astype(jnp.float32)
    psum = jnp.dot(onehot, h, preferred_element_type=jnp.float32)
    csum = jnp.broadcast_to(jnp.sum(onehot, axis=1, keepdims=True), (G, D))

    @pl.when(i == 0)
    def _():
        pool_acc[...] = psum
        cnt_acc[...] = csum

    @pl.when(i > 0)
    def _():
        pool_acc[...] += psum
        cnt_acc[...] += csum

    @pl.when(i == pl.num_programs(0) - 1)
    def _():
        pooled = pool_acc[...] / jnp.maximum(cnt_acc[...], 1.0)
        o_ref[...] = jnp.dot(pooled, linw_ref[...],
                             preferred_element_type=jnp.float32) + linb_ref[...]


_row_spec = pl.BlockSpec((R, D), lambda i: (i, 0))
_w_spec = pl.BlockSpec((D, D), lambda i: (0, 0))
_dp_spec = pl.BlockSpec((NW, R), lambda i: (0, i))
_ap_spec = pl.BlockSpec((2, R, D), lambda i: (0, i, 0))
_b_spec = pl.BlockSpec((1, D), lambda i: (0, 0))

_tc1 = pl.pallas_call(
    _tc1_body,
    grid=(NPAD // R,),
    in_specs=[_row_spec, _w_spec, _dp_spec],
    out_specs=_row_spec,
    out_shape=jax.ShapeDtypeStruct((NPAD, D), jnp.float32),
)

_tc2 = pl.pallas_call(
    _tc2_body,
    grid=(NPAD // R,),
    in_specs=[_ap_spec, _row_spec, _dp_spec, _b_spec, _w_spec],
    out_specs=_row_spec,
    out_shape=jax.ShapeDtypeStruct((NPAD, D), jnp.float32),
)

_tc3 = pl.pallas_call(
    _tc3_body,
    grid=(NPAD // R,),
    in_specs=[
        _ap_spec, _row_spec, _dp_spec, _b_spec,
        pl.BlockSpec((1, 1, R), lambda i: (i, 0, 0)),
        pl.BlockSpec((D, 1), lambda i: (0, 0)),
        pl.BlockSpec((1, 1), lambda i: (0, 0)),
    ],
    out_specs=pl.BlockSpec((G, 1), lambda i: (0, 0)),
    out_shape=jax.ShapeDtypeStruct((G, 1), jnp.float32),
    scratch_shapes=[
        pltpu.VMEM((G, D), jnp.float32),
        pltpu.VMEM((G, D), jnp.float32),
    ],
)


def kernel(x, edge_index, batch, W1, b1, W2, b2, lin_W, lin_b):
    src = edge_index[0].reshape(NW, NCHUNK, K)
    dst = edge_index[1].reshape(NW, NCHUNK, K)
    x_pad = jnp.pad(x, ((0, NPAD - N), (0, 0)))
    batch3 = jnp.pad(batch, (0, NPAD - N), constant_values=G).reshape(
        NPAD // R, 1, R)

    deg_parts = _sc_degree(dst)
    h1p = _tc1(x_pad, W1, deg_parts)
    acc1 = _sc_propagate(h1p, src, dst)
    h2p = _tc2(acc1, h1p, deg_parts, b1.reshape(1, D), W2)
    acc2 = _sc_propagate(h2p, src, dst)
    return _tc3(acc2, h2p, deg_parts, b2.reshape(1, D), batch3,
                lin_W, lin_b.reshape(1, 1))

# --- scband reference (transcript-rebuilt; emitter-appended) ---
"""Pipeline reference for scband-my-gcn-4483945857509 (READ-ONLY COPY).

The authoritative reference and input builder live on the scoring server;
editing this copy changes nothing except your own understanding.
"""

import jax, jax.numpy as jnp
import numpy as np

N_NODES = 10000
N_EDGES = 320000
D_IN = 128
HIDDEN = [128, 128]
N_GRAPHS = 64


def setup_inputs(seed: int = 0) -> dict:
    key = jax.random.key(seed)
    ks = jax.random.split(key, 10)
    x = jax.random.normal(ks[0], (N_NODES, D_IN), dtype=jnp.float32)
    edge_index = jax.random.randint(ks[1], (2, N_EDGES), 0, N_NODES, dtype=jnp.int64 if jax.config.jax_enable_x64 else jnp.int32).astype(jnp.int32)
    batch = jnp.sort(jax.random.randint(ks[2], (N_NODES,), 0, N_GRAPHS)).astype(jnp.int32)
    s1 = 1.0 / np.sqrt(D_IN)
    W1 = jax.random.uniform(ks[3], (D_IN, HIDDEN[0]), jnp.float32, -s1, s1)
    b1 = jax.random.uniform(ks[4], (HIDDEN[0],), jnp.float32, -s1, s1)
    s2 = 1.0 / np.sqrt(HIDDEN[0])
    W2 = jax.random.uniform(ks[5], (HIDDEN[0], HIDDEN[1]), jnp.float32, -s2, s2)
    b2 = jax.random.uniform(ks[6], (HIDDEN[1],), jnp.float32, -s2, s2)
    s3 = 1.0 / np.sqrt(HIDDEN[1])
    lin_W = jax.random.uniform(ks[7], (HIDDEN[1], 1), jnp.float32, -s3, s3)
    lin_b = jax.random.uniform(ks[8], (1,), jnp.float32, -s3, s3)
    return {"x": x, "edge_index": edge_index, "batch": batch,
            "W1": W1, "b1": b1, "W2": W2, "b2": b2,
            "lin_W": lin_W, "lin_b": lin_b}


def gcn_conv(x, src, dst, W, b, num_nodes):
    # GCNConv: add self-loops, symmetric normalization D^-1/2 (A+I) D^-1/2 X W + b
    loop = jnp.arange(num_nodes, dtype=src.dtype)
    s = jnp.concatenate([src, loop])
    d = jnp.concatenate([dst, loop])
    h = x @ W
    deg = jnp.zeros((num_nodes,), dtype=x.dtype).at[d].add(1.0)
    dinv = jnp.where(deg > 0, deg ** -0.5, 0.0)
    norm = dinv[s] * dinv[d]
    msgs = h[s] * norm[:, None]
    out = jnp.zeros((num_nodes, W.shape[1]), dtype=x.dtype).at[d].add(msgs)
    return out + b


def reference(x, edge_index, batch, W1, b1, W2, b2, lin_W, lin_b):
    num_nodes = x.shape[0]
    src, dst = edge_index[0], edge_index[1]
    h = gcn_conv(x, src, dst, W1, b1, num_nodes)
    h = jax.nn.relu(h)
    h = gcn_conv(h, src, dst, W2, b2, num_nodes)
    h = jax.nn.relu(h)
    # global_mean_pool over batch assignment
    sums = jax.ops.segment_sum(h, batch, num_segments=N_GRAPHS)
    counts = jax.ops.segment_sum(jnp.ones((num_nodes,), dtype=h.dtype), batch, num_segments=N_GRAPHS)
    pooled = sums / jnp.maximum(counts, 1.0)[:, None]
    return pooled @ lin_W + lin_b

if __name__ == "__main__":
    import jax
    _d = setup_inputs()
    print(jax.jit(kernel)(*tuple(_d.values())))

</pallas_src>

<mosaic_0001>
#map = affine_map<(d0, d1) -> (0, 0)>
#map1 = affine_map<(d0, d1) -> (0, 0, 0)>
module attributes {stable_mosaic.version = 14 : i64} {
  func.func @_sc_propagate(%arg0: i32, %arg1: i32, %arg2: memref<10240x128xf32, #tpu.memory_space<hbm>>, %arg3: memref<32x125x80xi32, #tpu.memory_space<hbm>>, %arg4: memref<32x125x80xi32, #tpu.memory_space<hbm>>, %arg5: memref<2x10240x128xf32, #tpu.memory_space<hbm>>, %arg6: memref<125x80xi32, #tpu.memory_space<vmem>>, %arg7: memref<125x80xi32, #tpu.memory_space<vmem>>, %arg8: memref<80x128xf32, #tpu.memory_space<vmem>>, %arg9: memref<80x128xf32, #tpu.memory_space<vmem>>, %arg10: memref<10240x128xf32, #tpu.memory_space<vmem_shared>>, %arg11: memref<!tpu.dma_semaphore, #tpu.memory_space<semaphore_mem>>, %arg12: memref<!tpu.dma_semaphore, #tpu.memory_space<semaphore_mem>>, %arg13: memref<!tpu.dma_semaphore, #tpu.memory_space<semaphore_mem>>, %arg14: memref<!tpu.dma_semaphore, #tpu.memory_space<semaphore_mem>>) attributes {dimension_semantics = [#tpu.dimension_semantics<core_parallel>, #tpu.dimension_semantics<subcore_parallel>], iteration_bounds = array<i64: 2, 16>, scalar_prefetch = 0 : i64, scratch_operands = 9 : i64, tpu.core_type = #tpu.core_type<sc_vector_subcore>, window_params = [{transform_indices = #map}, {transform_indices = #map1}, {transform_indices = #map1}, {transform_indices = #map1}]} {
    %mul3A = arith.constant 16 : i32
    %mul3A_0 = arith.muli %arg0, %mul3A : i32
    %add3A = arith.addi %mul3A_0, %arg1 : i32
    %dma_start3A = arith.constant 0 : i32
    %dma_start3A_1 = arith.constant 0 : i32
    %dma_start3A_2 = tpu.memref_slice %arg3[%add3A, %dma_start3A, %dma_start3A_1] : memref<32x125x80xi32, #tpu.memory_space<hbm>> -> memref<1x125x80xi32, #tpu.memory_space<hbm>>
    %dma_start3A_3 = tpu.memref_squeeze %dma_start3A_2 : memref<1x125x80xi32, #tpu.memory_space<hbm>> -> memref<125x80xi32, #tpu.memory_space<hbm>>
    %dma_start3A_4 = arith.constant 0 : i32
    %dma_start3A_5 = arith.constant 0 : i32
    %dma_start3A_6 = tpu.memref_slice %arg3[%add3A, %dma_start3A_4, %dma_start3A_5] : memref<32x125x80xi32, #tpu.memory_space<hbm>> -> memref<1x125x80xi32, #tpu.memory_space<hbm>>
    %dma_start3A_7 = tpu.memref_squeeze %dma_start3A_6 : memref<1x125x80xi32, #tpu.memory_space<hbm>> -> memref<125x80xi32, #tpu.memory_space<hbm>>
    tpu.enqueue_dma source(%dma_start3A_7 : memref<125x80xi32, #tpu.memory_space<hbm>>) target(%arg6 : memref<125x80xi32, #tpu.memory_space<vmem>>) target_semaphore(%arg11 : memref<!tpu.dma_semaphore, #tpu.memory_space<semaphore_mem>>)
    %dma_start3A_8 = arith.constant 0 : i32
    %dma_start3A_9 = arith.constant 0 : i32
    %dma_start3A_10 = tpu.memref_slice %arg4[%add3A, %dma_start3A_8, %dma_start3A_9] : memref<32x125x80xi32, #tpu.memory_space<hbm>> -> memref<1x125x80xi32, #tpu.memory_space<hbm>>
    %dma_start3A_11 = tpu.memref_squeeze %dma_start3A_10 : memref<1x125x80xi32, #tpu.memory_space<hbm>> -> memref<125x80xi32, #tpu.memory_space<hbm>>
    %dma_start3A_12 = arith.constant 0 : i32
    %dma_start3A_13 = arith.constant 0 : i32
    %dma_start3A_14 = tpu.memref_slice %arg4[%add3A, %dma_start3A_12, %dma_start3A_13] : memref<32x125x80xi32, #tpu.memory_space<hbm>> -> memref<1x125x80xi32, #tpu.memory_space<hbm>>
    %dma_start3A_15 = tpu.memref_squeeze %dma_start3A_14 : memref<1x125x80xi32, #tpu.memory_space<hbm>> -> memref<125x80xi32, #tpu.memory_space<hbm>>
    tpu.enqueue_dma source(%dma_start3A_15 : memref<125x80xi32, #tpu.memory_space<hbm>>) target(%arg7 : memref<125x80xi32, #tpu.memory_space<vmem>>) target_semaphore(%arg12 : memref<!tpu.dma_semaphore, #tpu.memory_space<semaphore_mem>>)
    %scan3A = arith.constant 0 : i32
    %scan3A_16 = arith.constant 80 : i32
    %scan3A_17 = arith.addi %scan3A, %scan3A_16 : i32
    %scan3A_18 = arith.constant 1 : i32
    scf.for %scan3A_609 = %scan3A to %scan3A_17 step %scan3A_18  : i32 {
      %mul3A_610 = arith.constant 1 : i32
      %mul3A_611 = arith.muli %scan3A_609, %mul3A_610 : i32
      %add3A_612 = arith.constant 0 : i32
      %add3A_613 = arith.addi %add3A_612, %mul3A_611 : i32
      %broadcast_in_dim3A = arith.constant 0.000000e+00 : f32
      %broadcast_in_dim3A_614 = vector.broadcast %broadcast_in_dim3A : f32 to vector<16xf32>
      %swap3A = arith.index_cast %add3A_613 : i32 to index
      %swap3A_615 = arith.constant 0 : index
      %swap3A_616 = tpu.vector_load %arg8[%swap3A, %swap3A_615] {strides = array<i32>} : memref<80x128xf32, #tpu.memory_space<vmem>>, vector<16xf32>,
      tpu.vector_store %arg8[%swap3A, %swap3A_615], %broadcast_in_dim3A_614 {strides = array<i32>} : memref<80x128xf32, #tpu.memory_space<vmem>>, vector<16xf32>,
      %broadcast_in_dim3A_617 = arith.constant 0.000000e+00 : f32
      %broadcast_in_dim3A_618 = vector.broadcast %broadcast_in_dim3A_617 : f32 to vector<16xf32>
      %swap3A_619 = arith.index_cast %add3A_613 : i32 to index
      %swap3A_620 = arith.constant 16 : index
      %swap3A_621 = tpu.vector_load %arg8[%swap3A_619, %swap3A_620] {strides = array<i32>} : memref<80x128xf32, #tpu.memory_space<vmem>>, vector<16xf32>,
      tpu.vector_store %arg8[%swap3A_619, %swap3A_620], %broadcast_in_dim3A_618 {strides = array<i32>} : memref<80x128xf32, #tpu.memory_space<vmem>>, vector<16xf32>,
      %broadcast_in_dim3A_622 = arith.constant 0.000000e+00 : f32
      %broadcast_in_dim3A_623 = vector.broadcast %broadcast_in_dim3A_622 : f32 to vector<16xf32>
      %swap3A_624 = arith.index_cast %add3A_613 : i32 to index
      %swap3A_625 = arith.constant 32 : index
      %swap3A_626 = tpu.vector_load %arg8[%swap3A_624, %swap3A_625] {strides = array<i32>} : memref<80x128xf32, #tpu.memory_space<vmem>>, vector<16xf32>,
      tpu.vector_store %arg8[%swap3A_624, %swap3A_625], %broadcast_in_dim3A_623 {strides = array<i32>} : memref<80x128xf32, #tpu.memory_space<vmem>>, vector<16xf32>,
      %broadcast_in_dim3A_627 = arith.constant 0.000000e+00 : f32
      %broadcast_in_dim3A_628 = vector.broadcast %broadcast_in_dim3A_627 : f32 to vector<16xf32>
      %swap3A_629 = arith.index_cast %add3A_613 : i32 to index
      %swap3A_630 = arith.constant 48 : index
      %swap3A_631 = tpu.vector_load %arg8[%swap3A_629, %swap3A_630] {strides = array<i32>} : memref<80x128xf32, #tpu.memory_space<vmem>>, vector<16xf32>,
      tpu.vector_store %arg8[%swap3A_629, %swap3A_630], %broadcast_in_dim3A_628 {strides = array<i32>} : memref<80x128xf32, #tpu.memory_space<vmem>>, vector<16xf32>,
      %broadcast_in_dim3A_632 = arith.constant 0.000000e+00 : f32
      %broadcast_in_dim3A_633 = vector.broadcast %broadcast_in_dim3A_632 : f32 to vector<16xf32>
      %swap3A_634 = arith.index_cast %add3A_613 : i32 to index
      %swap3A_635 = arith.constant 64 : index
      %swap3A_636 = tpu.vector_load %arg8[%swap3A_634, %swap3A_635] {strides = array<i32>} : memref<80x128xf32, #tpu.memory_space<vmem>>, vector<16xf32>,
      tpu.vector_store %arg8[%swap3A_634, %swap3A_635], %broadcast_in_dim3A_633 {strides = array<i32>} : memref<80x128xf32, #tpu.memory_space<vmem>>, vector<16xf32>,
      %broadcast_in_dim3A_637 = arith.constant 0.000000e+00 : f32
      %broadcast_in_dim3A_638 = vector.broadcast %broadcast_in_dim3A_637 : f32 to vector<16xf32>
      %swap3A_639 = arith.index_cast %add3A_613 : i32 to index
      %swap3A_640 = arith.constant 80 : index
      %swap3A_641 = tpu.vector_load %arg8[%swap3A_639, %swap3A_640] {strides = array<i32>} : memref<80x128xf32, #tpu.memory_space<vmem>>, vector<16xf32>,
      tpu.vector_store %arg8[%swap3A_639, %swap3A_640], %broadcast_in_dim3A_638 {strides = array<i32>} : memref<80x128xf32, #tpu.memory_space<vmem>>, vector<16xf32>,
      %broadcast_in_dim3A_642 = arith.constant 0.000000e+00 : f32
      %broadcast_in_dim3A_643 = vector.broadcast %broadcast_in_dim3A_642 : f32 to vector<16xf32>
      %swap3A_644 = arith.index_cast %add3A_613 : i32 to index
      %swap3A_645 = arith.constant 96 : index
      %swap3A_646 = tpu.vector_load %arg8[%swap3A_644, %swap3A_645] {strides = array<i32>} : memref<80x128xf32, #tpu.memory_space<vmem>>, vector<16xf32>,
      tpu.vector_store %arg8[%swap3A_644, %swap3A_645], %broadcast_in_dim3A_643 {strides = array<i32>} : memref<80x128xf32, #tpu.memory_space<vmem>>, vector<16xf32>,
      %broadcast_in_dim3A_647 = arith.constant 0.000000e+00 : f32
      %broadcast_in_dim3A_648 = vector.broadcast %broadcast_in_dim3A_647 : f32 to vector<16xf32>
      %swap3A_649 = arith.index_cast %add3A_613 : i32 to index
      %swap3A_650 = arith.constant 112 : index
      %swap3A_651 = tpu.vector_load %arg8[%swap3A_649, %swap3A_650] {strides = array<i32>} : memref<80x128xf32, #tpu.memory_space<vmem>>, vector<16xf32>,
      tpu.vector_store %arg8[%swap3A_649, %swap3A_650], %broadcast_in_dim3A_648 {strides = array<i32>} : memref<80x128xf32, #tpu.memory_space<vmem>>, vector<16xf32>,
    }
    %scan3A_19 = arith.constant 80 : i32
    %mul3A_20 = arith.constant 640 : i32
    %mul3A_21 = arith.muli %arg1, %mul3A_20 : i32
    %add3A_22 = arith.constant 0 : i32
    %add3A_23 = arith.addi %mul3A_21, %add3A_22 : i32
    %dma_start3A_24 = arith.constant 0 : i32
    %dma_start3A_25 = tpu.memref_slice %arg10[%add3A_23, %dma_start3A_24] : memref<10240x128xf32, #tpu.memory_space<vmem_shared>> -> memref<80x128xf32, #tpu.memory_space<vmem_shared>>
    %dma_start3A_26 = arith.constant 0 : i32
    %dma_start3A_27 = tpu.memref_slice %arg10[%add3A_23, %dma_start3A_26] : memref<10240x128xf32, #tpu.memory_space<vmem_shared>> -> memref<80x128xf32, #tpu.memory_space<vmem_shared>>
    tpu.enqueue_dma source(%arg8 : memref<80x128xf32, #tpu.memory_space<vmem>>) target(%dma_start3A_27 : memref<80x128xf32, #tpu.memory_space<vmem_shared>>) target_semaphore(%arg13 : memref<!tpu.dma_semaphore, #tpu.memory_space<semaphore_mem>>)
    %mul3A_28 = arith.constant 640 : i32
    %mul3A_29 = arith.muli %arg1, %mul3A_28 : i32
    %add3A_30 = arith.constant 80 : i32
    %add3A_31 = arith.addi %mul3A_29, %add3A_30 : i32
    %dma_start3A_32 = arith.constant 0 : i32
    %dma_start3A_33 = tpu.memref_slice %arg10[%add3A_31, %dma_start3A_32] : memref<10240x128xf32, #tpu.memory_space<vmem_shared>> -> memref<80x128xf32, #tpu.memory_space<vmem_shared>>
    %dma_start3A_34 = arith.constant 0 : i32
    %dma_start3A_35 = tpu.memref_slice %arg10[%add3A_31, %dma_start3A_34] : memref<10240x128xf32, #tpu.memory_space<vmem_shared>> -> memref<80x128xf32, #tpu.memory_space<vmem_shared>>
    tpu.enqueue_dma source(%arg8 : memref<80x128xf32, #tpu.memory_space<vmem>>) target(%dma_start3A_35 : memref<80x128xf32, #tpu.memory_space<vmem_shared>>) target_semaphore(%arg13 : memref<!tpu.dma_semaphore, #tpu.memory_space<semaphore_mem>>)
    %mul3A_36 = arith.constant 640 : i32
    %mul3A_37 = arith.muli %arg1, %mul3A_36 : i32
    %add3A_38 = arith.constant 160 : i32
    %add3A_39 = arith.addi %mul3A_37, %add3A_38 : i32
    %dma_start3A_40 = arith.constant 0 : i32
    %dma_start3A_41 = tpu.memref_slice %arg10[%add3A_39, %dma_start3A_40] : memref<10240x128xf32, #tpu.memory_space<vmem_shared>> -> memref<80x128xf32, #tpu.memory_space<vmem_shared>>
    %dma_start3A_42 = arith.constant 0 : i32
    %dma_start3A_43 = tpu.memref_slice %arg10[%add3A_39, %dma_start3A_42] : memref<10240x128xf32, #tpu.memory_space<vmem_shared>> -> memref<80x128xf32, #tpu.memory_space<vmem_shared>>
    tpu.enqueue_dma source(%arg8 : memref<80x128xf32, #tpu.memory_space<vmem>>) target(%dma_start3A_43 : memref<80x128xf32, #tpu.memory_space<vmem_shared>>) target_semaphore(%arg13 : memref<!tpu.dma_semaphore, #tpu.memory_space<semaphore_mem>>)
    %mul3A_44 = arith.constant 640 : i32
    %mul3A_45 = arith.muli %arg1, %mul3A_44 : i32
    %add3A_46 = arith.constant 240 : i32
    %add3A_47 = arith.addi %mul3A_45, %add3A_46 : i32
    %dma_start3A_48 = arith.constant 0 : i32
    %dma_start3A_49 = tpu.memref_slice %arg10[%add3A_47, %dma_start3A_48] : memref<10240x128xf32, #tpu.memory_space<vmem_shared>> -> memref<80x128xf32, #tpu.memory_space<vmem_shared>>
    %dma_start3A_50 = arith.constant 0 : i32
    %dma_start3A_51 = tpu.memref_slice %arg10[%add3A_47, %dma_start3A_50] : memref<10240x128xf32, #tpu.memory_space<vmem_shared>> -> memref<80x128xf32, #tpu.memory_space<vmem_shared>>
    tpu.enqueue_dma source(%arg8 : memref<80x128xf32, #tpu.memory_space<vmem>>) target(%dma_start3A_51 : memref<80x128xf32, #tpu.memory_space<vmem_shared>>) target_semaphore(%arg13 : memref<!tpu.dma_semaphore, #tpu.memory_space<semaphore_mem>>)
    %mul3A_52 = arith.constant 640 : i32
    %mul3A_53 = arith.muli %arg1, %mul3A_52 : i32
    %add3A_54 = arith.constant 320 : i32
    %add3A_55 = arith.addi %mul3A_53, %add3A_54 : i32
    %dma_start3A_56 = arith.constant 0 : i32
    %dma_start3A_57 = tpu.memref_slice %arg10[%add3A_55, %dma_start3A_56] : memref<10240x128xf32, #tpu.memory_space<vmem_shared>> -> memref<80x128xf32, #tpu.memory_space<vmem_shared>>
    %dma_start3A_58 = arith.constant 0 : i32
    %dma_start3A_59 = tpu.memref_slice %arg10[%add3A_55, %dma_start3A_58] : memref<10240x128xf32, #tpu.memory_space<vmem_shared>> -> memref<80x128xf32, #tpu.memory_space<vmem_shared>>
    tpu.enqueue_dma source(%arg8 : memref<80x128xf32, #tpu.memory_space<vmem>>) target(%dma_start3A_59 : memref<80x128xf32, #tpu.memory_space<vmem_shared>>) target_semaphore(%arg13 : memref<!tpu.dma_semaphore, #tpu.memory_space<semaphore_mem>>)
    %mul3A_60 = arith.constant 640 : i32
    %mul3A_61 = arith.muli %arg1, %mul3A_60 : i32
    %add3A_62 = arith.constant 400 : i32
    %add3A_63 = arith.addi %mul3A_61, %add3A_62 : i32
    %dma_start3A_64 = arith.constant 0 : i32
    %dma_start3A_65 = tpu.memref_slice %arg10[%add3A_63, %dma_start3A_64] : memref<10240x128xf32, #tpu.memory_space<vmem_shared>> -> memref<80x128xf32, #tpu.memory_space<vmem_shared>>
    %dma_start3A_66 = arith.constant 0 : i32
    %dma_start3A_67 = tpu.memref_slice %arg10[%add3A_63, %dma_start3A_66] : memref<10240x128xf32, #tpu.memory_space<vmem_shared>> -> memref<80x128xf32, #tpu.memory_space<vmem_shared>>
    tpu.enqueue_dma source(%arg8 : memref<80x128xf32, #tpu.memory_space<vmem>>) target(%dma_start3A_67 : memref<80x128xf32, #tpu.memory_space<vmem_shared>>) target_semaphore(%arg13 : memref<!tpu.dma_semaphore, #tpu.memory_space<semaphore_mem>>)
    %mul3A_68 = arith.constant 640 : i32
    %mul3A_69 = arith.muli %arg1, %mul3A_68 : i32
    %add3A_70 = arith.constant 480 : i32
    %add3A_71 = arith.addi %mul3A_69, %add3A_70 : i32
    %dma_start3A_72 = arith.constant 0 : i32
    %dma_start3A_73 = tpu.memref_slice %arg10[%add3A_71, %dma_start3A_72] : memref<10240x128xf32, #tpu.memory_space<vmem_shared>> -> memref<80x128xf32, #tpu.memory_space<vmem_shared>>
    %dma_start3A_74 = arith.constant 0 : i32
    %dma_start3A_75 = tpu.memref_slice %arg10[%add3A_71, %dma_start3A_74] : memref<10240x128xf32, #tpu.memory_space<vmem_shared>> -> memref<80x128xf32, #tpu.memory_space<vmem_shared>>
    tpu.enqueue_dma source(%arg8 : memref<80x128xf32, #tpu.memory_space<vmem>>) target(%dma_start3A_75 : memref<80x128xf32, #tpu.memory_space<vmem_shared>>) target_semaphore(%arg13 : memref<!tpu.dma_semaphore, #tpu.memory_space<semaphore_mem>>)
    %mul3A_76 = arith.constant 640 : i32
    %mul3A_77 = arith.muli %arg1, %mul3A_76 : i32
    %add3A_78 = arith.constant 560 : i32
    %add3A_79 = arith.addi %mul3A_77, %add3A_78 : i32
    %dma_start3A_80 = arith.constant 0 : i32
    %dma_start3A_81 = tpu.memref_slice %arg10[%add3A_79, %dma_start3A_80] : memref<10240x128xf32, #tpu.memory_space<vmem_shared>> -> memref<80x128xf32, #tpu.memory_space<vmem_shared>>
    %dma_start3A_82 = arith.constant 0 : i32
    %dma_start3A_83 = tpu.memref_slice %arg10[%add3A_79, %dma_start3A_82] : memref<10240x128xf32, #tpu.memory_space<vmem_shared>> -> memref<80x128xf32, #tpu.memory_space<vmem_shared>>
    tpu.enqueue_dma source(%arg8 : memref<80x128xf32, #tpu.memory_space<vmem>>) target(%dma_start3A_83 : memref<80x128xf32, #tpu.memory_space<vmem_shared>>) target_semaphore(%arg13 : memref<!tpu.dma_semaphore, #tpu.memory_space<semaphore_mem>>)
    %mul3A_84 = arith.constant 640 : i32
    %mul3A_85 = arith.muli %arg1, %mul3A_84 : i32
    %dma_wait3A = arith.constant 0 : i32
    %dma_wait3A_86 = tpu.memref_slice %arg10[%mul3A_85, %dma_wait3A] : memref<10240x128xf32, #tpu.memory_space<vmem_shared>> -> memref<80x128xf32, #tpu.memory_space<vmem_shared>>
    %dma_wait3A_87 = arith.constant 0 : i32
    %dma_wait3A_88 = tpu.memref_slice %arg10[%mul3A_85, %dma_wait3A_87] : memref<10240x128xf32, #tpu.memory_space<vmem_shared>> -> memref<80x128xf32, #tpu.memory_space<vmem_shared>>
    tpu.wait_dma2 semaphore(%arg13 : memref<!tpu.dma_semaphore, #tpu.memory_space<semaphore_mem>>) src(%arg8 : memref<80x128xf32, #tpu.memory_space<vmem>>) dst(%dma_wait3A_88 : memref<80x128xf32, #tpu.memory_space<vmem_shared>>)
    %mul3A_89 = arith.constant 640 : i32
    %mul3A_90 = arith.muli %arg1, %mul3A_89 : i32
    %dma_wait3A_91 = arith.constant 0 : i32
    %dma_wait3A_92 = tpu.memref_slice %arg10[%mul3A_90, %dma_wait3A_91] : memref<10240x128xf32, #tpu.memory_space<vmem_shared>> -> memref<80x128xf32, #tpu.memory_space<vmem_shared>>
    %dma_wait3A_93 = arith.constant 0 : i32
    %dma_wait3A_94 = tpu.memref_slice %arg10[%mul3A_90, %dma_wait3A_93] : memref<10240x128xf32, #tpu.memory_space<vmem_shared>> -> memref<80x128xf32, #tpu.memory_space<vmem_shared>>
    tpu.wait_dma2 semaphore(%arg13 : memref<!tpu.dma_semaphore, #tpu.memory_space<semaphore_mem>>) src(%arg8 : memref<80x128xf32, #tpu.memory_space<vmem>>) dst(%dma_wait3A_94 : memref<80x128xf32, #tpu.memory_space<vmem_shared>>)
    %mul3A_95 = arith.constant 640 : i32
    %mul3A_96 = arith.muli %arg1, %mul3A_95 : i32
    %dma_wait3A_97 = arith.constant 0 : i32
    %dma_wait3A_98 = tpu.memref_slice %arg10[%mul3A_96, %dma_wait3A_97] : memref<10240x128xf32, #tpu.memory_space<vmem_shared>> -> memref<80x128xf32, #tpu.memory_space<vmem_shared>>
    %dma_wait3A_99 = arith.constant 0 : i32
    %dma_wait3A_100 = tpu.memref_slice %arg10[%mul3A_96, %dma_wait3A_99] : memref<10240x128xf32, #tpu.memory_space<vmem_shared>> -> memref<80x128xf32, #tpu.memory_space<vmem_shared>>
    tpu.wait_dma2 semaphore(%arg13 : memref<!tpu.dma_semaphore, #tpu.memory_space<semaphore_mem>>) src(%arg8 : memref<80x128xf32, #tpu.memory_space<vmem>>) dst(%dma_wait3A_100 : memref<80x128xf32, #tpu.memory_space<vmem_shared>>)
    %mul3A_101 = arith.constant 640 : i32
    %mul3A_102 = arith.muli %arg1, %mul3A_101 : i32
    %dma_wait3A_103 = arith.constant 0 : i32
    %dma_wait3A_104 = tpu.memref_slice %arg10[%mul3A_102, %dma_wait3A_103] : memref<10240x128xf32, #tpu.memory_space<vmem_shared>> -> memref<80x128xf32, #tpu.memory_space<vmem_shared>>
    %dma_wait3A_105 = arith.constant 0 : i32
    %dma_wait3A_106 = tpu.memref_slice %arg10[%mul3A_102, %dma_wait3A_105] : memref<10240x128xf32, #tpu.memory_space<vmem_shared>> -> memref<80x128xf32, #tpu.memory_space<vmem_shared>>
    tpu.wait_dma2 semaphore(%arg13 : memref<!tpu.dma_semaphore, #tpu.memory_space<semaphore_mem>>) src(%arg8 : memref<80x128xf32, #tpu.memory_space<vmem>>) dst(%dma_wait3A_106 : memref<80x128xf32, #tpu.memory_space<vmem_shared>>)
    %mul3A_107 = arith.constant 640 : i32
    %mul3A_108 = arith.muli %arg1, %mul3A_107 : i32
    %dma_wait3A_109 = arith.constant 0 : i32
    %dma_wait3A_110 = tpu.memref_slice %arg10[%mul3A_108, %dma_wait3A_109] : memref<10240x128xf32, #tpu.memory_space<vmem_shared>> -> memref<80x128xf32, #tpu.memory_space<vmem_shared>>
    %dma_wait3A_111 = arith.constant 0 : i32
    %dma_wait3A_112 = tpu.memref_slice %arg10[%mul3A_108, %dma_wait3A_111] : memref<10240x128xf32, #tpu.memory_space<vmem_shared>> -> memref<80x128xf32, #tpu.memory_space<vmem_shared>>
    tpu.wait_dma2 semaphore(%arg13 : memref<!tpu.dma_semaphore, #tpu.memory_space<semaphore_mem>>) src(%arg8 : memref<80x128xf32, #tpu.memory_space<vmem>>) dst(%dma_wait3A_112 : memref<80x128xf32, #tpu.memory_space<vmem_shared>>)
    %mul3A_113 = arith.constant 640 : i32
    %mul3A_114 = arith.muli %arg1, %mul3A_113 : i32
    %dma_wait3A_115 = arith.constant 0 : i32
    %dma_wait3A_116 = tpu.memref_slice %arg10[%mul3A_114, %dma_wait3A_115] : memref<10240x128xf32, #tpu.memory_space<vmem_shared>> -> memref<80x128xf32, #tpu.memory_space<vmem_shared>>
    %dma_wait3A_117 = arith.constant 0 : i32
    %dma_wait3A_118 = tpu.memref_slice %arg10[%mul3A_114, %dma_wait3A_117] : memref<10240x128xf32, #tpu.memory_space<vmem_shared>> -> memref<80x128xf32, #tpu.memory_space<vmem_shared>>
    tpu.wait_dma2 semaphore(%arg13 : memref<!tpu.dma_semaphore, #tpu.memory_space<semaphore_mem>>) src(%arg8 : memref<80x128xf32, #tpu.memory_space<vmem>>) dst(%dma_wait3A_118 : memref<80x128xf32, #tpu.memory_space<vmem_shared>>)
    %mul3A_119 = arith.constant 640 : i32
    %mul3A_120 = arith.muli %arg1, %mul3A_119 : i32
    %dma_wait3A_121 = arith.constant 0 : i32
    %dma_wait3A_122 = tpu.memref_slice %arg10[%mul3A_120, %dma_wait3A_121] : memref<10240x128xf32, #tpu.memory_space<vmem_shared>> -> memref<80x128xf32, #tpu.memory_space<vmem_shared>>
    %dma_wait3A_123 = arith.constant 0 : i32
    %dma_wait3A_124 = tpu.memref_slice %arg10[%mul3A_120, %dma_wait3A_123] : memref<10240x128xf32, #tpu.memory_space<vmem_shared>> -> memref<80x128xf32, #tpu.memory_space<vmem_shared>>
    tpu.wait_dma2 semaphore(%arg13 : memref<!tpu.dma_semaphore, #tpu.memory_space<semaphore_mem>>) src(%arg8 : memref<80x128xf32, #tpu.memory_space<vmem>>) dst(%dma_wait3A_124 : memref<80x128xf32, #tpu.memory_space<vmem_shared>>)
    %mul3A_125 = arith.constant 640 : i32
    %mul3A_126 = arith.muli %arg1, %mul3A_125 : i32
    %dma_wait3A_127 = arith.constant 0 : i32
    %dma_wait3A_128 = tpu.memref_slice %arg10[%mul3A_126, %dma_wait3A_127] : memref<10240x128xf32, #tpu.memory_space<vmem_shared>> -> memref<80x128xf32, #tpu.memory_space<vmem_shared>>
    %dma_wait3A_129 = arith.constant 0 : i32
    %dma_wait3A_130 = tpu.memref_slice %arg10[%mul3A_126, %dma_wait3A_129] : memref<10240x128xf32, #tpu.memory_space<vmem_shared>> -> memref<80x128xf32, #tpu.memory_space<vmem_shared>>
    tpu.wait_dma2 semaphore(%arg13 : memref<!tpu.dma_semaphore, #tpu.memory_space<semaphore_mem>>) src(%arg8 : memref<80x128xf32, #tpu.memory_space<vmem>>) dst(%dma_wait3A_130 : memref<80x128xf32, #tpu.memory_space<vmem_shared>>)
    %dma_wait3A_131 = arith.constant 0 : i32
    %dma_wait3A_132 = arith.constant 0 : i32
    %dma_wait3A_133 = tpu.memref_slice %arg3[%add3A, %dma_wait3A_131, %dma_wait3A_132] : memref<32x125x80xi32, #tpu.memory_space<hbm>> -> memref<1x125x80xi32, #tpu.memory_space<hbm>>
    %dma_wait3A_134 = tpu.memref_squeeze %dma_wait3A_133 : memref<1x125x80xi32, #tpu.memory_space<hbm>> -> memref<125x80xi32, #tpu.memory_space<hbm>>
    %dma_wait3A_135 = arith.constant 0 : i32
    %dma_wait3A_136 = arith.constant 0 : i32
    %dma_wait3A_137 = tpu.memref_slice %arg3[%add3A, %dma_wait3A_135, %dma_wait3A_136] : memref<32x125x80xi32, #tpu.memory_space<hbm>> -> memref<1x125x80xi32, #tpu.memory_space<hbm>>
    %dma_wait3A_138 = tpu.memref_squeeze %dma_wait3A_137 : memref<1x125x80xi32, #tpu.memory_space<hbm>> -> memref<125x80xi32, #tpu.memory_space<hbm>>
    tpu.wait_dma2 semaphore(%arg11 : memref<!tpu.dma_semaphore, #tpu.memory_space<semaphore_mem>>) src(%dma_wait3A_138 : memref<125x80xi32, #tpu.memory_space<hbm>>) dst(%arg6 : memref<125x80xi32, #tpu.memory_space<vmem>>)
    %dma_wait3A_139 = arith.constant 0 : i32
    %dma_wait3A_140 = arith.constant 0 : i32
    %dma_wait3A_141 = tpu.memref_slice %arg4[%add3A, %dma_wait3A_139, %dma_wait3A_140] : memref<32x125x80xi32, #tpu.memory_space<hbm>> -> memref<1x125x80xi32, #tpu.memory_space<hbm>>
    %dma_wait3A_142 = tpu.memref_squeeze %dma_wait3A_141 : memref<1x125x80xi32, #tpu.memory_space<hbm>> -> memref<125x80xi32, #tpu.memory_space<hbm>>
    %dma_wait3A_143 = arith.constant 0 : i32
    %dma_wait3A_144 = arith.constant 0 : i32
    %dma_wait3A_145 = tpu.memref_slice %arg4[%add3A, %dma_wait3A_143, %dma_wait3A_144] : memref<32x125x80xi32, #tpu.memory_space<hbm>> -> memref<1x125x80xi32, #tpu.memory_space<hbm>>
    %dma_wait3A_146 = tpu.memref_squeeze %dma_wait3A_145 : memref<1x125x80xi32, #tpu.memory_space<hbm>> -> memref<125x80xi32, #tpu.memory_space<hbm>>
    tpu.wait_dma2 semaphore(%arg12 : memref<!tpu.dma_semaphore, #tpu.memory_space<semaphore_mem>>) src(%dma_wait3A_146 : memref<125x80xi32, #tpu.memory_space<hbm>>) dst(%arg7 : memref<125x80xi32, #tpu.memory_space<vmem>>)
    %barrier3A = arith.constant 0 : index
    tpu.barrier barrier_id(%barrier3A)
    %min3A = arith.constant 0 : i32
    %min3A_147 = arith.constant 124 : i32
    %min3A_148 = arith.minsi %min3A, %min3A_147 : i32
    %dma_start3A_149 = arith.constant 0 : i32
    %dma_start3A_150 = tpu.memref_slice %arg6[%min3A_148, %dma_start3A_149] : memref<125x80xi32, #tpu.memory_space<vmem>> -> memref<1x80xi32, #tpu.memory_space<vmem>>
    %dma_start3A_151 = tpu.memref_squeeze %dma_start3A_150 : memref<1x80xi32, #tpu.memory_space<vmem>> -> memref<80xi32, #tpu.memory_space<vmem>>
    %dma_start3A_152 = arith.constant 0 : i32
    %dma_start3A_153 = arith.constant 0 : i32
    %dma_start3A_154 = tpu.memref_slice %arg2[%dma_start3A_152, %dma_start3A_153] : memref<10240x128xf32, #tpu.memory_space<hbm>> -> memref<10240x128xf32, #tpu.memory_space<hbm>>
    tpu.enqueue_indirect_dma source(%dma_start3A_154 : memref<10240x128xf32, #tpu.memory_space<hbm>>) target(%arg8 : memref<80x128xf32, #tpu.memory_space<vmem>>) offsets(%dma_start3A_151 : memref<80xi32, #tpu.memory_space<vmem>>) semaphore(%arg11 : memref<!tpu.dma_semaphore, #tpu.memory_space<semaphore_mem>>)
    %scan3A_155 = arith.constant 0 : i32
    %scan3A_156 = arith.constant 63 : i32
    %scan3A_157 = arith.addi %scan3A_155, %scan3A_156 : i32
    %scan3A_158 = arith.constant 1 : i32
    scf.for %scan3A_609 = %scan3A_155 to %scan3A_157 step %scan3A_158  : i32 {
      %mul3A_610 = arith.constant 1 : i32
      %mul3A_611 = arith.muli %scan3A_609, %mul3A_610 : i32
      %add3A_612 = arith.constant 0 : i32
      %add3A_613 = arith.addi %add3A_612, %mul3A_611 : i32
      %mul3A_614 = arith.constant 2 : i32
      %mul3A_615 = arith.muli %mul3A_614, %add3A_613 : i32
      %add3A_616 = arith.constant 1 : i32
      %add3A_617 = arith.addi %mul3A_615, %add3A_616 : i32
      %gt3A = arith.constant 0 : i32
      %gt3A_618 = arith.cmpi sgt, %add3A_613, %gt3A : i32
      %convert_element_type3A = arith.extui %gt3A_618 : i1 to i32
      %cond3A = arith.constant 0 : i32
      %cond3A_619 = arith.cmpi ne, %convert_element_type3A, %cond3A : i32
      scf.if %cond3A_619 {
        %dma_wait3A_664 = arith.constant 0 : i32
        %dma_wait3A_665 = arith.constant 0 : i32
        %dma_wait3A_666 = tpu.memref_slice %arg7[%dma_wait3A_664, %dma_wait3A_665] : memref<125x80xi32, #tpu.memory_space<vmem>> -> memref<1x80xi32, #tpu.memory_space<vmem>>
        %dma_wait3A_667 = tpu.memref_squeeze %dma_wait3A_666 : memref<1x80xi32, #tpu.memory_space<vmem>> -> memref<80xi32, #tpu.memory_space<vmem>>
        %dma_wait3A_668 = arith.constant 0 : i32
        %dma_wait3A_669 = arith.constant 0 : i32
        %dma_wait3A_670 = tpu.memref_slice %arg10[%dma_wait3A_668, %dma_wait3A_669] : memref<10240x128xf32, #tpu.memory_space<vmem_shared>> -> memref<10240x128xf32, #tpu.memory_space<vmem_shared>>
        tpu.wait_indirect_dma semaphore(%arg14 : memref<!tpu.dma_semaphore, #tpu.memory_space<semaphore_mem>>) src(%arg9 : memref<80x128xf32, #tpu.memory_space<vmem>>) dst(%dma_wait3A_670 : memref<10240x128xf32, #tpu.memory_space<vmem_shared>>)
      } else {
      }
      %min3A_620 = arith.constant 124 : i32
      %min3A_621 = arith.minsi %add3A_617, %min3A_620 : i32
      %dma_start3A_622 = arith.constant 0 : i32
      %dma_start3A_623 = tpu.memref_slice %arg6[%min3A_621, %dma_start3A_622] : memref<125x80xi32, #tpu.memory_space<vmem>> -> memref<1x80xi32, #tpu.memory_space<vmem>>
      %dma_start3A_624 = tpu.memref_squeeze %dma_start3A_623 : memref<1x80xi32, #tpu.memory_space<vmem>> -> memref<80xi32, #tpu.memory_space<vmem>>
      %dma_start3A_625 = arith.constant 0 : i32
      %dma_start3A_626 = arith.constant 0 : i32
      %dma_start3A_627 = tpu.memref_slice %arg2[%dma_start3A_625, %dma_start3A_626] : memref<10240x128xf32, #tpu.memory_space<hbm>> -> memref<10240x128xf32, #tpu.memory_space<hbm>>
      tpu.enqueue_indirect_dma source(%dma_start3A_627 : memref<10240x128xf32, #tpu.memory_space<hbm>>) target(%arg9 : memref<80x128xf32, #tpu.memory_space<vmem>>) offsets(%dma_start3A_624 : memref<80xi32, #tpu.memory_space<vmem>>) semaphore(%arg12 : memref<!tpu.dma_semaphore, #tpu.memory_space<semaphore_mem>>)
      %dma_wait3A_628 = arith.constant 0 : i32
      %dma_wait3A_629 = arith.constant 0 : i32
      %dma_wait3A_630 = tpu.memref_slice %arg6[%dma_wait3A_628, %dma_wait3A_629] : memref<125x80xi32, #tpu.memory_space<vmem>> -> memref<1x80xi32, #tpu.memory_space<vmem>>
      %dma_wait3A_631 = tpu.memref_squeeze %dma_wait3A_630 : memref<1x80xi32, #tpu.memory_space<vmem>> -> memref<80xi32, #tpu.memory_space<vmem>>
      %dma_wait3A_632 = arith.constant 0 : i32
      %dma_wait3A_633 = arith.constant 0 : i32
      %dma_wait3A_634 = tpu.memref_slice %arg2[%dma_wait3A_632, %dma_wait3A_633] : memref<10240x128xf32, #tpu.memory_space<hbm>> -> memref<10240x128xf32, #tpu.memory_space<hbm>>
      tpu.wait_indirect_dma semaphore(%arg11 : memref<!tpu.dma_semaphore, #tpu.memory_space<semaphore_mem>>) src(%dma_wait3A_634 : memref<10240x128xf32, #tpu.memory_space<hbm>>) dst(%arg8 : memref<80x128xf32, #tpu.memory_space<vmem>>)
      %dma_start3A_635 = arith.constant 0 : i32
      %dma_start3A_636 = tpu.memref_slice %arg7[%mul3A_615, %dma_start3A_635] : memref<125x80xi32, #tpu.memory_space<vmem>> -> memref<1x80xi32, #tpu.memory_space<vmem>>
      %dma_start3A_637 = tpu.memref_squeeze %dma_start3A_636 : memref<1x80xi32, #tpu.memory_space<vmem>> -> memref<80xi32, #tpu.memory_space<vmem>>
      %dma_start3A_638 = arith.constant 0 : i32
      %dma_start3A_639 = arith.constant 0 : i32
      %dma_start3A_640 = tpu.memref_slice %arg10[%dma_start3A_638, %dma_start3A_639] : memref<10240x128xf32, #tpu.memory_space<vmem_shared>> -> memref<10240x128xf32, #tpu.memory_space<vmem_shared>>
      tpu.enqueue_indirect_dma source(%arg8 : memref<80x128xf32, #tpu.memory_space<vmem>>) target(%dma_start3A_640 : memref<10240x128xf32, #tpu.memory_space<vmem_shared>>) offsets(%dma_start3A_637 : memref<80xi32, #tpu.memory_space<vmem>>) semaphore(%arg13 : memref<!tpu.dma_semaphore, #tpu.memory_space<semaphore_mem>>) {add = true}
      %dma_wait3A_641 = arith.constant 0 : i32
      %dma_wait3A_642 = arith.constant 0 : i32
      %dma_wait3A_643 = tpu.memref_slice %arg7[%dma_wait3A_641, %dma_wait3A_642] : memref<125x80xi32, #tpu.memory_space<vmem>> -> memref<1x80xi32, #tpu.memory_space<vmem>>
      %dma_wait3A_644 = tpu.memref_squeeze %dma_wait3A_643 : memref<1x80xi32, #tpu.memory_space<vmem>> -> memref<80xi32, #tpu.memory_space<vmem>>
      %dma_wait3A_645 = arith.constant 0 : i32
      %dma_wait3A_646 = arith.constant 0 : i32
      %dma_wait3A_647 = tpu.memref_slice %arg10[%dma_wait3A_645, %dma_wait3A_646] : memref<10240x128xf32, #tpu.memory_space<vmem_shared>> -> memref<10240x128xf32, #tpu.memory_space<vmem_shared>>
      tpu.wait_indirect_dma semaphore(%arg13 : memref<!tpu.dma_semaphore, #tpu.memory_space<semaphore_mem>>) src(%arg8 : memref<80x128xf32, #tpu.memory_space<vmem>>) dst(%dma_wait3A_647 : memref<10240x128xf32, #tpu.memory_space<vmem_shared>>)
      %lt3A = arith.constant 62 : i32
      %lt3A_648 = arith.cmpi slt, %add3A_613, %lt3A : i32
      %convert_element_type3A_649 = arith.extui %lt3A_648 : i1 to i32
      %cond3A_650 = arith.constant 0 : i32
      %cond3A_651 = arith.cmpi ne, %convert_element_type3A_649, %cond3A_650 : i32
      scf.if %cond3A_651 {
        %add3A_664 = arith.constant 2 : i32
        %add3A_665 = arith.addi %mul3A_615, %add3A_664 : i32
        %min3A_666 = arith.constant 124 : i32
        %min3A_667 = arith.minsi %add3A_665, %min3A_666 : i32
        %dma_start3A_668 = arith.constant 0 : i32
        %dma_start3A_669 = tpu.memref_slice %arg6[%min3A_667, %dma_start3A_668] : memref<125x80xi32, #tpu.memory_space<vmem>> -> memref<1x80xi32, #tpu.memory_space<vmem>>
        %dma_start3A_670 = tpu.memref_squeeze %dma_start3A_669 : memref<1x80xi32, #tpu.memory_space<vmem>> -> memref<80xi32, #tpu.memory_space<vmem>>
        %dma_start3A_671 = arith.constant 0 : i32
        %dma_start3A_672 = arith.constant 0 : i32
        %dma_start3A_673 = tpu.memref_slice %arg2[%dma_start3A_671, %dma_start3A_672] : memref<10240x128xf32, #tpu.memory_space<hbm>> -> memref<10240x128xf32, #tpu.memory_space<hbm>>
        tpu.enqueue_indirect_dma source(%dma_start3A_673 : memref<10240x128xf32, #tpu.memory_space<hbm>>) target(%arg8 : memref<80x128xf32, #tpu.memory_space<vmem>>) offsets(%dma_start3A_670 : memref<80xi32, #tpu.memory_space<vmem>>) semaphore(%arg11 : memref<!tpu.dma_semaphore, #tpu.memory_space<semaphore_mem>>)
      } else {
      }
      %dma_wait3A_652 = arith.constant 0 : i32
      %dma_wait3A_653 = arith.constant 0 : i32
      %dma_wait3A_654 = tpu.memref_slice %arg6[%dma_wait3A_652, %dma_wait3A_653] : memref<125x80xi32, #tpu.memory_space<vmem>> -> memref<1x80xi32, #tpu.memory_space<vmem>>
      %dma_wait3A_655 = tpu.memref_squeeze %dma_wait3A_654 : memref<1x80xi32, #tpu.memory_space<vmem>> -> memref<80xi32, #tpu.memory_space<vmem>>
      %dma_wait3A_656 = arith.constant 0 : i32
      %dma_wait3A_657 = arith.constant 0 : i32
      %dma_wait3A_658 = tpu.memref_slice %arg2[%dma_wait3A_656, %dma_wait3A_657] : memref<10240x128xf32, #tpu.memory_space<hbm>> -> memref<10240x128xf32, #tpu.memory_space<hbm>>
      tpu.wait_indirect_dma semaphore(%arg12 : memref<!tpu.dma_semaphore, #tpu.memory_space<semaphore_mem>>) src(%dma_wait3A_658 : memref<10240x128xf32, #tpu.memory_space<hbm>>) dst(%arg9 : memref<80x128xf32, #tpu.memory_space<vmem>>)
      %lt3A_659 = arith.constant 125 : i32
      %lt3A_660 = arith.cmpi slt, %add3A_617, %lt3A_659 : i32
      %convert_element_type3A_661 = arith.extui %lt3A_660 : i1 to i32
      %cond3A_662 = arith.constant 0 : i32
      %cond3A_663 = arith.cmpi ne, %convert_element_type3A_661, %cond3A_662 : i32
      scf.if %cond3A_663 {
        %dma_start3A_664 = arith.constant 0 : i32
        %dma_start3A_665 = tpu.memref_slice %arg7[%add3A_617, %dma_start3A_664] : memref<125x80xi32, #tpu.memory_space<vmem>> -> memref<1x80xi32, #tpu.memory_space<vmem>>
        %dma_start3A_666 = tpu.memref_squeeze %dma_start3A_665 : memref<1x80xi32, #tpu.memory_space<vmem>> -> memref<80xi32, #tpu.memory_space<vmem>>
        %dma_start3A_667 = arith.constant 0 : i32
        %dma_start3A_668 = arith.constant 0 : i32
        %dma_start3A_669 = tpu.memref_slice %arg10[%dma_start3A_667, %dma_start3A_668] : memref<10240x128xf32, #tpu.memory_space<vmem_shared>> -> memref<10240x128xf32, #tpu.memory_space<vmem_shared>>
        tpu.enqueue_indirect_dma source(%arg9 : memref<80x128xf32, #tpu.memory_space<vmem>>) target(%dma_start3A_669 : memref<10240x128xf32, #tpu.memory_space<vmem_shared>>) offsets(%dma_start3A_666 : memref<80xi32, #tpu.memory_space<vmem>>) semaphore(%arg14 : memref<!tpu.dma_semaphore, #tpu.memory_space<semaphore_mem>>) {add = true}
      } else {
      }
    }
    %scan3A_159 = arith.constant 63 : i32
    %barrier3A_160 = arith.constant 0 : index
    tpu.barrier barrier_id(%barrier3A_160)
    %mul3A_161 = arith.constant 640 : i32
    %mul3A_162 = arith.muli %arg1, %mul3A_161 : i32
    %add3A_163 = arith.constant 0 : i32
    %add3A_164 = arith.addi %mul3A_162, %add3A_163 : i32
    %dma_start3A_165 = arith.constant 0 : i32
    %dma_start3A_166 = arith.constant 0 : i32
    %dma_start3A_167 = tpu.memref_slice %arg8[%dma_start3A_165, %dma_start3A_166] : memref<80x128xf32, #tpu.memory_space<vmem>> -> memref<80x128xf32, #tpu.memory_space<vmem>>
    %dma_start3A_168 = arith.constant 0 : i32
    %dma_start3A_169 = tpu.memref_slice %arg10[%add3A_164, %dma_start3A_168] : memref<10240x128xf32, #tpu.memory_space<vmem_shared>> -> memref<80x128xf32, #tpu.memory_space<vmem_shared>>
    %dma_start3A_170 = arith.constant 0 : i32
    %dma_start3A_171 = arith.constant 0 : i32
    %dma_start3A_172 = tpu.memref_slice %arg8[%dma_start3A_170, %dma_start3A_171] : memref<80x128xf32, #tpu.memory_space<vmem>> -> memref<80x128xf32, #tpu.memory_space<vmem>>
    %dma_start3A_173 = arith.constant 0 : i32
    %dma_start3A_174 = tpu.memref_slice %arg10[%add3A_164, %dma_start3A_173] : memref<10240x128xf32, #tpu.memory_space<vmem_shared>> -> memref<80x128xf32, #tpu.memory_space<vmem_shared>>
    tpu.enqueue_dma source(%dma_start3A_174 : memref<80x128xf32, #tpu.memory_space<vmem_shared>>) target(%dma_start3A_172 : memref<80x128xf32, #tpu.memory_space<vmem>>) target_semaphore(%arg11 : memref<!tpu.dma_semaphore, #tpu.memory_space<semaphore_mem>>)
    %mul3A_175 = arith.constant 640 : i32
    %mul3A_176 = arith.muli %arg1, %mul3A_175 : i32
    %dma_wait3A_177 = arith.constant 0 : i32
    %dma_wait3A_178 = arith.constant 0 : i32
    %dma_wait3A_179 = tpu.memref_slice %arg8[%dma_wait3A_177, %dma_wait3A_178] : memref<80x128xf32, #tpu.memory_space<vmem>> -> memref<80x128xf32, #tpu.memory_space<vmem>>
    %dma_wait3A_180 = arith.constant 0 : i32
    %dma_wait3A_181 = tpu.memref_slice %arg10[%mul3A_176, %dma_wait3A_180] : memref<10240x128xf32, #tpu.memory_space<vmem_shared>> -> memref<80x128xf32, #tpu.memory_space<vmem_shared>>
    %dma_wait3A_182 = arith.constant 0 : i32
    %dma_wait3A_183 = arith.constant 0 : i32
    %dma_wait3A_184 = tpu.memref_slice %arg8[%dma_wait3A_182, %dma_wait3A_183] : memref<80x128xf32, #tpu.memory_space<vmem>> -> memref<80x128xf32, #tpu.memory_space<vmem>>
    %dma_wait3A_185 = arith.constant 0 : i32
    %dma_wait3A_186 = tpu.memref_slice %arg10[%mul3A_176, %dma_wait3A_185] : memref<10240x128xf32, #tpu.memory_space<vmem_shared>> -> memref<80x128xf32, #tpu.memory_space<vmem_shared>>
    tpu.wait_dma2 semaphore(%arg11 : memref<!tpu.dma_semaphore, #tpu.memory_space<semaphore_mem>>) src(%dma_wait3A_186 : memref<80x128xf32, #tpu.memory_space<vmem_shared>>) dst(%dma_wait3A_184 : memref<80x128xf32, #tpu.memory_space<vmem>>)
    %mul3A_187 = arith.constant 640 : i32
    %mul3A_188 = arith.muli %arg1, %mul3A_187 : i32
    %add3A_189 = arith.constant 0 : i32
    %add3A_190 = arith.addi %mul3A_188, %add3A_189 : i32
    %dma_start3A_191 = arith.constant 0 : i32
    %dma_start3A_192 = arith.constant 0 : i32
    %dma_start3A_193 = tpu.memref_slice %arg8[%dma_start3A_191, %dma_start3A_192] : memref<80x128xf32, #tpu.memory_space<vmem>> -> memref<80x128xf32, #tpu.memory_space<vmem>>
    %dma_start3A_194 = arith.constant 0 : i32
    %dma_start3A_195 = tpu.memref_slice %arg5[%arg0, %add3A_190, %dma_start3A_194] : memref<2x10240x128xf32, #tpu.memory_space<hbm>> -> memref<1x80x128xf32, #tpu.memory_space<hbm>>
    %dma_start3A_196 = tpu.memref_squeeze %dma_start3A_195 : memref<1x80x128xf32, #tpu.memory_space<hbm>> -> memref<80x128xf32, #tpu.memory_space<hbm>>
    %dma_start3A_197 = arith.constant 0 : i32
    %dma_start3A_198 = tpu.memref_slice %arg5[%arg0, %add3A_190, %dma_start3A_197] : memref<2x10240x128xf32, #tpu.memory_space<hbm>> -> memref<1x80x128xf32, #tpu.memory_space<hbm>>
    %dma_start3A_199 = tpu.memref_squeeze %dma_start3A_198 : memref<1x80x128xf32, #tpu.memory_space<hbm>> -> memref<80x128xf32, #tpu.memory_space<hbm>>
    %dma_start3A_200 = arith.constant 0 : i32
    %dma_start3A_201 = arith.constant 0 : i32
    %dma_start3A_202 = tpu.memref_slice %arg8[%dma_start3A_200, %dma_start3A_201] : memref<80x128xf32, #tpu.memory_space<vmem>> -> memref<80x128xf32, #tpu.memory_space<vmem>>
    tpu.enqueue_dma source(%dma_start3A_202 : memref<80x128xf32, #tpu.memory_space<vmem>>) target(%dma_start3A_199 : memref<80x128xf32, #tpu.memory_space<hbm>>) target_semaphore(%arg13 : memref<!tpu.dma_semaphore, #tpu.memory_space<semaphore_mem>>)
    %mul3A_203 = arith.constant 640 : i32
    %mul3A_204 = arith.muli %arg1, %mul3A_203 : i32
    %add3A_205 = arith.constant 80 : i32
    %add3A_206 = arith.addi %mul3A_204, %add3A_205 : i32
    %dma_start3A_207 = arith.constant 0 : i32
    %dma_start3A_208 = arith.constant 0 : i32
    %dma_start3A_209 = tpu.memref_slice %arg9[%dma_start3A_207, %dma_start3A_208] : memref<80x128xf32, #tpu.memory_space<vmem>> -> memref<80x128xf32, #tpu.memory_space<vmem>>
    %dma_start3A_210 = arith.constant 0 : i32
    %dma_start3A_211 = tpu.memref_slice %arg10[%add3A_206, %dma_start3A_210] : memref<10240x128xf32, #tpu.memory_space<vmem_shared>> -> memref<80x128xf32, #tpu.memory_space<vmem_shared>>
    %dma_start3A_212 = arith.constant 0 : i32
    %dma_start3A_213 = arith.constant 0 : i32
    %dma_start3A_214 = tpu.memref_slice %arg9[%dma_start3A_212, %dma_start3A_213] : memref<80x128xf32, #tpu.memory_space<vmem>> -> memref<80x128xf32, #tpu.memory_space<vmem>>
    %dma_start3A_215 = arith.constant 0 : i32
    %dma_start3A_216 = tpu.memref_slice %arg10[%add3A_206, %dma_start3A_215] : memref<10240x128xf32, #tpu.memory_space<vmem_shared>> -> memref<80x128xf32, #tpu.memory_space<vmem_shared>>
    tpu.enqueue_dma source(%dma_start3A_216 : memref<80x128xf32, #tpu.memory_space<vmem_shared>>) target(%dma_start3A_214 : memref<80x128xf32, #tpu.memory_space<vmem>>) target_semaphore(%arg12 : memref<!tpu.dma_semaphore, #tpu.memory_space<semaphore_mem>>)
    %mul3A_217 = arith.constant 640 : i32
    %mul3A_218 = arith.muli %arg1, %mul3A_217 : i32
    %dma_wait3A_219 = arith.constant 0 : i32
    %dma_wait3A_220 = arith.constant 0 : i32
    %dma_wait3A_221 = tpu.memref_slice %arg9[%dma_wait3A_219, %dma_wait3A_220] : memref<80x128xf32, #tpu.memory_space<vmem>> -> memref<80x128xf32, #tpu.memory_space<vmem>>
    %dma_wait3A_222 = arith.constant 0 : i32
    %dma_wait3A_223 = tpu.memref_slice %arg10[%mul3A_218, %dma_wait3A_222] : memref<10240x128xf32, #tpu.memory_space<vmem_shared>> -> memref<80x128xf32, #tpu.memory_space<vmem_shared>>
    %dma_wait3A_224 = arith.constant 0 : i32
    %dma_wait3A_225 = arith.constant 0 : i32
    %dma_wait3A_226 = tpu.memref_slice %arg9[%dma_wait3A_224, %dma_wait3A_225] : memref<80x128xf32, #tpu.memory_space<vmem>> -> memref<80x128xf32, #tpu.memory_space<vmem>>
    %dma_wait3A_227 = arith.constant 0 : i32
    %dma_wait3A_228 = tpu.memref_slice %arg10[%mul3A_218, %dma_wait3A_227] : memref<10240x128xf32, #tpu.memory_space<vmem_shared>> -> memref<80x128xf32, #tpu.memory_space<vmem_shared>>
    tpu.wait_dma2 semaphore(%arg12 : memref<!tpu.dma_semaphore, #tpu.memory_space<semaphore_mem>>) src(%dma_wait3A_228 : memref<80x128xf32, #tpu.memory_space<vmem_shared>>) dst(%dma_wait3A_226 : memref<80x128xf32, #tpu.memory_space<vmem>>)
    %mul3A_229 = arith.constant 640 : i32
    %mul3A_230 = arith.muli %arg1, %mul3A_229 : i32
    %add3A_231 = arith.constant 80 : i32
    %add3A_232 = arith.addi %mul3A_230, %add3A_231 : i32
    %dma_start3A_233 = arith.constant 0 : i32
    %dma_start3A_234 = arith.constant 0 : i32
    %dma_start3A_235 = tpu.memref_slice %arg9[%dma_start3A_233, %dma_start3A_234] : memref<80x128xf32, #tpu.memory_space<vmem>> -> memref<80x128xf32, #tpu.memory_space<vmem>>
    %dma_start3A_236 = arith.constant 0 : i32
    %dma_start3A_237 = tpu.memref_slice %arg5[%arg0, %add3A_232, %dma_start3A_236] : memref<2x10240x128xf32, #tpu.memory_space<hbm>> -> memref<1x80x128xf32, #tpu.memory_space<hbm>>
    %dma_start3A_238 = tpu.memref_squeeze %dma_start3A_237 : memref<1x80x128xf32, #tpu.memory_space<hbm>> -> memref<80x128xf32, #tpu.memory_space<hbm>>
    %dma_start3A_239 = arith.constant 0 : i32
    %dma_start3A_240 = tpu.memref_slice %arg5[%arg0, %add3A_232, %dma_start3A_239] : memref<2x10240x128xf32, #tpu.memory_space<hbm>> -> memref<1x80x128xf32, #tpu.memory_space<hbm>>
    %dma_start3A_241 = tpu.memref_squeeze %dma_start3A_240 : memref<1x80x128xf32, #tpu.memory_space<hbm>> -> memref<80x128xf32, #tpu.memory_space<hbm>>
    %dma_start3A_242 = arith.constant 0 : i32
    %dma_start3A_243 = arith.constant 0 : i32
    %dma_start3A_244 = tpu.memref_slice %arg9[%dma_start3A_242, %dma_start3A_243] : memref<80x128xf32, #tpu.memory_space<vmem>> -> memref<80x128xf32, #tpu.memory_space<vmem>>
    tpu.enqueue_dma source(%dma_start3A_244 : memref<80x128xf32, #tpu.memory_space<vmem>>) target(%dma_start3A_241 : memref<80x128xf32, #tpu.memory_space<hbm>>) target_semaphore(%arg14 : memref<!tpu.dma_semaphore, #tpu.memory_space<semaphore_mem>>)
    %mul3A_245 = arith.constant 640 : i32
    %mul3A_246 = arith.muli %arg1, %mul3A_245 : i32
    %dma_wait3A_247 = arith.constant 0 : i32
    %dma_wait3A_248 = arith.constant 0 : i32
    %dma_wait3A_249 = tpu.memref_slice %arg8[%dma_wait3A_247, %dma_wait3A_248] : memref<80x128xf32, #tpu.memory_space<vmem>> -> memref<80x128xf32, #tpu.memory_space<vmem>>
    %dma_wait3A_250 = arith.constant 0 : i32
    %dma_wait3A_251 = tpu.memref_slice %arg5[%arg0, %mul3A_246, %dma_wait3A_250] : memref<2x10240x128xf32, #tpu.memory_space<hbm>> -> memref<1x80x128xf32, #tpu.memory_space<hbm>>
    %dma_wait3A_252 = tpu.memref_squeeze %dma_wait3A_251 : memref<1x80x128xf32, #tpu.memory_space<hbm>> -> memref<80x128xf32, #tpu.memory_space<hbm>>
    %dma_wait3A_253 = arith.constant 0 : i32
    %dma_wait3A_254 = tpu.memref_slice %arg5[%arg0, %mul3A_246, %dma_wait3A_253] : memref<2x10240x128xf32, #tpu.memory_space<hbm>> -> memref<1x80x128xf32, #tpu.memory_space<hbm>>
    %dma_wait3A_255 = tpu.memref_squeeze %dma_wait3A_254 : memref<1x80x128xf32, #tpu.memory_space<hbm>> -> memref<80x128xf32, #tpu.memory_space<hbm>>
    %dma_wait3A_256 = arith.constant 0 : i32
    %dma_wait3A_257 = arith.constant 0 : i32
    %dma_wait3A_258 = tpu.memref_slice %arg8[%dma_wait3A_256, %dma_wait3A_257] : memref<80x128xf32, #tpu.memory_space<vmem>> -> memref<80x128xf32, #tpu.memory_space<vmem>>
    tpu.wait_dma2 semaphore(%arg13 : memref<!tpu.dma_semaphore, #tpu.memory_space<semaphore_mem>>) src(%dma_wait3A_258 : memref<80x128xf32, #tpu.memory_space<vmem>>) dst(%dma_wait3A_255 : memref<80x128xf32, #tpu.memory_space<hbm>>)
    %mul3A_259 = arith.constant 640 : i32
    %mul3A_260 = arith.muli %arg1, %mul3A_259 : i32
    %add3A_261 = arith.constant 160 : i32
    %add3A_262 = arith.addi %mul3A_260, %add3A_261 : i32
    %dma_start3A_263 = arith.constant 0 : i32
    %dma_start3A_264 = arith.constant 0 : i32
    %dma_start3A_265 = tpu.memref_slice %arg8[%dma_start3A_263, %dma_start3A_264] : memref<80x128xf32, #tpu.memory_space<vmem>> -> memref<80x128xf32, #tpu.memory_space<vmem>>
    %dma_start3A_266 = arith.constant 0 : i32
    %dma_start3A_267 = tpu.memref_slice %arg10[%add3A_262, %dma_start3A_266] : memref<10240x128xf32, #tpu.memory_space<vmem_shared>> -> memref<80x128xf32, #tpu.memory_space<vmem_shared>>
    %dma_start3A_268 = arith.constant 0 : i32
    %dma_start3A_269 = arith.constant 0 : i32
    %dma_start3A_270 = tpu.memref_slice %arg8[%dma_start3A_268, %dma_start3A_269] : memref<80x128xf32, #tpu.memory_space<vmem>> -> memref<80x128xf32, #tpu.memory_space<vmem>>
    %dma_start3A_271 = arith.constant 0 : i32
    %dma_start3A_272 = tpu.memref_slice %arg10[%add3A_262, %dma_start3A_271] : memref<10240x128xf32, #tpu.memory_space<vmem_shared>> -> memref<80x128xf32, #tpu.memory_space<vmem_shared>>
    tpu.enqueue_dma source(%dma_start3A_272 : memref<80x128xf32, #tpu.memory_space<vmem_shared>>) target(%dma_start3A_270 : memref<80x128xf32, #tpu.memory_space<vmem>>) target_semaphore(%arg11 : memref<!tpu.dma_semaphore, #tpu.memory_space<semaphore_mem>>)
    %mul3A_273 = arith.constant 640 : i32
    %mul3A_274 = arith.muli %arg1, %mul3A_273 : i32
    %dma_wait3A_275 = arith.constant 0 : i32
    %dma_wait3A_276 = arith.constant 0 : i32
    %dma_wait3A_277 = tpu.memref_slice %arg8[%dma_wait3A_275, %dma_wait3A_276] : memref<80x128xf32, #tpu.memory_space<vmem>> -> memref<80x128xf32, #tpu.memory_space<vmem>>
    %dma_wait3A_278 = arith.constant 0 : i32
    %dma_wait3A_279 = tpu.memref_slice %arg10[%mul3A_274, %dma_wait3A_278] : memref<10240x128xf32, #tpu.memory_space<vmem_shared>> -> memref<80x128xf32, #tpu.memory_space<vmem_shared>>
    %dma_wait3A_280 = arith.constant 0 : i32
    %dma_wait3A_281 = arith.constant 0 : i32
    %dma_wait3A_282 = tpu.memref_slice %arg8[%dma_wait3A_280, %dma_wait3A_281] : memref<80x128xf32, #tpu.memory_space<vmem>> -> memref<80x128xf32, #tpu.memory_space<vmem>>
    %dma_wait3A_283 = arith.constant 0 : i32
    %dma_wait3A_284 = tpu.memref_slice %arg10[%mul3A_274, %dma_wait3A_283] : memref<10240x128xf32, #tpu.memory_space<vmem_shared>> -> memref<80x128xf32, #tpu.memory_space<vmem_shared>>
    tpu.wait_dma2 semaphore(%arg11 : memref<!tpu.dma_semaphore, #tpu.memory_space<semaphore_mem>>) src(%dma_wait3A_284 : memref<80x128xf32, #tpu.memory_space<vmem_shared>>) dst(%dma_wait3A_282 : memref<80x128xf32, #tpu.memory_space<vmem>>)
    %mul3A_285 = arith.constant 640 : i32
    %mul3A_286 = arith.muli %arg1, %mul3A_285 : i32
    %add3A_287 = arith.constant 160 : i32
    %add3A_288 = arith.addi %mul3A_286, %add3A_287 : i32
    %dma_start3A_289 = arith.constant 0 : i32
    %dma_start3A_290 = arith.constant 0 : i32
    %dma_start3A_291 = tpu.memref_slice %arg8[%dma_start3A_289, %dma_start3A_290] : memref<80x128xf32, #tpu.memory_space<vmem>> -> memref<80x128xf32, #tpu.memory_space<vmem>>
    %dma_start3A_292 = arith.constant 0 : i32
    %dma_start3A_293 = tpu.memref_slice %arg5[%arg0, %add3A_288, %dma_start3A_292] : memref<2x10240x128xf32, #tpu.memory_space<hbm>> -> memref<1x80x128xf32, #tpu.memory_space<hbm>>
    %dma_start3A_294 = tpu.memref_squeeze %dma_start3A_293 : memref<1x80x128xf32, #tpu.memory_space<hbm>> -> memref<80x128xf32, #tpu.memory_space<hbm>>
    %dma_start3A_295 = arith.constant 0 : i32
    %dma_start3A_296 = tpu.memref_slice %arg5[%arg0, %add3A_288, %dma_start3A_295] : memref<2x10240x128xf32, #tpu.memory_space<hbm>> -> memref<1x80x128xf32, #tpu.memory_space<hbm>>
    %dma_start3A_297 = tpu.memref_squeeze %dma_start3A_296 : memref<1x80x128xf32, #tpu.memory_space<hbm>> -> memref<80x128xf32, #tpu.memory_space<hbm>>
    %dma_start3A_298 = arith.constant 0 : i32
    %dma_start3A_299 = arith.constant 0 : i32
    %dma_start3A_300 = tpu.memref_slice %arg8[%dma_start3A_298, %dma_start3A_299] : memref<80x128xf32, #tpu.memory_space<vmem>> -> memref<80x128xf32, #tpu.memory_space<vmem>>
    tpu.enqueue_dma source(%dma_start3A_300 : memref<80x128xf32, #tpu.memory_space<vmem>>) target(%dma_start3A_297 : memref<80x128xf32, #tpu.memory_space<hbm>>) target_semaphore(%arg13 : memref<!tpu.dma_semaphore, #tpu.memory_space<semaphore_mem>>)
    %mul3A_301 = arith.constant 640 : i32
    %mul3A_302 = arith.muli %arg1, %mul3A_301 : i32
    %dma_wait3A_303 = arith.constant 0 : i32
    %dma_wait3A_304 = arith.constant 0 : i32
    %dma_wait3A_305 = tpu.memref_slice %arg9[%dma_wait3A_303, %dma_wait3A_304] : memref<80x128xf32, #tpu.memory_space<vmem>> -> memref<80x128xf32, #tpu.memory_space<vmem>>
    %dma_wait3A_306 = arith.constant 0 : i32
    %dma_wait3A_307 = tpu.memref_slice %arg5[%arg0, %mul3A_302, %dma_wait3A_306] : memref<2x10240x128xf32, #tpu.memory_space<hbm>> -> memref<1x80x128xf32, #tpu.memory_space<hbm>>
    %dma_wait3A_308 = tpu.memref_squeeze %dma_wait3A_307 : memref<1x80x128xf32, #tpu.memory_space<hbm>> -> memref<80x128xf32, #tpu.memory_space<hbm>>
    %dma_wait3A_309 = arith.constant 0 : i32
    %dma_wait3A_310 = tpu.memref_slice %arg5[%arg0, %mul3A_302, %dma_wait3A_309] : memref<2x10240x128xf32, #tpu.memory_space<hbm>> -> memref<1x80x128xf32, #tpu.memory_space<hbm>>
    %dma_wait3A_311 = tpu.memref_squeeze %dma_wait3A_310 : memref<1x80x128xf32, #tpu.memory_space<hbm>> -> memref<80x128xf32, #tpu.memory_space<hbm>>
    %dma_wait3A_312 = arith.constant 0 : i32
    %dma_wait3A_313 = arith.constant 0 : i32
    %dma_wait3A_314 = tpu.memref_slice %arg9[%dma_wait3A_312, %dma_wait3A_313] : memref<80x128xf32, #tpu.memory_space<vmem>> -> memref<80x128xf32, #tpu.memory_space<vmem>>
    tpu.wait_dma2 semaphore(%arg14 : memref<!tpu.dma_semaphore, #tpu.memory_space<semaphore_mem>>) src(%dma_wait3A_314 : memref<80x128xf32, #tpu.memory_space<vmem>>) dst(%dma_wait3A_311 : memref<80x128xf32, #tpu.memory_space<hbm>>)
    %mul3A_315 = arith.constant 640 : i32
    %mul3A_316 = arith.muli %arg1, %mul3A_315 : i32
    %add3A_317 = arith.constant 240 : i32
    %add3A_318 = arith.addi %mul3A_316, %add3A_317 : i32
    %dma_start3A_319 = arith.constant 0 : i32
    %dma_start3A_320 = arith.constant 0 : i32
    %dma_start3A_321 = tpu.memref_slice %arg9[%dma_start3A_319, %dma_start3A_320] : memref<80x128xf32, #tpu.memory_space<vmem>> -> memref<80x128xf32, #tpu.memory_space<vmem>>
    %dma_start3A_322 = arith.constant 0 : i32
    %dma_start3A_323 = tpu.memref_slice %arg10[%add3A_318, %dma_start3A_322] : memref<10240x128xf32, #tpu.memory_space<vmem_shared>> -> memref<80x128xf32, #tpu.memory_space<vmem_shared>>
    %dma_start3A_324 = arith.constant 0 : i32
    %dma_start3A_325 = arith.constant 0 : i32
    %dma_start3A_326 = tpu.memref_slice %arg9[%dma_start3A_324, %dma_start3A_325] : memref<80x128xf32, #tpu.memory_space<vmem>> -> memref<80x128xf32, #tpu.memory_space<vmem>>
    %dma_start3A_327 = arith.constant 0 : i32
    %dma_start3A_328 = tpu.memref_slice %arg10[%add3A_318, %dma_start3A_327] : memref<10240x128xf32, #tpu.memory_space<vmem_shared>> -> memref<80x128xf32, #tpu.memory_space<vmem_shared>>
    tpu.enqueue_dma source(%dma_start3A_328 : memref<80x128xf32, #tpu.memory_space<vmem_shared>>) target(%dma_start3A_326 : memref<80x128xf32, #tpu.memory_space<vmem>>) target_semaphore(%arg12 : memref<!tpu.dma_semaphore, #tpu.memory_space<semaphore_mem>>)
    %mul3A_329 = arith.constant 640 : i32
    %mul3A_330 = arith.muli %arg1, %mul3A_329 : i32
    %dma_wait3A_331 = arith.constant 0 : i32
    %dma_wait3A_332 = arith.constant 0 : i32
    %dma_wait3A_333 = tpu.memref_slice %arg9[%dma_wait3A_331, %dma_wait3A_332] : memref<80x128xf32, #tpu.memory_space<vmem>> -> memref<80x128xf32, #tpu.memory_space<vmem>>
    %dma_wait3A_334 = arith.constant 0 : i32
    %dma_wait3A_335 = tpu.memref_slice %arg10[%mul3A_330, %dma_wait3A_334] : memref<10240x128xf32, #tpu.memory_space<vmem_shared>> -> memref<80x128xf32, #tpu.memory_space<vmem_shared>>
    %dma_wait3A_336 = arith.constant 0 : i32
    %dma_wait3A_337 = arith.constant 0 : i32
    %dma_wait3A_338 = tpu.memref_slice %arg9[%dma_wait3A_336, %dma_wait3A_337] : memref<80x128xf32, #tpu.memory_space<vmem>> -> memref<80x128xf32, #tpu.memory_space<vmem>>
    %dma_wait3A_339 = arith.constant 0 : i32
    %dma_wait3A_340 = tpu.memref_slice %arg10[%mul3A_330, %dma_wait3A_339] : memref<10240x128xf32, #tpu.memory_space<vmem_shared>> -> memref<80x128xf32, #tpu.memory_space<vmem_shared>>
    tpu.wait_dma2 semaphore(%arg12 : memref<!tpu.dma_semaphore, #tpu.memory_space<semaphore_mem>>) src(%dma_wait3A_340 : memref<80x128xf32, #tpu.memory_space<vmem_shared>>) dst(%dma_wait3A_338 : memref<80x128xf32, #tpu.memory_space<vmem>>)
    %mul3A_341 = arith.constant 640 : i32
    %mul3A_342 = arith.muli %arg1, %mul3A_341 : i32
    %add3A_343 = arith.constant 240 : i32
    %add3A_344 = arith.addi %mul3A_342, %add3A_343 : i32
    %dma_start3A_345 = arith.constant 0 : i32
    %dma_start3A_346 = arith.constant 0 : i32
    %dma_start3A_347 = tpu.memref_slice %arg9[%dma_start3A_345, %dma_start3A_346] : memref<80x128xf32, #tpu.memory_space<vmem>> -> memref<80x128xf32, #tpu.memory_space<vmem>>
    %dma_start3A_348 = arith.constant 0 : i32
    %dma_start3A_349 = tpu.memref_slice %arg5[%arg0, %add3A_344, %dma_start3A_348] : memref<2x10240x128xf32, #tpu.memory_space<hbm>> -> memref<1x80x128xf32, #tpu.memory_space<hbm>>
    %dma_start3A_350 = tpu.memref_squeeze %dma_start3A_349 : memref<1x80x128xf32, #tpu.memory_space<hbm>> -> memref<80x128xf32, #tpu.memory_space<hbm>>
    %dma_start3A_351 = arith.constant 0 : i32
    %dma_start3A_352 = tpu.memref_slice %arg5[%arg0, %add3A_344, %dma_start3A_351] : memref<2x10240x128xf32, #tpu.memory_space<hbm>> -> memref<1x80x128xf32, #tpu.memory_space<hbm>>
    %dma_start3A_353 = tpu.memref_squeeze %dma_start3A_352 : memref<1x80x128xf32, #tpu.memory_space<hbm>> -> memref<80x128xf32, #tpu.memory_space<hbm>>
    %dma_start3A_354 = arith.constant 0 : i32
    %dma_start3A_355 = arith.constant 0 : i32
    %dma_start3A_356 = tpu.memref_slice %arg9[%dma_start3A_354, %dma_start3A_355] : memref<80x128xf32, #tpu.memory_space<vmem>> -> memref<80x128xf32, #tpu.memory_space<vmem>>
    tpu.enqueue_dma source(%dma_start3A_356 : memref<80x128xf32, #tpu.memory_space<vmem>>) target(%dma_start3A_353 : memref<80x128xf32, #tpu.memory_space<hbm>>) target_semaphore(%arg14 : memref<!tpu.dma_semaphore, #tpu.memory_space<semaphore_mem>>)
    %mul3A_357 = arith.constant 640 : i32
    %mul3A_358 = arith.muli %arg1, %mul3A_357 : i32
    %dma_wait3A_359 = arith.constant 0 : i32
    %dma_wait3A_360 = arith.constant 0 : i32
    %dma_wait3A_361 = tpu.memref_slice %arg8[%dma_wait3A_359, %dma_wait3A_360] : memref<80x128xf32, #tpu.memory_space<vmem>> -> memref<80x128xf32, #tpu.memory_space<vmem>>
    %dma_wait3A_362 = arith.constant 0 : i32
    %dma_wait3A_363 = tpu.memref_slice %arg5[%arg0, %mul3A_358, %dma_wait3A_362] : memref<2x10240x128xf32, #tpu.memory_space<hbm>> -> memref<1x80x128xf32, #tpu.memory_space<hbm>>
    %dma_wait3A_364 = tpu.memref_squeeze %dma_wait3A_363 : memref<1x80x128xf32, #tpu.memory_space<hbm>> -> memref<80x128xf32, #tpu.memory_space<hbm>>
    %dma_wait3A_365 = arith.constant 0 : i32
    %dma_wait3A_366 = tpu.memref_slice %arg5[%arg0, %mul3A_358, %dma_wait3A_365] : memref<2x10240x128xf32, #tpu.memory_space<hbm>> -> memref<1x80x128xf32, #tpu.memory_space<hbm>>
    %dma_wait3A_367 = tpu.memref_squeeze %dma_wait3A_366 : memref<1x80x128xf32, #tpu.memory_space<hbm>> -> memref<80x128xf32, #tpu.memory_space<hbm>>
    %dma_wait3A_368 = arith.constant 0 : i32
    %dma_wait3A_369 = arith.constant 0 : i32
    %dma_wait3A_370 = tpu.memref_slice %arg8[%dma_wait3A_368, %dma_wait3A_369] : memref<80x128xf32, #tpu.memory_space<vmem>> -> memref<80x128xf32, #tpu.memory_space<vmem>>
    tpu.wait_dma2 semaphore(%arg13 : memref<!tpu.dma_semaphore, #tpu.memory_space<semaphore_mem>>) src(%dma_wait3A_370 : memref<80x128xf32, #tpu.memory_space<vmem>>) dst(%dma_wait3A_367 : memref<80x128xf32, #tpu.memory_space<hbm>>)
    %mul3A_371 = arith.constant 640 : i32
    %mul3A_372 = arith.muli %arg1, %mul3A_371 : i32
    %add3A_373 = arith.constant 320 : i32
    %add3A_374 = arith.addi %mul3A_372, %add3A_373 : i32
    %dma_start3A_375 = arith.constant 0 : i32
    %dma_start3A_376 = arith.constant 0 : i32
    %dma_start3A_377 = tpu.memref_slice %arg8[%dma_start3A_375, %dma_start3A_376] : memref<80x128xf32, #tpu.memory_space<vmem>> -> memref<80x128xf32, #tpu.memory_space<vmem>>
    %dma_start3A_378 = arith.constant 0 : i32
    %dma_start3A_379 = tpu.memref_slice %arg10[%add3A_374, %dma_start3A_378] : memref<10240x128xf32, #tpu.memory_space<vmem_shared>> -> memref<80x128xf32, #tpu.memory_space<vmem_shared>>
    %dma_start3A_380 = arith.constant 0 : i32
    %dma_start3A_381 = arith.constant 0 : i32
    %dma_start3A_382 = tpu.memref_slice %arg8[%dma_start3A_380, %dma_start3A_381] : memref<80x128xf32, #tpu.memory_space<vmem>> -> memref<80x128xf32, #tpu.memory_space<vmem>>
    %dma_start3A_383 = arith.constant 0 : i32
    %dma_start3A_384 = tpu.memref_slice %arg10[%add3A_374, %dma_start3A_383] : memref<10240x128xf32, #tpu.memory_space<vmem_shared>> -> memref<80x128xf32, #tpu.memory_space<vmem_shared>>
    tpu.enqueue_dma source(%dma_start3A_384 : memref<80x128xf32, #tpu.memory_space<vmem_shared>>) target(%dma_start3A_382 : memref<80x128xf32, #tpu.memory_space<vmem>>) target_semaphore(%arg11 : memref<!tpu.dma_semaphore, #tpu.memory_space<semaphore_mem>>)
    %mul3A_385 = arith.constant 640 : i32
    %mul3A_386 = arith.muli %arg1, %mul3A_385 : i32
    %dma_wait3A_387 = arith.constant 0 : i32
    %dma_wait3A_388 = arith.constant 0 : i32
    %dma_wait3A_389 = tpu.memref_slice %arg8[%dma_wait3A_387, %dma_wait3A_388] : memref<80x128xf32, #tpu.memory_space<vmem>> -> memref<80x128xf32, #tpu.memory_space<vmem>>
    %dma_wait3A_390 = arith.constant 0 : i32
    %dma_wait3A_391 = tpu.memref_slice %arg10[%mul3A_386, %dma_wait3A_390] : memref<10240x128xf32, #tpu.memory_space<vmem_shared>> -> memref<80x128xf32, #tpu.memory_space<vmem_shared>>
    %dma_wait3A_392 = arith.constant 0 : i32
    %dma_wait3A_393 = arith.constant 0 : i32
    %dma_wait3A_394 = tpu.memref_slice %arg8[%dma_wait3A_392, %dma_wait3A_393] : memref<80x128xf32, #tpu.memory_space<vmem>> -> memref<80x128xf32, #tpu.memory_space<vmem>>
    %dma_wait3A_395 = arith.constant 0 : i32
    %dma_wait3A_396 = tpu.memref_slice %arg10[%mul3A_386, %dma_wait3A_395] : memref<10240x128xf32, #tpu.memory_space<vmem_shared>> -> memref<80x128xf32, #tpu.memory_space<vmem_shared>>
    tpu.wait_dma2 semaphore(%arg11 : memref<!tpu.dma_semaphore, #tpu.memory_space<semaphore_mem>>) src(%dma_wait3A_396 : memref<80x128xf32, #tpu.memory_space<vmem_shared>>) dst(%dma_wait3A_394 : memref<80x128xf32, #tpu.memory_space<vmem>>)
    %mul3A_397 = arith.constant 640 : i32
    %mul3A_398 = arith.muli %arg1, %mul3A_397 : i32
    %add3A_399 = arith.constant 320 : i32
    %add3A_400 = arith.addi %mul3A_398, %add3A_399 : i32
    %dma_start3A_401 = arith.constant 0 : i32
    %dma_start3A_402 = arith.constant 0 : i32
    %dma_start3A_403 = tpu.memref_slice %arg8[%dma_start3A_401, %dma_start3A_402] : memref<80x128xf32, #tpu.memory_space<vmem>> -> memref<80x128xf32, #tpu.memory_space<vmem>>
    %dma_start3A_404 = arith.constant 0 : i32
    %dma_start3A_405 = tpu.memref_slice %arg5[%arg0, %add3A_400, %dma_start3A_404] : memref<2x10240x128xf32, #tpu.memory_space<hbm>> -> memref<1x80x128xf32, #tpu.memory_space<hbm>>
    %dma_start3A_406 = tpu.memref_squeeze %dma_start3A_405 : memref<1x80x128xf32, #tpu.memory_space<hbm>> -> memref<80x128xf32, #tpu.memory_space<hbm>>
    %dma_start3A_407 = arith.constant 0 : i32
    %dma_start3A_408 = tpu.memref_slice %arg5[%arg0, %add3A_400, %dma_start3A_407] : memref<2x10240x128xf32, #tpu.memory_space<hbm>> -> memref<1x80x128xf32, #tpu.memory_space<hbm>>
    %dma_start3A_409 = tpu.memref_squeeze %dma_start3A_408 : memref<1x80x128xf32, #tpu.memory_space<hbm>> -> memref<80x128xf32, #tpu.memory_space<hbm>>
    %dma_start3A_410 = arith.constant 0 : i32
    %dma_start3A_411 = arith.constant 0 : i32
    %dma_start3A_412 = tpu.memref_slice %arg8[%dma_start3A_410, %dma_start3A_411] : memref<80x128xf32, #tpu.memory_space<vmem>> -> memref<80x128xf32, #tpu.memory_space<vmem>>
    tpu.enqueue_dma source(%dma_start3A_412 : memref<80x128xf32, #tpu.memory_space<vmem>>) target(%dma_start3A_409 : memref<80x128xf32, #tpu.memory_space<hbm>>) target_semaphore(%arg13 : memref<!tpu.dma_semaphore, #tpu.memory_space<semaphore_mem>>)
    %mul3A_413 = arith.constant 640 : i32
    %mul3A_414 = arith.muli %arg1, %mul3A_413 : i32
    %dma_wait3A_415 = arith.constant 0 : i32
    %dma_wait3A_416 = arith.constant 0 : i32
    %dma_wait3A_417 = tpu.memref_slice %arg9[%dma_wait3A_415, %dma_wait3A_416] : memref<80x128xf32, #tpu.memory_space<vmem>> -> memref<80x128xf32, #tpu.memory_space<vmem>>
    %dma_wait3A_418 = arith.constant 0 : i32
    %dma_wait3A_419 = tpu.memref_slice %arg5[%arg0, %mul3A_414, %dma_wait3A_418] : memref<2x10240x128xf32, #tpu.memory_space<hbm>> -> memref<1x80x128xf32, #tpu.memory_space<hbm>>
    %dma_wait3A_420 = tpu.memref_squeeze %dma_wait3A_419 : memref<1x80x128xf32, #tpu.memory_space<hbm>> -> memref<80x128xf32, #tpu.memory_space<hbm>>
    %dma_wait3A_421 = arith.constant 0 : i32
    %dma_wait3A_422 = tpu.memref_slice %arg5[%arg0, %mul3A_414, %dma_wait3A_421] : memref<2x10240x128xf32, #tpu.memory_space<hbm>> -> memref<1x80x128xf32, #tpu.memory_space<hbm>>
    %dma_wait3A_423 = tpu.memref_squeeze %dma_wait3A_422 : memref<1x80x128xf32, #tpu.memory_space<hbm>> -> memref<80x128xf32, #tpu.memory_space<hbm>>
    %dma_wait3A_424 = arith.constant 0 : i32
    %dma_wait3A_425 = arith.constant 0 : i32
    %dma_wait3A_426 = tpu.memref_slice %arg9[%dma_wait3A_424, %dma_wait3A_425] : memref<80x128xf32, #tpu.memory_space<vmem>> -> memref<80x128xf32, #tpu.memory_space<vmem>>
    tpu.wait_dma2 semaphore(%arg14 : memref<!tpu.dma_semaphore, #tpu.memory_space<semaphore_mem>>) src(%dma_wait3A_426 : memref<80x128xf32, #tpu.memory_space<vmem>>) dst(%dma_wait3A_423 : memref<80x128xf32, #tpu.memory_space<hbm>>)
    %mul3A_427 = arith.constant 640 : i32
    %mul3A_428 = arith.muli %arg1, %mul3A_427 : i32
    %add3A_429 = arith.constant 400 : i32
    %add3A_430 = arith.addi %mul3A_428, %add3A_429 : i32
    %dma_start3A_431 = arith.constant 0 : i32
    %dma_start3A_432 = arith.constant 0 : i32
    %dma_start3A_433 = tpu.memref_slice %arg9[%dma_start3A_431, %dma_start3A_432] : memref<80x128xf32, #tpu.memory_space<vmem>> -> memref<80x128xf32, #tpu.memory_space<vmem>>
    %dma_start3A_434 = arith.constant 0 : i32
    %dma_start3A_435 = tpu.memref_slice %arg10[%add3A_430, %dma_start3A_434] : memref<10240x128xf32, #tpu.memory_space<vmem_shared>> -> memref<80x128xf32, #tpu.memory_space<vmem_shared>>
    %dma_start3A_436 = arith.constant 0 : i32
    %dma_start3A_437 = arith.constant 0 : i32
    %dma_start3A_438 = tpu.memref_slice %arg9[%dma_start3A_436, %dma_start3A_437] : memref<80x128xf32, #tpu.memory_space<vmem>> -> memref<80x128xf32, #tpu.memory_space<vmem>>
    %dma_start3A_439 = arith.constant 0 : i32
    %dma_start3A_440 = tpu.memref_slice %arg10[%add3A_430, %dma_start3A_439] : memref<10240x128xf32, #tpu.memory_space<vmem_shared>> -> memref<80x128xf32, #tpu.memory_space<vmem_shared>>
    tpu.enqueue_dma source(%dma_start3A_440 : memref<80x128xf32, #tpu.memory_space<vmem_shared>>) target(%dma_start3A_438 : memref<80x128xf32, #tpu.memory_space<vmem>>) target_semaphore(%arg12 : memref<!tpu.dma_semaphore, #tpu.memory_space<semaphore_mem>>)
    %mul3A_441 = arith.constant 640 : i32
    %mul3A_442 = arith.muli %arg1, %mul3A_441 : i32
    %dma_wait3A_443 = arith.constant 0 : i32
    %dma_wait3A_444 = arith.constant 0 : i32
    %dma_wait3A_445 = tpu.memref_slice %arg9[%dma_wait3A_443, %dma_wait3A_444] : memref<80x128xf32, #tpu.memory_space<vmem>> -> memref<80x128xf32, #tpu.memory_space<vmem>>
    %dma_wait3A_446 = arith.constant 0 : i32
    %dma_wait3A_447 = tpu.memref_slice %arg10[%mul3A_442, %dma_wait3A_446] : memref<10240x128xf32, #tpu.memory_space<vmem_shared>> -> memref<80x128xf32, #tpu.memory_space<vmem_shared>>
    %dma_wait3A_448 = arith.constant 0 : i32
    %dma_wait3A_449 = arith.constant 0 : i32
    %dma_wait3A_450 = tpu.memref_slice %arg9[%dma_wait3A_448, %dma_wait3A_449] : memref<80x128xf32, #tpu.memory_space<vmem>> -> memref<80x128xf32, #tpu.memory_space<vmem>>
    %dma_wait3A_451 = arith.constant 0 : i32
    %dma_wait3A_452 = tpu.memref_slice %arg10[%mul3A_442, %dma_wait3A_451] : memref<10240x128xf32, #tpu.memory_space<vmem_shared>> -> memref<80x128xf32, #tpu.memory_space<vmem_shared>>
    tpu.wait_dma2 semaphore(%arg12 : memref<!tpu.dma_semaphore, #tpu.memory_space<semaphore_mem>>) src(%dma_wait3A_452 : memref<80x128xf32, #tpu.memory_space<vmem_shared>>) dst(%dma_wait3A_450 : memref<80x128xf32, #tpu.memory_space<vmem>>)
    %mul3A_453 = arith.constant 640 : i32
    %mul3A_454 = arith.muli %arg1, %mul3A_453 : i32
    %add3A_455 = arith.constant 400 : i32
    %add3A_456 = arith.addi %mul3A_454, %add3A_455 : i32
    %dma_start3A_457 = arith.constant 0 : i32
    %dma_start3A_458 = arith.constant 0 : i32
    %dma_start3A_459 = tpu.memref_slice %arg9[%dma_start3A_457, %dma_start3A_458] : memref<80x128xf32, #tpu.memory_space<vmem>> -> memref<80x128xf32, #tpu.memory_space<vmem>>
    %dma_start3A_460 = arith.constant 0 : i32
    %dma_start3A_461 = tpu.memref_slice %arg5[%arg0, %add3A_456, %dma_start3A_460] : memref<2x10240x128xf32, #tpu.memory_space<hbm>> -> memref<1x80x128xf32, #tpu.memory_space<hbm>>
    %dma_start3A_462 = tpu.memref_squeeze %dma_start3A_461 : memref<1x80x128xf32, #tpu.memory_space<hbm>> -> memref<80x128xf32, #tpu.memory_space<hbm>>
    %dma_start3A_463 = arith.constant 0 : i32
    %dma_start3A_464 = tpu.memref_slice %arg5[%arg0, %add3A_456, %dma_start3A_463] : memref<2x10240x128xf32, #tpu.memory_space<hbm>> -> memref<1x80x128xf32, #tpu.memory_space<hbm>>
    %dma_start3A_465 = tpu.memref_squeeze %dma_start3A_464 : memref<1x80x128xf32, #tpu.memory_space<hbm>> -> memref<80x128xf32, #tpu.memory_space<hbm>>
    %dma_start3A_466 = arith.constant 0 : i32
    %dma_start3A_467 = arith.constant 0 : i32
    %dma_start3A_468 = tpu.memref_slice %arg9[%dma_start3A_466, %dma_start3A_467] : memref<80x128xf32, #tpu.memory_space<vmem>> -> memref<80x128xf32, #tpu.memory_space<vmem>>
    tpu.enqueue_dma source(%dma_start3A_468 : memref<80x128xf32, #tpu.memory_space<vmem>>) target(%dma_start3A_465 : memref<80x128xf32, #tpu.memory_space<hbm>>) target_semaphore(%arg14 : memref<!tpu.dma_semaphore, #tpu.memory_space<semaphore_mem>>)
    %mul3A_469 = arith.constant 640 : i32
    %mul3A_470 = arith.muli %arg1, %mul3A_469 : i32
    %dma_wait3A_471 = arith.constant 0 : i32
    %dma_wait3A_472 = arith.constant 0 : i32
    %dma_wait3A_473 = tpu.memref_slice %arg8[%dma_wait3A_471, %dma_wait3A_472] : memref<80x128xf32, #tpu.memory_space<vmem>> -> memref<80x128xf32, #tpu.memory_space<vmem>>
    %dma_wait3A_474 = arith.constant 0 : i32
    %dma_wait3A_475 = tpu.memref_slice %arg5[%arg0, %mul3A_470, %dma_wait3A_474] : memref<2x10240x128xf32, #tpu.memory_space<hbm>> -> memref<1x80x128xf32, #tpu.memory_space<hbm>>
    %dma_wait3A_476 = tpu.memref_squeeze %dma_wait3A_475 : memref<1x80x128xf32, #tpu.memory_space<hbm>> -> memref<80x128xf32, #tpu.memory_space<hbm>>
    %dma_wait3A_477 = arith.constant 0 : i32
    %dma_wait3A_478 = tpu.memref_slice %arg5[%arg0, %mul3A_470, %dma_wait3A_477] : memref<2x10240x128xf32, #tpu.memory_space<hbm>> -> memref<1x80x128xf32, #tpu.memory_space<hbm>>
    %dma_wait3A_479 = tpu.memref_squeeze %dma_wait3A_478 : memref<1x80x128xf32, #tpu.memory_space<hbm>> -> memref<80x128xf32, #tpu.memory_space<hbm>>
    %dma_wait3A_480 = arith.constant 0 : i32
    %dma_wait3A_481 = arith.constant 0 : i32
    %dma_wait3A_482 = tpu.memref_slice %arg8[%dma_wait3A_480, %dma_wait3A_481] : memref<80x128xf32, #tpu.memory_space<vmem>> -> memref<80x128xf32, #tpu.memory_space<vmem>>
    tpu.wait_dma2 semaphore(%arg13 : memref<!tpu.dma_semaphore, #tpu.memory_space<semaphore_mem>>) src(%dma_wait3A_482 : memref<80x128xf32, #tpu.memory_space<vmem>>) dst(%dma_wait3A_479 : memref<80x128xf32, #tpu.memory_space<hbm>>)
    %mul3A_483 = arith.constant 640 : i32
    %mul3A_484 = arith.muli %arg1, %mul3A_483 : i32
    %add3A_485 = arith.constant 480 : i32
    %add3A_486 = arith.addi %mul3A_484, %add3A_485 : i32
    %dma_start3A_487 = arith.constant 0 : i32
    %dma_start3A_488 = arith.constant 0 : i32
    %dma_start3A_489 = tpu.memref_slice %arg8[%dma_start3A_487, %dma_start3A_488] : memref<80x128xf32, #tpu.memory_space<vmem>> -> memref<80x128xf32, #tpu.memory_space<vmem>>
    %dma_start3A_490 = arith.constant 0 : i32
    %dma_start3A_491 = tpu.memref_slice %arg10[%add3A_486, %dma_start3A_490] : memref<10240x128xf32, #tpu.memory_space<vmem_shared>> -> memref<80x128xf32, #tpu.memory_space<vmem_shared>>
    %dma_start3A_492 = arith.constant 0 : i32
    %dma_start3A_493 = arith.constant 0 : i32
    %dma_start3A_494 = tpu.memref_slice %arg8[%dma_start3A_492, %dma_start3A_493] : memref<80x128xf32, #tpu.memory_space<vmem>> -> memref<80x128xf32, #tpu.memory_space<vmem>>
    %dma_start3A_495 = arith.constant 0 : i32
    %dma_start3A_496 = tpu.memref_slice %arg10[%add3A_486, %dma_start3A_495] : memref<10240x128xf32, #tpu.memory_space<vmem_shared>> -> memref<80x128xf32, #tpu.memory_space<vmem_shared>>
    tpu.enqueue_dma source(%dma_start3A_496 : memref<80x128xf32, #tpu.memory_space<vmem_shared>>) target(%dma_start3A_494 : memref<80x128xf32, #tpu.memory_space<vmem>>) target_semaphore(%arg11 : memref<!tpu.dma_semaphore, #tpu.memory_space<semaphore_mem>>)
    %mul3A_497 = arith.constant 640 : i32
    %mul3A_498 = arith.muli %arg1, %mul3A_497 : i32
    %dma_wait3A_499 = arith.constant 0 : i32
    %dma_wait3A_500 = arith.constant 0 : i32
    %dma_wait3A_501 = tpu.memref_slice %arg8[%dma_wait3A_499, %dma_wait3A_500] : memref<80x128xf32, #tpu.memory_space<vmem>> -> memref<80x128xf32, #tpu.memory_space<vmem>>
    %dma_wait3A_502 = arith.constant 0 : i32
    %dma_wait3A_503 = tpu.memref_slice %arg10[%mul3A_498, %dma_wait3A_502] : memref<10240x128xf32, #tpu.memory_space<vmem_shared>> -> memref<80x128xf32, #tpu.memory_space<vmem_shared>>
    %dma_wait3A_504 = arith.constant 0 : i32
    %dma_wait3A_505 = arith.constant 0 : i32
    %dma_wait3A_506 = tpu.memref_slice %arg8[%dma_wait3A_504, %dma_wait3A_505] : memref<80x128xf32, #tpu.memory_space<vmem>> -> memref<80x128xf32, #tpu.memory_space<vmem>>
    %dma_wait3A_507 = arith.constant 0 : i32
    %dma_wait3A_508 = tpu.memref_slice %arg10[%mul3A_498, %dma_wait3A_507] : memref<10240x128xf32, #tpu.memory_space<vmem_shared>> -> memref<80x128xf32, #tpu.memory_space<vmem_shared>>
    tpu.wait_dma2 semaphore(%arg11 : memref<!tpu.dma_semaphore, #tpu.memory_space<semaphore_mem>>) src(%dma_wait3A_508 : memref<80x128xf32, #tpu.memory_space<vmem_shared>>) dst(%dma_wait3A_506 : memref<80x128xf32, #tpu.memory_space<vmem>>)
    %mul3A_509 = arith.constant 640 : i32
    %mul3A_510 = arith.muli %arg1, %mul3A_509 : i32
    %add3A_511 = arith.constant 480 : i32
    %add3A_512 = arith.addi %mul3A_510, %add3A_511 : i32
    %dma_start3A_513 = arith.constant 0 : i32
    %dma_start3A_514 = arith.constant 0 : i32
    %dma_start3A_515 = tpu.memref_slice %arg8[%dma_start3A_513, %dma_start3A_514] : memref<80x128xf32, #tpu.memory_space<vmem>> -> memref<80x128xf32, #tpu.memory_space<vmem>>
    %dma_start3A_516 = arith.constant 0 : i32
    %dma_start3A_517 = tpu.memref_slice %arg5[%arg0, %add3A_512, %dma_start3A_516] : memref<2x10240x128xf32, #tpu.memory_space<hbm>> -> memref<1x80x128xf32, #tpu.memory_space<hbm>>
    %dma_start3A_518 = tpu.memref_squeeze %dma_start3A_517 : memref<1x80x128xf32, #tpu.memory_space<hbm>> -> memref<80x128xf32, #tpu.memory_space<hbm>>
    %dma_start3A_519 = arith.constant 0 : i32
    %dma_start3A_520 = tpu.memref_slice %arg5[%arg0, %add3A_512, %dma_start3A_519] : memref<2x10240x128xf32, #tpu.memory_space<hbm>> -> memref<1x80x128xf32, #tpu.memory_space<hbm>>
    %dma_start3A_521 = tpu.memref_squeeze %dma_start3A_520 : memref<1x80x128xf32, #tpu.memory_space<hbm>> -> memref<80x128xf32, #tpu.memory_space<hbm>>
    %dma_start3A_522 = arith.constant 0 : i32
    %dma_start3A_523 = arith.constant 0 : i32
    %dma_start3A_524 = tpu.memref_slice %arg8[%dma_start3A_522, %dma_start3A_523] : memref<80x128xf32, #tpu.memory_space<vmem>> -> memref<80x128xf32, #tpu.memory_space<vmem>>
    tpu.enqueue_dma source(%dma_start3A_524 : memref<80x128xf32, #tpu.memory_space<vmem>>) target(%dma_start3A_521 : memref<80x128xf32, #tpu.memory_space<hbm>>) target_semaphore(%arg13 : memref<!tpu.dma_semaphore, #tpu.memory_space<semaphore_mem>>)
    %mul3A_525 = arith.constant 640 : i32
    %mul3A_526 = arith.muli %arg1, %mul3A_525 : i32
    %dma_wait3A_527 = arith.constant 0 : i32
    %dma_wait3A_528 = arith.constant 0 : i32
    %dma_wait3A_529 = tpu.memref_slice %arg9[%dma_wait3A_527, %dma_wait3A_528] : memref<80x128xf32, #tpu.memory_space<vmem>> -> memref<80x128xf32, #tpu.memory_space<vmem>>
    %dma_wait3A_530 = arith.constant 0 : i32
    %dma_wait3A_531 = tpu.memref_slice %arg5[%arg0, %mul3A_526, %dma_wait3A_530] : memref<2x10240x128xf32, #tpu.memory_space<hbm>> -> memref<1x80x128xf32, #tpu.memory_space<hbm>>
    %dma_wait3A_532 = tpu.memref_squeeze %dma_wait3A_531 : memref<1x80x128xf32, #tpu.memory_space<hbm>> -> memref<80x128xf32, #tpu.memory_space<hbm>>
    %dma_wait3A_533 = arith.constant 0 : i32
    %dma_wait3A_534 = tpu.memref_slice %arg5[%arg0, %mul3A_526, %dma_wait3A_533] : memref<2x10240x128xf32, #tpu.memory_space<hbm>> -> memref<1x80x128xf32, #tpu.memory_space<hbm>>
    %dma_wait3A_535 = tpu.memref_squeeze %dma_wait3A_534 : memref<1x80x128xf32, #tpu.memory_space<hbm>> -> memref<80x128xf32, #tpu.memory_space<hbm>>
    %dma_wait3A_536 = arith.constant 0 : i32
    %dma_wait3A_537 = arith.constant 0 : i32
    %dma_wait3A_538 = tpu.memref_slice %arg9[%dma_wait3A_536, %dma_wait3A_537] : memref<80x128xf32, #tpu.memory_space<vmem>> -> memref<80x128xf32, #tpu.memory_space<vmem>>
    tpu.wait_dma2 semaphore(%arg14 : memref<!tpu.dma_semaphore, #tpu.memory_space<semaphore_mem>>) src(%dma_wait3A_538 : memref<80x128xf32, #tpu.memory_space<vmem>>) dst(%dma_wait3A_535 : memref<80x128xf32, #tpu.memory_space<hbm>>)
    %mul3A_539 = arith.constant 640 : i32
    %mul3A_540 = arith.muli %arg1, %mul3A_539 : i32
    %add3A_541 = arith.constant 560 : i32
    %add3A_542 = arith.addi %mul3A_540, %add3A_541 : i32
    %dma_start3A_543 = arith.constant 0 : i32
    %dma_start3A_544 = arith.constant 0 : i32
    %dma_start3A_545 = tpu.memref_slice %arg9[%dma_start3A_543, %dma_start3A_544] : memref<80x128xf32, #tpu.memory_space<vmem>> -> memref<80x128xf32, #tpu.memory_space<vmem>>
    %dma_start3A_546 = arith.constant 0 : i32
    %dma_start3A_547 = tpu.memref_slice %arg10[%add3A_542, %dma_start3A_546] : memref<10240x128xf32, #tpu.memory_space<vmem_shared>> -> memref<80x128xf32, #tpu.memory_space<vmem_shared>>
    %dma_start3A_548 = arith.constant 0 : i32
    %dma_start3A_549 = arith.constant 0 : i32
    %dma_start3A_550 = tpu.memref_slice %arg9[%dma_start3A_548, %dma_start3A_549] : memref<80x128xf32, #tpu.memory_space<vmem>> -> memref<80x128xf32, #tpu.memory_space<vmem>>
    %dma_start3A_551 = arith.constant 0 : i32
    %dma_start3A_552 = tpu.memref_slice %arg10[%add3A_542, %dma_start3A_551] : memref<10240x128xf32, #tpu.memory_space<vmem_shared>> -> memref<80x128xf32, #tpu.memory_space<vmem_shared>>
    tpu.enqueue_dma source(%dma_start3A_552 : memref<80x128xf32, #tpu.memory_space<vmem_shared>>) target(%dma_start3A_550 : memref<80x128xf32, #tpu.memory_space<vmem>>) target_semaphore(%arg12 : memref<!tpu.dma_semaphore, #tpu.memory_space<semaphore_mem>>)
    %mul3A_553 = arith.constant 640 : i32
    %mul3A_554 = arith.muli %arg1, %mul3A_553 : i32
    %dma_wait3A_555 = arith.constant 0 : i32
    %dma_wait3A_556 = arith.constant 0 : i32
    %dma_wait3A_557 = tpu.memref_slice %arg9[%dma_wait3A_555, %dma_wait3A_556] : memref<80x128xf32, #tpu.memory_space<vmem>> -> memref<80x128xf32, #tpu.memory_space<vmem>>
    %dma_wait3A_558 = arith.constant 0 : i32
    %dma_wait3A_559 = tpu.memref_slice %arg10[%mul3A_554, %dma_wait3A_558] : memref<10240x128xf32, #tpu.memory_space<vmem_shared>> -> memref<80x128xf32, #tpu.memory_space<vmem_shared>>
    %dma_wait3A_560 = arith.constant 0 : i32
    %dma_wait3A_561 = arith.constant 0 : i32
    %dma_wait3A_562 = tpu.memref_slice %arg9[%dma_wait3A_560, %dma_wait3A_561] : memref<80x128xf32, #tpu.memory_space<vmem>> -> memref<80x128xf32, #tpu.memory_space<vmem>>
    %dma_wait3A_563 = arith.constant 0 : i32
    %dma_wait3A_564 = tpu.memref_slice %arg10[%mul3A_554, %dma_wait3A_563] : memref<10240x128xf32, #tpu.memory_space<vmem_shared>> -> memref<80x128xf32, #tpu.memory_space<vmem_shared>>
    tpu.wait_dma2 semaphore(%arg12 : memref<!tpu.dma_semaphore, #tpu.memory_space<semaphore_mem>>) src(%dma_wait3A_564 : memref<80x128xf32, #tpu.memory_space<vmem_shared>>) dst(%dma_wait3A_562 : memref<80x128xf32, #tpu.memory_space<vmem>>)
    %mul3A_565 = arith.constant 640 : i32
    %mul3A_566 = arith.muli %arg1, %mul3A_565 : i32
    %add3A_567 = arith.constant 560 : i32
    %add3A_568 = arith.addi %mul3A_566, %add3A_567 : i32
    %dma_start3A_569 = arith.constant 0 : i32
    %dma_start3A_570 = arith.constant 0 : i32
    %dma_start3A_571 = tpu.memref_slice %arg9[%dma_start3A_569, %dma_start3A_570] : memref<80x128xf32, #tpu.memory_space<vmem>> -> memref<80x128xf32, #tpu.memory_space<vmem>>
    %dma_start3A_572 = arith.constant 0 : i32
    %dma_start3A_573 = tpu.memref_slice %arg5[%arg0, %add3A_568, %dma_start3A_572] : memref<2x10240x128xf32, #tpu.memory_space<hbm>> -> memref<1x80x128xf32, #tpu.memory_space<hbm>>
    %dma_start3A_574 = tpu.memref_squeeze %dma_start3A_573 : memref<1x80x128xf32, #tpu.memory_space<hbm>> -> memref<80x128xf32, #tpu.memory_space<hbm>>
    %dma_start3A_575 = arith.constant 0 : i32
    %dma_start3A_576 = tpu.memref_slice %arg5[%arg0, %add3A_568, %dma_start3A_575] : memref<2x10240x128xf32, #tpu.memory_space<hbm>> -> memref<1x80x128xf32, #tpu.memory_space<hbm>>
    %dma_start3A_577 = tpu.memref_squeeze %dma_start3A_576 : memref<1x80x128xf32, #tpu.memory_space<hbm>> -> memref<80x128xf32, #tpu.memory_space<hbm>>
    %dma_start3A_578 = arith.constant 0 : i32
    %dma_start3A_579 = arith.constant 0 : i32
    %dma_start3A_580 = tpu.memref_slice %arg9[%dma_start3A_578, %dma_start3A_579] : memref<80x128xf32, #tpu.memory_space<vmem>> -> memref<80x128xf32, #tpu.memory_space<vmem>>
    tpu.enqueue_dma source(%dma_start3A_580 : memref<80x128xf32, #tpu.memory_space<vmem>>) target(%dma_start3A_577 : memref<80x128xf32, #tpu.memory_space<hbm>>) target_semaphore(%arg14 : memref<!tpu.dma_semaphore, #tpu.memory_space<semaphore_mem>>)
    %mul3A_581 = arith.constant 640 : i32
    %mul3A_582 = arith.muli %arg1, %mul3A_581 : i32
    %dma_wait3A_583 = arith.constant 0 : i32
    %dma_wait3A_584 = arith.constant 0 : i32
    %dma_wait3A_585 = tpu.memref_slice %arg8[%dma_wait3A_583, %dma_wait3A_584] : memref<80x128xf32, #tpu.memory_space<vmem>> -> memref<80x128xf32, #tpu.memory_space<vmem>>
    %dma_wait3A_586 = arith.constant 0 : i32
    %dma_wait3A_587 = tpu.memref_slice %arg5[%arg0, %mul3A_582, %dma_wait3A_586] : memref<2x10240x128xf32, #tpu.memory_space<hbm>> -> memref<1x80x128xf32, #tpu.memory_space<hbm>>
    %dma_wait3A_588 = tpu.memref_squeeze %dma_wait3A_587 : memref<1x80x128xf32, #tpu.memory_space<hbm>> -> memref<80x128xf32, #tpu.memory_space<hbm>>
    %dma_wait3A_589 = arith.constant 0 : i32
    %dma_wait3A_590 = tpu.memref_slice %arg5[%arg0, %mul3A_582, %dma_wait3A_589] : memref<2x10240x128xf32, #tpu.memory_space<hbm>> -> memref<1x80x128xf32, #tpu.memory_space<hbm>>
    %dma_wait3A_591 = tpu.memref_squeeze %dma_wait3A_590 : memref<1x80x128xf32, #tpu.memory_space<hbm>> -> memref<80x128xf32, #tpu.memory_space<hbm>>
    %dma_wait3A_592 = arith.constant 0 : i32
    %dma_wait3A_593 = arith.constant 0 : i32
    %dma_wait3A_594 = tpu.memref_slice %arg8[%dma_wait3A_592, %dma_wait3A_593] : memref<80x128xf32, #tpu.memory_space<vmem>> -> memref<80x128xf32, #tpu.memory_space<vmem>>
    tpu.wait_dma2 semaphore(%arg13 : memref<!tpu.dma_semaphore, #tpu.memory_space<semaphore_mem>>) src(%dma_wait3A_594 : memref<80x128xf32, #tpu.memory_space<vmem>>) dst(%dma_wait3A_591 : memref<80x128xf32, #tpu.memory_space<hbm>>)
    %mul3A_595 = arith.constant 640 : i32
    %mul3A_596 = arith.muli %arg1, %mul3A_595 : i32
    %dma_wait3A_597 = arith.constant 0 : i32
    %dma_wait3A_598 = arith.constant 0 : i32
    %dma_wait3A_599 = tpu.memref_slice %arg9[%dma_wait3A_597, %dma_wait3A_598] : memref<80x128xf32, #tpu.memory_space<vmem>> -> memref<80x128xf32, #tpu.memory_space<vmem>>
    %dma_wait3A_600 = arith.constant 0 : i32
    %dma_wait3A_601 = tpu.memref_slice %arg5[%arg0, %mul3A_596, %dma_wait3A_600] : memref<2x10240x128xf32, #tpu.memory_space<hbm>> -> memref<1x80x128xf32, #tpu.memory_space<hbm>>
    %dma_wait3A_602 = tpu.memref_squeeze %dma_wait3A_601 : memref<1x80x128xf32, #tpu.memory_space<hbm>> -> memref<80x128xf32, #tpu.memory_space<hbm>>
    %dma_wait3A_603 = arith.constant 0 : i32
    %dma_wait3A_604 = tpu.memref_slice %arg5[%arg0, %mul3A_596, %dma_wait3A_603] : memref<2x10240x128xf32, #tpu.memory_space<hbm>> -> memref<1x80x128xf32, #tpu.memory_space<hbm>>
    %dma_wait3A_605 = tpu.memref_squeeze %dma_wait3A_604 : memref<1x80x128xf32, #tpu.memory_space<hbm>> -> memref<80x128xf32, #tpu.memory_space<hbm>>
    %dma_wait3A_606 = arith.constant 0 : i32
    %dma_wait3A_607 = arith.constant 0 : i32
    %dma_wait3A_608 = tpu.memref_slice %arg9[%dma_wait3A_606, %dma_wait3A_607] : memref<80x128xf32, #tpu.memory_space<vmem>> -> memref<80x128xf32, #tpu.memory_space<vmem>>
    tpu.wait_dma2 semaphore(%arg14 : memref<!tpu.dma_semaphore, #tpu.memory_space<semaphore_mem>>) src(%dma_wait3A_608 : memref<80x128xf32, #tpu.memory_space<vmem>>) dst(%dma_wait3A_605 : memref<80x128xf32, #tpu.memory_space<hbm>>)
    return
  }
}

#map = affine_map<(d0, d1) -> (0, 0)>
#map1 = affine_map<(d0, d1) -> (0, 0, 0)>
module attributes {stable_mosaic.version = 14 : i64} {
  func.func @_sc_propagate(%arg0: i32, %arg1: i32, %arg2: memref<10240x128xf32, #tpu.memory_space<hbm>>, %arg3: memref<32x125x80xi32, #tpu.memory_space<hbm>>, %arg4: memref<32x125x80xi32, #tpu.memory_space<hbm>>, %arg5: memref<2x10240x128xf32, #tpu.memory_space<hbm>>, %arg6: memref<125x80xi32, #tpu.memory_space<vmem>>, %arg7: memref<125x80xi32, #tpu.memory_space<vmem>>, %arg8: memref<80x128xf32, #tpu.memory_space<vmem>>, %arg9: memref<80x128xf32, #tpu.memory_space<vmem>>, %arg10: memref<10240x128xf32, #tpu.memory_space<vmem_shared>>, %arg11: memref<!tpu.dma_semaphore, #tpu.memory_space<semaphore_mem>>, %arg12: memref<!tpu.dma_semaphore, #tpu.memory_space<semaphore_mem>>, %arg13: memref<!tpu.dma_semaphore, #tpu.memory_space<semaphore_mem>>, %arg14: memref<!tpu.dma_semaphore, #tpu.memory_space<semaphore_mem>>) attributes {dimension_semantics = [#tpu.dimension_semantics<core_parallel>, #tpu.dimension_semantics<subcore_parallel>], iteration_bounds = array<i64: 2, 16>, scalar_prefetch = 0 : i64, scratch_operands = 9 : i64, tpu.core_type = #tpu.core_type<sc_vector_subcore>, window_params = [{transform_indices = #map}, {transform_indices = #map1}, {transform_indices = #map1}, {transform_indices = #map1}]} {
    %mul3A = arith.constant 16 : i32
    %mul3A_0 = arith.muli %arg0, %mul3A : i32
    %add3A = arith.addi %mul3A_0, %arg1 : i32
    %dma_start3A = arith.constant 0 : i32
    %dma_start3A_1 = arith.constant 0 : i32
    %dma_start3A_2 = tpu.memref_slice %arg3[%add3A, %dma_start3A, %dma_start3A_1] : memref<32x125x80xi32, #tpu.memory_space<hbm>> -> memref<1x125x80xi32, #tpu.memory_space<hbm>>
    %dma_start3A_3 = tpu.memref_squeeze %dma_start3A_2 : memref<1x125x80xi32, #tpu.memory_space<hbm>> -> memref<125x80xi32, #tpu.memory_space<hbm>>
    %dma_start3A_4 = arith.constant 0 : i32
    %dma_start3A_5 = arith.constant 0 : i32
    %dma_start3A_6 = tpu.memref_slice %arg3[%add3A, %dma_start3A_4, %dma_start3A_5] : memref<32x125x80xi32, #tpu.memory_space<hbm>> -> memref<1x125x80xi32, #tpu.memory_space<hbm>>
    %dma_start3A_7 = tpu.memref_squeeze %dma_start3A_6 : memref<1x125x80xi32, #tpu.memory_space<hbm>> -> memref<125x80xi32, #tpu.memory_space<hbm>>
    tpu.enqueue_dma source(%dma_start3A_7 : memref<125x80xi32, #tpu.memory_space<hbm>>) target(%arg6 : memref<125x80xi32, #tpu.memory_space<vmem>>) target_semaphore(%arg11 : memref<!tpu.dma_semaphore, #tpu.memory_space<semaphore_mem>>)
    %dma_start3A_8 = arith.constant 0 : i32
    %dma_start3A_9 = arith.constant 0 : i32
    %dma_start3A_10 = tpu.memref_slice %arg4[%add3A, %dma_start3A_8, %dma_start3A_9] : memref<32x125x80xi32, #tpu.memory_space<hbm>> -> memref<1x125x80xi32, #tpu.memory_space<hbm>>
    %dma_start3A_11 = tpu.memref_squeeze %dma_start3A_10 : memref<1x125x80xi32, #tpu.memory_space<hbm>> -> memref<125x80xi32, #tpu.memory_space<hbm>>
    %dma_start3A_12 = arith.constant 0 : i32
    %dma_start3A_13 = arith.constant 0 : i32
    %dma_start3A_14 = tpu.memref_slice %arg4[%add3A, %dma_start3A_12, %dma_start3A_13] : memref<32x125x80xi32, #tpu.memory_space<hbm>> -> memref<1x125x80xi32, #tpu.memory_space<hbm>>
    %dma_start3A_15 = tpu.memref_squeeze %dma_start3A_14 : memref<1x125x80xi32, #tpu.memory_space<hbm>> -> memref<125x80xi32, #tpu.memory_space<hbm>>
    tpu.enqueue_dma source(%dma_start3A_15 : memref<125x80xi32, #tpu.memory_space<hbm>>) target(%arg7 : memref<125x80xi32, #tpu.memory_space<vmem>>) target_semaphore(%arg12 : memref<!tpu.dma_semaphore, #tpu.memory_space<semaphore_mem>>)
    %scan3A = arith.constant 0 : i32
    %scan3A_16 = arith.constant 80 : i32
    %scan3A_17 = arith.addi %scan3A, %scan3A_16 : i32
    %scan3A_18 = arith.constant 1 : i32
    scf.for %scan3A_609 = %scan3A to %scan3A_17 step %scan3A_18  : i32 {
      %mul3A_610 = arith.constant 1 : i32
      %mul3A_611 = arith.muli %scan3A_609, %mul3A_610 : i32
      %add3A_612 = arith.constant 0 : i32
      %add3A_613 = arith.addi %add3A_612, %mul3A_611 : i32
      %broadcast_in_dim3A = arith.constant 0.000000e+00 : f32
      %broadcast_in_dim3A_614 = vector.broadcast %broadcast_in_dim3A : f32 to vector<16xf32>
      %swap3A = arith.index_cast %add3A_613 : i32 to index
      %swap3A_615 = arith.constant 0 : index
      %swap3A_616 = tpu.vector_load %arg8[%swap3A, %swap3A_615] {strides = array<i32>} : memref<80x128xf32, #tpu.memory_space<vmem>>, vector<16xf32>,
      tpu.vector_store %arg8[%swap3A, %swap3A_615], %broadcast_in_dim3A_614 {strides = array<i32>} : memref<80x128xf32, #tpu.memory_space<vmem>>, vector<16xf32>,
      %broadcast_in_dim3A_617 = arith.constant 0.000000e+00 : f32
      %broadcast_in_dim3A_618 = vector.broadcast %broadcast_in_dim3A_617 : f32 to vector<16xf32>
      %swap3A_619 = arith.index_cast %add3A_613 : i32 to index
      %swap3A_620 = arith.constant 16 : index
      %swap3A_621 = tpu.vector_load %arg8[%swap3A_619, %swap3A_620] {strides = array<i32>} : memref<80x128xf32, #tpu.memory_space<vmem>>, vector<16xf32>,
      tpu.vector_store %arg8[%swap3A_619, %swap3A_620], %broadcast_in_dim3A_618 {strides = array<i32>} : memref<80x128xf32, #tpu.memory_space<vmem>>, vector<16xf32>,
      %broadcast_in_dim3A_622 = arith.constant 0.000000e+00 : f32
      %broadcast_in_dim3A_623 = vector.broadcast %broadcast_in_dim3A_622 : f32 to vector<16xf32>
      %swap3A_624 = arith.index_cast %add3A_613 : i32 to index
      %swap3A_625 = arith.constant 32 : index
      %swap3A_626 = tpu.vector_load %arg8[%swap3A_624, %swap3A_625] {strides = array<i32>} : memref<80x128xf32, #tpu.memory_space<vmem>>, vector<16xf32>,
      tpu.vector_store %arg8[%swap3A_624, %swap3A_625], %broadcast_in_dim3A_623 {strides = array<i32>} : memref<80x128xf32, #tpu.memory_space<vmem>>, vector<16xf32>,
      %broadcast_in_dim3A_627 = arith.constant 0.000000e+00 : f32
      %broadcast_in_dim3A_628 = vector.broadcast %broadcast_in_dim3A_627 : f32 to vector<16xf32>
      %swap3A_629 = arith.index_cast %add3A_613 : i32 to index
      %swap3A_630 = arith.constant 48 : index
      %swap3A_631 = tpu.vector_load %arg8[%swap3A_629, %swap3A_630] {strides = array<i32>} : memref<80x128xf32, #tpu.memory_space<vmem>>, vector<16xf32>,
      tpu.vector_store %arg8[%swap3A_629, %swap3A_630], %broadcast_in_dim3A_628 {strides = array<i32>} : memref<80x128xf32, #tpu.memory_space<vmem>>, vector<16xf32>,
      %broadcast_in_dim3A_632 = arith.constant 0.000000e+00 : f32
      %broadcast_in_dim3A_633 = vector.broadcast %broadcast_in_dim3A_632 : f32 to vector<16xf32>
      %swap3A_634 = arith.index_cast %add3A_613 : i32 to index
      %swap3A_635 = arith.constant 64 : index
      %swap3A_636 = tpu.vector_load %arg8[%swap3A_634, %swap3A_635] {strides = array<i32>} : memref<80x128xf32, #tpu.memory_space<vmem>>, vector<16xf32>,
      tpu.vector_store %arg8[%swap3A_634, %swap3A_635], %broadcast_in_dim3A_633 {strides = array<i32>} : memref<80x128xf32, #tpu.memory_space<vmem>>, vector<16xf32>,
      %broadcast_in_dim3A_637 = arith.constant 0.000000e+00 : f32
      %broadcast_in_dim3A_638 = vector.broadcast %broadcast_in_dim3A_637 : f32 to vector<16xf32>
      %swap3A_639 = arith.index_cast %add3A_613 : i32 to index
      %swap3A_640 = arith.constant 80 : index
      %swap3A_641 = tpu.vector_load %arg8[%swap3A_639, %swap3A_640] {strides = array<i32>} : memref<80x128xf32, #tpu.memory_space<vmem>>, vector<16xf32>,
      tpu.vector_store %arg8[%swap3A_639, %swap3A_640], %broadcast_in_dim3A_638 {strides = array<i32>} : memref<80x128xf32, #tpu.memory_space<vmem>>, vector<16xf32>,
      %broadcast_in_dim3A_642 = arith.constant 0.000000e+00 : f32
      %broadcast_in_dim3A_643 = vector.broadcast %broadcast_in_dim3A_642 : f32 to vector<16xf32>
      %swap3A_644 = arith.index_cast %add3A_613 : i32 to index
      %swap3A_645 = arith.constant 96 : index
      %swap3A_646 = tpu.vector_load %arg8[%swap3A_644, %swap3A_645] {strides = array<i32>} : memref<80x128xf32, #tpu.memory_space<vmem>>, vector<16xf32>,
      tpu.vector_store %arg8[%swap3A_644, %swap3A_645], %broadcast_in_dim3A_643 {strides = array<i32>} : memref<80x128xf32, #tpu.memory_space<vmem>>, vector<16xf32>,
      %broadcast_in_dim3A_647 = arith.constant 0.000000e+00 : f32
      %broadcast_in_dim3A_648 = vector.broadcast %broadcast_in_dim3A_647 : f32 to vector<16xf32>
      %swap3A_649 = arith.index_cast %add3A_613 : i32 to index
      %swap3A_650 = arith.constant 112 : index
      %swap3A_651 = tpu.vector_load %arg8[%swap3A_649, %swap3A_650] {strides = array<i32>} : memref<80x128xf32, #tpu.memory_space<vmem>>, vector<16xf32>,
      tpu.vector_store %arg8[%swap3A_649, %swap3A_650], %broadcast_in_dim3A_648 {strides = array<i32>} : memref<80x128xf32, #tpu.memory_space<vmem>>, vector<16xf32>,
    }
    %scan3A_19 = arith.constant 80 : i32
    %mul3A_20 = arith.constant 640 : i32
    %mul3A_21 = arith.muli %arg1, %mul3A_20 : i32
    %add3A_22 = arith.constant 0 : i32
    %add3A_23 = arith.addi %mul3A_21, %add3A_22 : i32
    %dma_start3A_24 = arith.constant 0 : i32
    %dma_start3A_25 = tpu.memref_slice %arg10[%add3A_23, %dma_start3A_24] : memref<10240x128xf32, #tpu.memory_space<vmem_shared>> -> memref<80x128xf32, #tpu.memory_space<vmem_shared>>
    %dma_start3A_26 = arith.constant 0 : i32
    %dma_start3A_27 = tpu.memref_slice %arg10[%add3A_23, %dma_start3A_26] : memref<10240x128xf32, #tpu.memory_space<vmem_shared>> -> memref<80x128xf32, #tpu.memory_space<vmem_shared>>
    tpu.enqueue_dma source(%arg8 : memref<80x128xf32, #tpu.memory_space<vmem>>) target(%dma_start3A_27 : memref<80x128xf32, #tpu.memory_space<vmem_shared>>) target_semaphore(%arg13 : memref<!tpu.dma_semaphore, #tpu.memory_space<semaphore_mem>>)
    %mul3A_28 = arith.constant 640 : i32
    %mul3A_29 = arith.muli %arg1, %mul3A_28 : i32
    %add3A_30 = arith.constant 80 : i32
    %add3A_31 = arith.addi %mul3A_29, %add3A_30 : i32
    %dma_start3A_32 = arith.constant 0 : i32
    %dma_start3A_33 = tpu.memref_slice %arg10[%add3A_31, %dma_start3A_32] : memref<10240x128xf32, #tpu.memory_space<vmem_shared>> -> memref<80x128xf32, #tpu.memory_space<vmem_shared>>
    %dma_start3A_34 = arith.constant 0 : i32
    %dma_start3A_35 = tpu.memref_slice %arg10[%add3A_31, %dma_start3A_34] : memref<10240x128xf32, #tpu.memory_space<vmem_shared>> -> memref<80x128xf32, #tpu.memory_space<vmem_shared>>
    tpu.enqueue_dma source(%arg8 : memref<80x128xf32, #tpu.memory_space<vmem>>) target(%dma_start3A_35 : memref<80x128xf32, #tpu.memory_space<vmem_shared>>) target_semaphore(%arg13 : memref<!tpu.dma_semaphore, #tpu.memory_space<semaphore_mem>>)
    %mul3A_36 = arith.constant 640 : i32
    %mul3A_37 = arith.muli %arg1, %mul3A_36 : i32
    %add3A_38 = arith.constant 160 : i32
    %add3A_39 = arith.addi %mul3A_37, %add3A_38 : i32
    %dma_start3A_40 = arith.constant 0 : i32
    %dma_start3A_41 = tpu.memref_slice %arg10[%add3A_39, %dma_start3A_40] : memref<10240x128xf32, #tpu.memory_space<vmem_shared>> -> memref<80x128xf32, #tpu.memory_space<vmem_shared>>
    %dma_start3A_42 = arith.constant 0 : i32
    %dma_start3A_43 = tpu.memref_slice %arg10[%add3A_39, %dma_start3A_42] : memref<10240x128xf32, #tpu.memory_space<vmem_shared>> -> memref<80x128xf32, #tpu.memory_space<vmem_shared>>
    tpu.enqueue_dma source(%arg8 : memref<80x128xf32, #tpu.memory_space<vmem>>) target(%dma_start3A_43 : memref<80x128xf32, #tpu.memory_space<vmem_shared>>) target_semaphore(%arg13 : memref<!tpu.dma_semaphore, #tpu.memory_space<semaphore_mem>>)
    %mul3A_44 = arith.constant 640 : i32
    %mul3A_45 = arith.muli %arg1, %mul3A_44 : i32
    %add3A_46 = arith.constant 240 : i32
    %add3A_47 = arith.addi %mul3A_45, %add3A_46 : i32
    %dma_start3A_48 = arith.constant 0 : i32
    %dma_start3A_49 = tpu.memref_slice %arg10[%add3A_47, %dma_start3A_48] : memref<10240x128xf32, #tpu.memory_space<vmem_shared>> -> memref<80x128xf32, #tpu.memory_space<vmem_shared>>
    %dma_start3A_50 = arith.constant 0 : i32
    %dma_start3A_51 = tpu.memref_slice %arg10[%add3A_47, %dma_start3A_50] : memref<10240x128xf32, #tpu.memory_space<vmem_shared>> -> memref<80x128xf32, #tpu.memory_space<vmem_shared>>
    tpu.enqueue_dma source(%arg8 : memref<80x128xf32, #tpu.memory_space<vmem>>) target(%dma_start3A_51 : memref<80x128xf32, #tpu.memory_space<vmem_shared>>) target_semaphore(%arg13 : memref<!tpu.dma_semaphore, #tpu.memory_space<semaphore_mem>>)
    %mul3A_52 = arith.constant 640 : i32
    %mul3A_53 = arith.muli %arg1, %mul3A_52 : i32
    %add3A_54 = arith.constant 320 : i32
    %add3A_55 = arith.addi %mul3A_53, %add3A_54 : i32
    %dma_start3A_56 = arith.constant 0 : i32
    %dma_start3A_57 = tpu.memref_slice %arg10[%add3A_55, %dma_start3A_56] : memref<10240x128xf32, #tpu.memory_space<vmem_shared>> -> memref<80x128xf32, #tpu.memory_space<vmem_shared>>
    %dma_start3A_58 = arith.constant 0 : i32
    %dma_start3A_59 = tpu.memref_slice %arg10[%add3A_55, %dma_start3A_58] : memref<10240x128xf32, #tpu.memory_space<vmem_shared>> -> memref<80x128xf32, #tpu.memory_space<vmem_shared>>
    tpu.enqueue_dma source(%arg8 : memref<80x128xf32, #tpu.memory_space<vmem>>) target(%dma_start3A_59 : memref<80x128xf32, #tpu.memory_space<vmem_shared>>) target_semaphore(%arg13 : memref<!tpu.dma_semaphore, #tpu.memory_space<semaphore_mem>>)
    %mul3A_60 = arith.constant 640 : i32
    %mul3A_61 = arith.muli %arg1, %mul3A_60 : i32
    %add3A_62 = arith.constant 400 : i32
    %add3A_63 = arith.addi %mul3A_61, %add3A_62 : i32
    %dma_start3A_64 = arith.constant 0 : i32
    %dma_start3A_65 = tpu.memref_slice %arg10[%add3A_63, %dma_start3A_64] : memref<10240x128xf32, #tpu.memory_space<vmem_shared>> -> memref<80x128xf32, #tpu.memory_space<vmem_shared>>
    %dma_start3A_66 = arith.constant 0 : i32
    %dma_start3A_67 = tpu.memref_slice %arg10[%add3A_63, %dma_start3A_66] : memref<10240x128xf32, #tpu.memory_space<vmem_shared>> -> memref<80x128xf32, #tpu.memory_space<vmem_shared>>
    tpu.enqueue_dma source(%arg8 : memref<80x128xf32, #tpu.memory_space<vmem>>) target(%dma_start3A_67 : memref<80x128xf32, #tpu.memory_space<vmem_shared>>) target_semaphore(%arg13 : memref<!tpu.dma_semaphore, #tpu.memory_space<semaphore_mem>>)
    %mul3A_68 = arith.constant 640 : i32
    %mul3A_69 = arith.muli %arg1, %mul3A_68 : i32
    %add3A_70 = arith.constant 480 : i32
    %add3A_71 = arith.addi %mul3A_69, %add3A_70 : i32
    %dma_start3A_72 = arith.constant 0 : i32
    %dma_start3A_73 = tpu.memref_slice %arg10[%add3A_71, %dma_start3A_72] : memref<10240x128xf32, #tpu.memory_space<vmem_shared>> -> memref<80x128xf32, #tpu.memory_space<vmem_shared>>
    %dma_start3A_74 = arith.constant 0 : i32
    %dma_start3A_75 = tpu.memref_slice %arg10[%add3A_71, %dma_start3A_74] : memref<10240x128xf32, #tpu.memory_space<vmem_shared>> -> memref<80x128xf32, #tpu.memory_space<vmem_shared>>
    tpu.enqueue_dma source(%arg8 : memref<80x128xf32, #tpu.memory_space<vmem>>) target(%dma_start3A_75 : memref<80x128xf32, #tpu.memory_space<vmem_shared>>) target_semaphore(%arg13 : memref<!tpu.dma_semaphore, #tpu.memory_space<semaphore_mem>>)
    %mul3A_76 = arith.constant 640 : i32
    %mul3A_77 = arith.muli %arg1, %mul3A_76 : i32
    %add3A_78 = arith.constant 560 : i32
    %add3A_79 = arith.addi %mul3A_77, %add3A_78 : i32
    %dma_start3A_80 = arith.constant 0 : i32
    %dma_start3A_81 = tpu.memref_slice %arg10[%add3A_79, %dma_start3A_80] : memref<10240x128xf32, #tpu.memory_space<vmem_shared>> -> memref<80x128xf32, #tpu.memory_space<vmem_shared>>
    %dma_start3A_82 = arith.constant 0 : i32
    %dma_start3A_83 = tpu.memref_slice %arg10[%add3A_79, %dma_start3A_82] : memref<10240x128xf32, #tpu.memory_space<vmem_shared>> -> memref<80x128xf32, #tpu.memory_space<vmem_shared>>
    tpu.enqueue_dma source(%arg8 : memref<80x128xf32, #tpu.memory_space<vmem>>) target(%dma_start3A_83 : memref<80x128xf32, #tpu.memory_space<vmem_shared>>) target_semaphore(%arg13 : memref<!tpu.dma_semaphore, #tpu.memory_space<semaphore_mem>>)
    %mul3A_84 = arith.constant 640 : i32
    %mul3A_85 = arith.muli %arg1, %mul3A_84 : i32
    %dma_wait3A = arith.constant 0 : i32
    %dma_wait3A_86 = tpu.memref_slice %arg10[%mul3A_85, %dma_wait3A] : memref<10240x128xf32, #tpu.memory_space<vmem_shared>> -> memref<80x128xf32, #tpu.memory_space<vmem_shared>>
    %dma_wait3A_87 = arith.constant 0 : i32
    %dma_wait3A_88 = tpu.memref_slice %arg10[%mul3A_85, %dma_wait3A_87] : memref<10240x128xf32, #tpu.memory_space<vmem_shared>> -> memref<80x128xf32, #tpu.memory_space<vmem_shared>>
    tpu.wait_dma2 semaphore(%arg13 : memref<!tpu.dma_semaphore, #tpu.memory_space<semaphore_mem>>) src(%arg8 : memref<80x128xf32, #tpu.memory_space<vmem>>) dst(%dma_wait3A_88 : memref<80x128xf32, #tpu.memory_space<vmem_shared>>)
    %mul3A_89 = arith.constant 640 : i32
    %mul3A_90 = arith.muli %arg1, %mul3A_89 : i32
    %dma_wait3A_91 = arith.constant 0 : i32
    %dma_wait3A_92 = tpu.memref_slice %arg10[%mul3A_90, %dma_wait3A_91] : memref<10240x128xf32, #tpu.memory_space<vmem_shared>> -> memref<80x128xf32, #tpu.memory_space<vmem_shared>>
    %dma_wait3A_93 = arith.constant 0 : i32
    %dma_wait3A_94 = tpu.memref_slice %arg10[%mul3A_90, %dma_wait3A_93] : memref<10240x128xf32, #tpu.memory_space<vmem_shared>> -> memref<80x128xf32, #tpu.memory_space<vmem_shared>>
    tpu.wait_dma2 semaphore(%arg13 : memref<!tpu.dma_semaphore, #tpu.memory_space<semaphore_mem>>) src(%arg8 : memref<80x128xf32, #tpu.memory_space<vmem>>) dst(%dma_wait3A_94 : memref<80x128xf32, #tpu.memory_space<vmem_shared>>)
    %mul3A_95 = arith.constant 640 : i32
    %mul3A_96 = arith.muli %arg1, %mul3A_95 : i32
    %dma_wait3A_97 = arith.constant 0 : i32
    %dma_wait3A_98 = tpu.memref_slice %arg10[%mul3A_96, %dma_wait3A_97] : memref<10240x128xf32, #tpu.memory_space<vmem_shared>> -> memref<80x128xf32, #tpu.memory_space<vmem_shared>>
    %dma_wait3A_99 = arith.constant 0 : i32
    %dma_wait3A_100 = tpu.memref_slice %arg10[%mul3A_96, %dma_wait3A_99] : memref<10240x128xf32, #tpu.memory_space<vmem_shared>> -> memref<80x128xf32, #tpu.memory_space<vmem_shared>>
    tpu.wait_dma2 semaphore(%arg13 : memref<!tpu.dma_semaphore, #tpu.memory_space<semaphore_mem>>) src(%arg8 : memref<80x128xf32, #tpu.memory_space<vmem>>) dst(%dma_wait3A_100 : memref<80x128xf32, #tpu.memory_space<vmem_shared>>)
    %mul3A_101 = arith.constant 640 : i32
    %mul3A_102 = arith.muli %arg1, %mul3A_101 : i32
    %dma_wait3A_103 = arith.constant 0 : i32
    %dma_wait3A_104 = tpu.memref_slice %arg10[%mul3A_102, %dma_wait3A_103] : memref<10240x128xf32, #tpu.memory_space<vmem_shared>> -> memref<80x128xf32, #tpu.memory_space<vmem_shared>>
    %dma_wait3A_105 = arith.constant 0 : i32
    %dma_wait3A_106 = tpu.memref_slice %arg10[%mul3A_102, %dma_wait3A_105] : memref<10240x128xf32, #tpu.memory_space<vmem_shared>> -> memref<80x128xf32, #tpu.memory_space<vmem_shared>>
    tpu.wait_dma2 semaphore(%arg13 : memref<!tpu.dma_semaphore, #tpu.memory_space<semaphore_mem>>) src(%arg8 : memref<80x128xf32, #tpu.memory_space<vmem>>) dst(%dma_wait3A_106 : memref<80x128xf32, #tpu.memory_space<vmem_shared>>)
    %mul3A_107 = arith.constant 640 : i32
    %mul3A_108 = arith.muli %arg1, %mul3A_107 : i32
    %dma_wait3A_109 = arith.constant 0 : i32
    %dma_wait3A_110 = tpu.memref_slice %arg10[%mul3A_108, %dma_wait3A_109] : memref<10240x128xf32, #tpu.memory_space<vmem_shared>> -> memref<80x128xf32, #tpu.memory_space<vmem_shared>>
    %dma_wait3A_111 = arith.constant 0 : i32
    %dma_wait3A_112 = tpu.memref_slice %arg10[%mul3A_108, %dma_wait3A_111] : memref<10240x128xf32, #tpu.memory_space<vmem_shared>> -> memref<80x128xf32, #tpu.memory_space<vmem_shared>>
    tpu.wait_dma2 semaphore(%arg13 : memref<!tpu.dma_semaphore, #tpu.memory_space<semaphore_mem>>) src(%arg8 : memref<80x128xf32, #tpu.memory_space<vmem>>) dst(%dma_wait3A_112 : memref<80x128xf32, #tpu.memory_space<vmem_shared>>)
    %mul3A_113 = arith.constant 640 : i32
    %mul3A_114 = arith.muli %arg1, %mul3A_113 : i32
    %dma_wait3A_115 = arith.constant 0 : i32
    %dma_wait3A_116 = tpu.memref_slice %arg10[%mul3A_114, %dma_wait3A_115] : memref<10240x128xf32, #tpu.memory_space<vmem_shared>> -> memref<80x128xf32, #tpu.memory_space<vmem_shared>>
    %dma_wait3A_117 = arith.constant 0 : i32
    %dma_wait3A_118 = tpu.memref_slice %arg10[%mul3A_114, %dma_wait3A_117] : memref<10240x128xf32, #tpu.memory_space<vmem_shared>> -> memref<80x128xf32, #tpu.memory_space<vmem_shared>>
    tpu.wait_dma2 semaphore(%arg13 : memref<!tpu.dma_semaphore, #tpu.memory_space<semaphore_mem>>) src(%arg8 : memref<80x128xf32, #tpu.memory_space<vmem>>) dst(%dma_wait3A_118 : memref<80x128xf32, #tpu.memory_space<vmem_shared>>)
    %mul3A_119 = arith.constant 640 : i32
    %mul3A_120 = arith.muli %arg1, %mul3A_119 : i32
    %dma_wait3A_121 = arith.constant 0 : i32
    %dma_wait3A_122 = tpu.memref_slice %arg10[%mul3A_120, %dma_wait3A_121] : memref<10240x128xf32, #tpu.memory_space<vmem_shared>> -> memref<80x128xf32, #tpu.memory_space<vmem_shared>>
    %dma_wait3A_123 = arith.constant 0 : i32
    %dma_wait3A_124 = tpu.memref_slice %arg10[%mul3A_120, %dma_wait3A_123] : memref<10240x128xf32, #tpu.memory_space<vmem_shared>> -> memref<80x128xf32, #tpu.memory_space<vmem_shared>>
    tpu.wait_dma2 semaphore(%arg13 : memref<!tpu.dma_semaphore, #tpu.memory_space<semaphore_mem>>) src(%arg8 : memref<80x128xf32, #tpu.memory_space<vmem>>) dst(%dma_wait3A_124 : memref<80x128xf32, #tpu.memory_space<vmem_shared>>)
    %mul3A_125 = arith.constant 640 : i32
    %mul3A_126 = arith.muli %arg1, %mul3A_125 : i32
    %dma_wait3A_127 = arith.constant 0 : i32
    %dma_wait3A_128 = tpu.memref_slice %arg10[%mul3A_126, %dma_wait3A_127] : memref<10240x128xf32, #tpu.memory_space<vmem_shared>> -> memref<80x128xf32, #tpu.memory_space<vmem_shared>>
    %dma_wait3A_129 = arith.constant 0 : i32
    %dma_wait3A_130 = tpu.memref_slice %arg10[%mul3A_126, %dma_wait3A_129] : memref<10240x128xf32, #tpu.memory_space<vmem_shared>> -> memref<80x128xf32, #tpu.memory_space<vmem_shared>>
    tpu.wait_dma2 semaphore(%arg13 : memref<!tpu.dma_semaphore, #tpu.memory_space<semaphore_mem>>) src(%arg8 : memref<80x128xf32, #tpu.memory_space<vmem>>) dst(%dma_wait3A_130 : memref<80x128xf32, #tpu.memory_space<vmem_shared>>)
    %dma_wait3A_131 = arith.constant 0 : i32
    %dma_wait3A_132 = arith.constant 0 : i32
    %dma_wait3A_133 = tpu.memref_slice %arg3[%add3A, %dma_wait3A_131, %dma_wait3A_132] : memref<32x125x80xi32, #tpu.memory_space<hbm>> -> memref<1x125x80xi32, #tpu.memory_space<hbm>>
    %dma_wait3A_134 = tpu.memref_squeeze %dma_wait3A_133 : memref<1x125x80xi32, #tpu.memory_space<hbm>> -> memref<125x80xi32, #tpu.memory_space<hbm>>
    %dma_wait3A_135 = arith.constant 0 : i32
    %dma_wait3A_136 = arith.constant 0 : i32
    %dma_wait3A_137 = tpu.memref_slice %arg3[%add3A, %dma_wait3A_135, %dma_wait3A_136] : memref<32x125x80xi32, #tpu.memory_space<hbm>> -> memref<1x125x80xi32, #tpu.memory_space<hbm>>
    %dma_wait3A_138 = tpu.memref_squeeze %dma_wait3A_137 : memref<1x125x80xi32, #tpu.memory_space<hbm>> -> memref<125x80xi32, #tpu.memory_space<hbm>>
    tpu.wait_dma2 semaphore(%arg11 : memref<!tpu.dma_semaphore, #tpu.memory_space<semaphore_mem>>) src(%dma_wait3A_138 : memref<125x80xi32, #tpu.memory_space<hbm>>) dst(%arg6 : memref<125x80xi32, #tpu.memory_space<vmem>>)
    %dma_wait3A_139 = arith.constant 0 : i32
    %dma_wait3A_140 = arith.constant 0 : i32
    %dma_wait3A_141 = tpu.memref_slice %arg4[%add3A, %dma_wait3A_139, %dma_wait3A_140] : memref<32x125x80xi32, #tpu.memory_space<hbm>> -> memref<1x125x80xi32, #tpu.memory_space<hbm>>
    %dma_wait3A_142 = tpu.memref_squeeze %dma_wait3A_141 : memref<1x125x80xi32, #tpu.memory_space<hbm>> -> memref<125x80xi32, #tpu.memory_space<hbm>>
    %dma_wait3A_143 = arith.constant 0 : i32
    %dma_wait3A_144 = arith.constant 0 : i32
    %dma_wait3A_145 = tpu.memref_slice %arg4[%add3A, %dma_wait3A_143, %dma_wait3A_144] : memref<32x125x80xi32, #tpu.memory_space<hbm>> -> memref<1x125x80xi32, #tpu.memory_space<hbm>>
    %dma_wait3A_146 = tpu.memref_squeeze %dma_wait3A_145 : memref<1x125x80xi32, #tpu.memory_space<hbm>> -> memref<125x80xi32, #tpu.memory_space<hbm>>
    tpu.wait_dma2 semaphore(%arg12 : memref<!tpu.dma_semaphore, #tpu.memory_space<semaphore_mem>>) src(%dma_wait3A_146 : memref<125x80xi32, #tpu.memory_space<hbm>>) dst(%arg7 : memref<125x80xi32, #tpu.memory_space<vmem>>)
    %barrier3A = arith.constant 0 : index
    tpu.barrier barrier_id(%barrier3A)
    %min3A = arith.constant 0 : i32
    %min3A_147 = arith.constant 124 : i32
    %min3A_148 = arith.minsi %min3A, %min3A_147 : i32
    %dma_start3A_149 = arith.constant 0 : i32
    %dma_start3A_150 = tpu.memref_slice %arg6[%min3A_148, %dma_start3A_149] : memref<125x80xi32, #tpu.memory_space<vmem>> -> memref<1x80xi32, #tpu.memory_space<vmem>>
    %dma_start3A_151 = tpu.memref_squeeze %dma_start3A_150 : memref<1x80xi32, #tpu.memory_space<vmem>> -> memref<80xi32, #tpu.memory_space<vmem>>
    %dma_start3A_152 = arith.constant 0 : i32
    %dma_start3A_153 = arith.constant 0 : i32
    %dma_start3A_154 = tpu.memref_slice %arg2[%dma_start3A_152, %dma_start3A_153] : memref<10240x128xf32, #tpu.memory_space<hbm>> -> memref<10240x128xf32, #tpu.memory_space<hbm>>
    tpu.enqueue_indirect_dma source(%dma_start3A_154 : memref<10240x128xf32, #tpu.memory_space<hbm>>) target(%arg8 : memref<80x128xf32, #tpu.memory_space<vmem>>) offsets(%dma_start3A_151 : memref<80xi32, #tpu.memory_space<vmem>>) semaphore(%arg11 : memref<!tpu.dma_semaphore, #tpu.memory_space<semaphore_mem>>)
    %scan3A_155 = arith.constant 0 : i32
    %scan3A_156 = arith.constant 63 : i32
    %scan3A_157 = arith.addi %scan3A_155, %scan3A_156 : i32
    %scan3A_158 = arith.constant 1 : i32
    scf.for %scan3A_609 = %scan3A_155 to %scan3A_157 step %scan3A_158  : i32 {
      %mul3A_610 = arith.constant 1 : i32
      %mul3A_611 = arith.muli %scan3A_609, %mul3A_610 : i32
      %add3A_612 = arith.constant 0 : i32
      %add3A_613 = arith.addi %add3A_612, %mul3A_611 : i32
      %mul3A_614 = arith.constant 2 : i32
      %mul3A_615 = arith.muli %mul3A_614, %add3A_613 : i32
      %add3A_616 = arith.constant 1 : i32
      %add3A_617 = arith.addi %mul3A_615, %add3A_616 : i32
      %gt3A = arith.constant 0 : i32
      %gt3A_618 = arith.cmpi sgt, %add3A_613, %gt3A : i32
      %convert_element_type3A = arith.extui %gt3A_618 : i1 to i32
      %cond3A = arith.constant 0 : i32
      %cond3A_619 = arith.cmpi ne, %convert_element_type3A, %cond3A : i32
      scf.if %cond3A_619 {
        %dma_wait3A_664 = arith.constant 0 : i32
        %dma_wait3A_665 = arith.constant 0 : i32
        %dma_wait3A_666 = tpu.memref_slice %arg7[%dma_wait3A_664, %dma_wait3A_665] : memref<125x80xi32, #tpu.memory_space<vmem>> -> memref<1x80xi32, #tpu.memory_space<vmem>>
        %dma_wait3A_667 = tpu.memref_squeeze %dma_wait3A_666 : memref<1x80xi32, #tpu.memory_space<vmem>> -> memref<80xi32, #tpu.memory_space<vmem>>
        %dma_wait3A_668 = arith.constant 0 : i32
        %dma_wait3A_669 = arith.constant 0 : i32
        %dma_wait3A_670 = tpu.memref_slice %arg10[%dma_wait3A_668, %dma_wait3A_669] : memref<10240x128xf32, #tpu.memory_space<vmem_shared>> -> memref<10240x128xf32, #tpu.memory_space<vmem_shared>>
        tpu.wait_indirect_dma semaphore(%arg14 : memref<!tpu.dma_semaphore, #tpu.memory_space<semaphore_mem>>) src(%arg9 : memref<80x128xf32, #tpu.memory_space<vmem>>) dst(%dma_wait3A_670 : memref<10240x128xf32, #tpu.memory_space<vmem_shared>>)
      } else {
      }
      %min3A_620 = arith.constant 124 : i32
      %min3A_621 = arith.minsi %add3A_617, %min3A_620 : i32
      %dma_start3A_622 = arith.constant 0 : i32
      %dma_start3A_623 = tpu.memref_slice %arg6[%min3A_621, %dma_start3A_622] : memref<125x80xi32, #tpu.memory_space<vmem>> -> memref<1x80xi32, #tpu.memory_space<vmem>>
      %dma_start3A_624 = tpu.memref_squeeze %dma_start3A_623 : memref<1x80xi32, #tpu.memory_space<vmem>> -> memref<80xi32, #tpu.memory_space<vmem>>
      %dma_start3A_625 = arith.constant 0 : i32
      %dma_start3A_626 = arith.constant 0 : i32
      %dma_start3A_627 = tpu.memref_slice %arg2[%dma_start3A_625, %dma_start3A_626] : memref<10240x128xf32, #tpu.memory_space<hbm>> -> memref<10240x128xf32, #tpu.memory_space<hbm>>
      tpu.enqueue_indirect_dma source(%dma_start3A_627 : memref<10240x128xf32, #tpu.memory_space<hbm>>) target(%arg9 : memref<80x128xf32, #tpu.memory_space<vmem>>) offsets(%dma_start3A_624 : memref<80xi32, #tpu.memory_space<vmem>>) semaphore(%arg12 : memref<!tpu.dma_semaphore, #tpu.memory_space<semaphore_mem>>)
      %dma_wait3A_628 = arith.constant 0 : i32
      %dma_wait3A_629 = arith.constant 0 : i32
      %dma_wait3A_630 = tpu.memref_slice %arg6[%dma_wait3A_628, %dma_wait3A_629] : memref<125x80xi32, #tpu.memory_space<vmem>> -> memref<1x80xi32, #tpu.memory_space<vmem>>
      %dma_wait3A_631 = tpu.memref_squeeze %dma_wait3A_630 : memref<1x80xi32, #tpu.memory_space<vmem>> -> memref<80xi32, #tpu.memory_space<vmem>>
      %dma_wait3A_632 = arith.constant 0 : i32
      %dma_wait3A_633 = arith.constant 0 : i32
      %dma_wait3A_634 = tpu.memref_slice %arg2[%dma_wait3A_632, %dma_wait3A_633] : memref<10240x128xf32, #tpu.memory_space<hbm>> -> memref<10240x128xf32, #tpu.memory_space<hbm>>
      tpu.wait_indirect_dma semaphore(%arg11 : memref<!tpu.dma_semaphore, #tpu.memory_space<semaphore_mem>>) src(%dma_wait3A_634 : memref<10240x128xf32, #tpu.memory_space<hbm>>) dst(%arg8 : memref<80x128xf32, #tpu.memory_space<vmem>>)
      %dma_start3A_635 = arith.constant 0 : i32
      %dma_start3A_636 = tpu.memref_slice %arg7[%mul3A_615, %dma_start3A_635] : memref<125x80xi32, #tpu.memory_space<vmem>> -> memref<1x80xi32, #tpu.memory_space<vmem>>
      %dma_start3A_637 = tpu.memref_squeeze %dma_start3A_636 : memref<1x80xi32, #tpu.memory_space<vmem>> -> memref<80xi32, #tpu.memory_space<vmem>>
      %dma_start3A_638 = arith.constant 0 : i32
      %dma_start3A_639 = arith.constant 0 : i32
      %dma_start3A_640 = tpu.memref_slice %arg10[%dma_start3A_638, %dma_start3A_639] : memref<10240x128xf32, #tpu.memory_space<vmem_shared>> -> memref<10240x128xf32, #tpu.memory_space<vmem_shared>>
      tpu.enqueue_indirect_dma source(%arg8 : memref<80x128xf32, #tpu.memory_space<vmem>>) target(%dma_start3A_640 : memref<10240x128xf32, #tpu.memory_space<vmem_shared>>) offsets(%dma_start3A_637 : memref<80xi32, #tpu.memory_space<vmem>>) semaphore(%arg13 : memref<!tpu.dma_semaphore, #tpu.memory_space<semaphore_mem>>) {add = true}
      %dma_wait3A_641 = arith.constant 0 : i32
      %dma_wait3A_642 = arith.constant 0 : i32
      %dma_wait3A_643 = tpu.memref_slice %arg7[%dma_wait3A_641, %dma_wait3A_642] : memref<125x80xi32, #tpu.memory_space<vmem>> -> memref<1x80xi32, #tpu.memory_space<vmem>>
      %dma_wait3A_644 = tpu.memref_squeeze %dma_wait3A_643 : memref<1x80xi32, #tpu.memory_space<vmem>> -> memref<80xi32, #tpu.memory_space<vmem>>
      %dma_wait3A_645 = arith.constant 0 : i32
      %dma_wait3A_646 = arith.constant 0 : i32
      %dma_wait3A_647 = tpu.memref_slice %arg10[%dma_wait3A_645, %dma_wait3A_646] : memref<10240x128xf32, #tpu.memory_space<vmem_shared>> -> memref<10240x128xf32, #tpu.memory_space<vmem_shared>>
      tpu.wait_indirect_dma semaphore(%arg13 : memref<!tpu.dma_semaphore, #tpu.memory_space<semaphore_mem>>) src(%arg8 : memref<80x128xf32, #tpu.memory_space<vmem>>) dst(%dma_wait3A_647 : memref<10240x128xf32, #tpu.memory_space<vmem_shared>>)
      %lt3A = arith.constant 62 : i32
      %lt3A_648 = arith.cmpi slt, %add3A_613, %lt3A : i32
      %convert_element_type3A_649 = arith.extui %lt3A_648 : i1 to i32
      %cond3A_650 = arith.constant 0 : i32
      %cond3A_651 = arith.cmpi ne, %convert_element_type3A_649, %cond3A_650 : i32
      scf.if %cond3A_651 {
        %add3A_664 = arith.constant 2 : i32
        %add3A_665 = arith.addi %mul3A_615, %add3A_664 : i32
        %min3A_666 = arith.constant 124 : i32
        %min3A_667 = arith.minsi %add3A_665, %min3A_666 : i32
        %dma_start3A_668 = arith.constant 0 : i32
        %dma_start3A_669 = tpu.memref_slice %arg6[%min3A_667, %dma_start3A_668] : memref<125x80xi32, #tpu.memory_space<vmem>> -> memref<1x80xi32, #tpu.memory_space<vmem>>
        %dma_start3A_670 = tpu.memref_squeeze %dma_start3A_669 : memref<1x80xi32, #tpu.memory_space<vmem>> -> memref<80xi32, #tpu.memory_space<vmem>>
        %dma_start3A_671 = arith.constant 0 : i32
        %dma_start3A_672 = arith.constant 0 : i32
        %dma_start3A_673 = tpu.memref_slice %arg2[%dma_start3A_671, %dma_start3A_672] : memref<10240x128xf32, #tpu.memory_space<hbm>> -> memref<10240x128xf32, #tpu.memory_space<hbm>>
        tpu.enqueue_indirect_dma source(%dma_start3A_673 : memref<10240x128xf32, #tpu.memory_space<hbm>>) target(%arg8 : memref<80x128xf32, #tpu.memory_space<vmem>>) offsets(%dma_start3A_670 : memref<80xi32, #tpu.memory_space<vmem>>) semaphore(%arg11 : memref<!tpu.dma_semaphore, #tpu.memory_space<semaphore_mem>>)
      } else {
      }
      %dma_wait3A_652 = arith.constant 0 : i32
      %dma_wait3A_653 = arith.constant 0 : i32
      %dma_wait3A_654 = tpu.memref_slice %arg6[%dma_wait3A_652, %dma_wait3A_653] : memref<125x80xi32, #tpu.memory_space<vmem>> -> memref<1x80xi32, #tpu.memory_space<vmem>>
      %dma_wait3A_655 = tpu.memref_squeeze %dma_wait3A_654 : memref<1x80xi32, #tpu.memory_space<vmem>> -> memref<80xi32, #tpu.memory_space<vmem>>
      %dma_wait3A_656 = arith.constant 0 : i32
      %dma_wait3A_657 = arith.constant 0 : i32
      %dma_wait3A_658 = tpu.memref_slice %arg2[%dma_wait3A_656, %dma_wait3A_657] : memref<10240x128xf32, #tpu.memory_space<hbm>> -> memref<10240x128xf32, #tpu.memory_space<hbm>>
      tpu.wait_indirect_dma semaphore(%arg12 : memref<!tpu.dma_semaphore, #tpu.memory_space<semaphore_mem>>) src(%dma_wait3A_658 : memref<10240x128xf32, #tpu.memory_space<hbm>>) dst(%arg9 : memref<80x128xf32, #tpu.memory_space<vmem>>)
      %lt3A_659 = arith.constant 125 : i32
      %lt3A_660 = arith.cmpi slt, %add3A_617, %lt3A_659 : i32
      %convert_element_type3A_661 = arith.extui %lt3A_660 : i1 to i32
      %cond3A_662 = arith.constant 0 : i32
      %cond3A_663 = arith.cmpi ne, %convert_element_type3A_661, %cond3A_662 : i32
      scf.if %cond3A_663 {
        %dma_start3A_664 = arith.constant 0 : i32
        %dma_start3A_665 = tpu.memref_slice %arg7[%add3A_617, %dma_start3A_664] : memref<125x80xi32, #tpu.memory_space<vmem>> -> memref<1x80xi32, #tpu.memory_space<vmem>>
        %dma_start3A_666 = tpu.memref_squeeze %dma_start3A_665 : memref<1x80xi32, #tpu.memory_space<vmem>> -> memref<80xi32, #tpu.memory_space<vmem>>
        %dma_start3A_667 = arith.constant 0 : i32
        %dma_start3A_668 = arith.constant 0 : i32
        %dma_start3A_669 = tpu.memref_slice %arg10[%dma_start3A_667, %dma_start3A_668] : memref<10240x128xf32, #tpu.memory_space<vmem_shared>> -> memref<10240x128xf32, #tpu.memory_space<vmem_shared>>
        tpu.enqueue_indirect_dma source(%arg9 : memref<80x128xf32, #tpu.memory_space<vmem>>) target(%dma_start3A_669 : memref<10240x128xf32, #tpu.memory_space<vmem_shared>>) offsets(%dma_start3A_666 : memref<80xi32, #tpu.memory_space<vmem>>) semaphore(%arg14 : memref<!tpu.dma_semaphore, #tpu.memory_space<semaphore_mem>>) {add = true}
      } else {
      }
    }
    %scan3A_159 = arith.constant 63 : i32
    %barrier3A_160 = arith.constant 0 : index
    tpu.barrier barrier_id(%barrier3A_160)
    %mul3A_161 = arith.constant 640 : i32
    %mul3A_162 = arith.muli %arg1, %mul3A_161 : i32
    %add3A_163 = arith.constant 0 : i32
    %add3A_164 = arith.addi %mul3A_162, %add3A_163 : i32
    %dma_start3A_165 = arith.constant 0 : i32
    %dma_start3A_166 = arith.constant 0 : i32
    %dma_start3A_167 = tpu.memref_slice %arg8[%dma_start3A_165, %dma_start3A_166] : memref<80x128xf32, #tpu.memory_space<vmem>> -> memref<80x128xf32, #tpu.memory_space<vmem>>
    %dma_start3A_168 = arith.constant 0 : i32
    %dma_start3A_169 = tpu.memref_slice %arg10[%add3A_164, %dma_start3A_168] : memref<10240x128xf32, #tpu.memory_space<vmem_shared>> -> memref<80x128xf32, #tpu.memory_space<vmem_shared>>
    %dma_start3A_170 = arith.constant 0 : i32
    %dma_start3A_171 = arith.constant 0 : i32
    %dma_start3A_172 = tpu.memref_slice %arg8[%dma_start3A_170, %dma_start3A_171] : memref<80x128xf32, #tpu.memory_space<vmem>> -> memref<80x128xf32, #tpu.memory_space<vmem>>
    %dma_start3A_173 = arith.constant 0 : i32
    %dma_start3A_174 = tpu.memref_slice %arg10[%add3A_164, %dma_start3A_173] : memref<10240x128xf32, #tpu.memory_space<vmem_shared>> -> memref<80x128xf32, #tpu.memory_space<vmem_shared>>
    tpu.enqueue_dma source(%dma_start3A_174 : memref<80x128xf32, #tpu.memory_space<vmem_shared>>) target(%dma_start3A_172 : memref<80x128xf32, #tpu.memory_space<vmem>>) target_semaphore(%arg11 : memref<!tpu.dma_semaphore, #tpu.memory_space<semaphore_mem>>)
    %mul3A_175 = arith.constant 640 : i32
    %mul3A_176 = arith.muli %arg1, %mul3A_175 : i32
    %dma_wait3A_177 = arith.constant 0 : i32
    %dma_wait3A_178 = arith.constant 0 : i32
    %dma_wait3A_179 = tpu.memref_slice %arg8[%dma_wait3A_177, %dma_wait3A_178] : memref<80x128xf32, #tpu.memory_space<vmem>> -> memref<80x128xf32, #tpu.memory_space<vmem>>
    %dma_wait3A_180 = arith.constant 0 : i32
    %dma_wait3A_181 = tpu.memref_slice %arg10[%mul3A_176, %dma_wait3A_180] : memref<10240x128xf32, #tpu.memory_space<vmem_shared>> -> memref<80x128xf32, #tpu.memory_space<vmem_shared>>
    %dma_wait3A_182 = arith.constant 0 : i32
    %dma_wait3A_183 = arith.constant 0 : i32
    %dma_wait3A_184 = tpu.memref_slice %arg8[%dma_wait3A_182, %dma_wait3A_183] : memref<80x128xf32, #tpu.memory_space<vmem>> -> memref<80x128xf32, #tpu.memory_space<vmem>>
    %dma_wait3A_185 = arith.constant 0 : i32
    %dma_wait3A_186 = tpu.memref_slice %arg10[%mul3A_176, %dma_wait3A_185] : memref<10240x128xf32, #tpu.memory_space<vmem_shared>> -> memref<80x128xf32, #tpu.memory_space<vmem_shared>>
    tpu.wait_dma2 semaphore(%arg11 : memref<!tpu.dma_semaphore, #tpu.memory_space<semaphore_mem>>) src(%dma_wait3A_186 : memref<80x128xf32, #tpu.memory_space<vmem_shared>>) dst(%dma_wait3A_184 : memref<80x128xf32, #tpu.memory_space<vmem>>)
    %mul3A_187 = arith.constant 640 : i32
    %mul3A_188 = arith.muli %arg1, %mul3A_187 : i32
    %add3A_189 = arith.constant 0 : i32
    %add3A_190 = arith.addi %mul3A_188, %add3A_189 : i32
    %dma_start3A_191 = arith.constant 0 : i32
    %dma_start3A_192 = arith.constant 0 : i32
    %dma_start3A_193 = tpu.memref_slice %arg8[%dma_start3A_191, %dma_start3A_192] : memref<80x128xf32, #tpu.memory_space<vmem>> -> memref<80x128xf32, #tpu.memory_space<vmem>>
    %dma_start3A_194 = arith.constant 0 : i32
    %dma_start3A_195 = tpu.memref_slice %arg5[%arg0, %add3A_190, %dma_start3A_194] : memref<2x10240x128xf32, #tpu.memory_space<hbm>> -> memref<1x80x128xf32, #tpu.memory_space<hbm>>
    %dma_start3A_196 = tpu.memref_squeeze %dma_start3A_195 : memref<1x80x128xf32, #tpu.memory_space<hbm>> -> memref<80x128xf32, #tpu.memory_space<hbm>>
    %dma_start3A_197 = arith.constant 0 : i32
    %dma_start3A_198 = tpu.memref_slice %arg5[%arg0, %add3A_190, %dma_start3A_197] : memref<2x10240x128xf32, #tpu.memory_space<hbm>> -> memref<1x80x128xf32, #tpu.memory_space<hbm>>
    %dma_start3A_199 = tpu.memref_squeeze %dma_start3A_198 : memref<1x80x128xf32, #tpu.memory_space<hbm>> -> memref<80x128xf32, #tpu.memory_space<hbm>>
    %dma_start3A_200 = arith.constant 0 : i32
    %dma_start3A_201 = arith.constant 0 : i32
    %dma_start3A_202 = tpu.memref_slice %arg8[%dma_start3A_200, %dma_start3A_201] : memref<80x128xf32, #tpu.memory_space<vmem>> -> memref<80x128xf32, #tpu.memory_space<vmem>>
    tpu.enqueue_dma source(%dma_start3A_202 : memref<80x128xf32, #tpu.memory_space<vmem>>) target(%dma_start3A_199 : memref<80x128xf32, #tpu.memory_space<hbm>>) target_semaphore(%arg13 : memref<!tpu.dma_semaphore, #tpu.memory_space<semaphore_mem>>)
    %mul3A_203 = arith.constant 640 : i32
    %mul3A_204 = arith.muli %arg1, %mul3A_203 : i32
    %add3A_205 = arith.constant 80 : i32
    %add3A_206 = arith.addi %mul3A_204, %add3A_205 : i32
    %dma_start3A_207 = arith.constant 0 : i32
    %dma_start3A_208 = arith.constant 0 : i32
    %dma_start3A_209 = tpu.memref_slice %arg9[%dma_start3A_207, %dma_start3A_208] : memref<80x128xf32, #tpu.memory_space<vmem>> -> memref<80x128xf32, #tpu.memory_space<vmem>>
    %dma_start3A_210 = arith.constant 0 : i32
    %dma_start3A_211 = tpu.memref_slice %arg10[%add3A_206, %dma_start3A_210] : memref<10240x128xf32, #tpu.memory_space<vmem_shared>> -> memref<80x128xf32, #tpu.memory_space<vmem_shared>>
    %dma_start3A_212 = arith.constant 0 : i32
    %dma_start3A_213 = arith.constant 0 : i32
    %dma_start3A_214 = tpu.memref_slice %arg9[%dma_start3A_212, %dma_start3A_213] : memref<80x128xf32, #tpu.memory_space<vmem>> -> memref<80x128xf32, #tpu.memory_space<vmem>>
    %dma_start3A_215 = arith.constant 0 : i32
    %dma_start3A_216 = tpu.memref_slice %arg10[%add3A_206, %dma_start3A_215] : memref<10240x128xf32, #tpu.memory_space<vmem_shared>> -> memref<80x128xf32, #tpu.memory_space<vmem_shared>>
    tpu.enqueue_dma source(%dma_start3A_216 : memref<80x128xf32, #tpu.memory_space<vmem_shared>>) target(%dma_start3A_214 : memref<80x128xf32, #tpu.memory_space<vmem>>) target_semaphore(%arg12 : memref<!tpu.dma_semaphore, #tpu.memory_space<semaphore_mem>>)
    %mul3A_217 = arith.constant 640 : i32
    %mul3A_218 = arith.muli %arg1, %mul3A_217 : i32
    %dma_wait3A_219 = arith.constant 0 : i32
    %dma_wait3A_220 = arith.constant 0 : i32
    %dma_wait3A_221 = tpu.memref_slice %arg9[%dma_wait3A_219, %dma_wait3A_220] : memref<80x128xf32, #tpu.memory_space<vmem>> -> memref<80x128xf32, #tpu.memory_space<vmem>>
    %dma_wait3A_222 = arith.constant 0 : i32
    %dma_wait3A_223 = tpu.memref_slice %arg10[%mul3A_218, %dma_wait3A_222] : memref<10240x128xf32, #tpu.memory_space<vmem_shared>> -> memref<80x128xf32, #tpu.memory_space<vmem_shared>>
    %dma_wait3A_224 = arith.constant 0 : i32
    %dma_wait3A_225 = arith.constant 0 : i32
    %dma_wait3A_226 = tpu.memref_slice %arg9[%dma_wait3A_224, %dma_wait3A_225] : memref<80x128xf32, #tpu.memory_space<vmem>> -> memref<80x128xf32, #tpu.memory_space<vmem>>
    %dma_wait3A_227 = arith.constant 0 : i32
    %dma_wait3A_228 = tpu.memref_slice %arg10[%mul3A_218, %dma_wait3A_227] : memref<10240x128xf32, #tpu.memory_space<vmem_shared>> -> memref<80x128xf32, #tpu.memory_space<vmem_shared>>
    tpu.wait_dma2 semaphore(%arg12 : memref<!tpu.dma_semaphore, #tpu.memory_space<semaphore_mem>>) src(%dma_wait3A_228 : memref<80x128xf32, #tpu.memory_space<vmem_shared>>) dst(%dma_wait3A_226 : memref<80x128xf32, #tpu.memory_space<vmem>>)
    %mul3A_229 = arith.constant 640 : i32
    %mul3A_230 = arith.muli %arg1, %mul3A_229 : i32
    %add3A_231 = arith.constant 80 : i32
    %add3A_232 = arith.addi %mul3A_230, %add3A_231 : i32
    %dma_start3A_233 = arith.constant 0 : i32
    %dma_start3A_234 = arith.constant 0 : i32
    %dma_start3A_235 = tpu.memref_slice %arg9[%dma_start3A_233, %dma_start3A_234] : memref<80x128xf32, #tpu.memory_space<vmem>> -> memref<80x128xf32, #tpu.memory_space<vmem>>
    %dma_start3A_236 = arith.constant 0 : i32
    %dma_start3A_237 = tpu.memref_slice %arg5[%arg0, %add3A_232, %dma_start3A_236] : memref<2x10240x128xf32, #tpu.memory_space<hbm>> -> memref<1x80x128xf32, #tpu.memory_space<hbm>>
    %dma_start3A_238 = tpu.memref_squeeze %dma_start3A_237 : memref<1x80x128xf32, #tpu.memory_space<hbm>> -> memref<80x128xf32, #tpu.memory_space<hbm>>
    %dma_start3A_239 = arith.constant 0 : i32
    %dma_start3A_240 = tpu.memref_slice %arg5[%arg0, %add3A_232, %dma_start3A_239] : memref<2x10240x128xf32, #tpu.memory_space<hbm>> -> memref<1x80x128xf32, #tpu.memory_space<hbm>>
    %dma_start3A_241 = tpu.memref_squeeze %dma_start3A_240 : memref<1x80x128xf32, #tpu.memory_space<hbm>> -> memref<80x128xf32, #tpu.memory_space<hbm>>
    %dma_start3A_242 = arith.constant 0 : i32
    %dma_start3A_243 = arith.constant 0 : i32
    %dma_start3A_244 = tpu.memref_slice %arg9[%dma_start3A_242, %dma_start3A_243] : memref<80x128xf32, #tpu.memory_space<vmem>> -> memref<80x128xf32, #tpu.memory_space<vmem>>
    tpu.enqueue_dma source(%dma_start3A_244 : memref<80x128xf32, #tpu.memory_space<vmem>>) target(%dma_start3A_241 : memref<80x128xf32, #tpu.memory_space<hbm>>) target_semaphore(%arg14 : memref<!tpu.dma_semaphore, #tpu.memory_space<semaphore_mem>>)
    %mul3A_245 = arith.constant 640 : i32
    %mul3A_246 = arith.muli %arg1, %mul3A_245 : i32
    %dma_wait3A_247 = arith.constant 0 : i32
    %dma_wait3A_248 = arith.constant 0 : i32
    %dma_wait3A_249 = tpu.memref_slice %arg8[%dma_wait3A_247, %dma_wait3A_248] : memref<80x128xf32, #tpu.memory_space<vmem>> -> memref<80x128xf32, #tpu.memory_space<vmem>>
    %dma_wait3A_250 = arith.constant 0 : i32
    %dma_wait3A_251 = tpu.memref_slice %arg5[%arg0, %mul3A_246, %dma_wait3A_250] : memref<2x10240x128xf32, #tpu.memory_space<hbm>> -> memref<1x80x128xf32, #tpu.memory_space<hbm>>
    %dma_wait3A_252 = tpu.memref_squeeze %dma_wait3A_251 : memref<1x80x128xf32, #tpu.memory_space<hbm>> -> memref<80x128xf32, #tpu.memory_space<hbm>>
    %dma_wait3A_253 = arith.constant 0 : i32
    %dma_wait3A_254 = tpu.memref_slice %arg5[%arg0, %mul3A_246, %dma_wait3A_253] : memref<2x10240x128xf32, #tpu.memory_space<hbm>> -> memref<1x80x128xf32, #tpu.memory_space<hbm>>
    %dma_wait3A_255 = tpu.memref_squeeze %dma_wait3A_254 : memref<1x80x128xf32, #tpu.memory_space<hbm>> -> memref<80x128xf32, #tpu.memory_space<hbm>>
    %dma_wait3A_256 = arith.constant 0 : i32
    %dma_wait3A_257 = arith.constant 0 : i32
    %dma_wait3A_258 = tpu.memref_slice %arg8[%dma_wait3A_256, %dma_wait3A_257] : memref<80x128xf32, #tpu.memory_space<vmem>> -> memref<80x128xf32, #tpu.memory_space<vmem>>
    tpu.wait_dma2 semaphore(%arg13 : memref<!tpu.dma_semaphore, #tpu.memory_space<semaphore_mem>>) src(%dma_wait3A_258 : memref<80x128xf32, #tpu.memory_space<vmem>>) dst(%dma_wait3A_255 : memref<80x128xf32, #tpu.memory_space<hbm>>)
    %mul3A_259 = arith.constant 640 : i32
    %mul3A_260 = arith.muli %arg1, %mul3A_259 : i32
    %add3A_261 = arith.constant 160 : i32
    %add3A_262 = arith.addi %mul3A_260, %add3A_261 : i32
    %dma_start3A_263 = arith.constant 0 : i32
    %dma_start3A_264 = arith.constant 0 : i32
    %dma_start3A_265 = tpu.memref_slice %arg8[%dma_start3A_263, %dma_start3A_264] : memref<80x128xf32, #tpu.memory_space<vmem>> -> memref<80x128xf32, #tpu.memory_space<vmem>>
    %dma_start3A_266 = arith.constant 0 : i32
    %dma_start3A_267 = tpu.memref_slice %arg10[%add3A_262, %dma_start3A_266] : memref<10240x128xf32, #tpu.memory_space<vmem_shared>> -> memref<80x128xf32, #tpu.memory_space<vmem_shared>>
    %dma_start3A_268 = arith.constant 0 : i32
    %dma_start3A_269 = arith.constant 0 : i32
    %dma_start3A_270 = tpu.memref_slice %arg8[%dma_start3A_268, %dma_start3A_269] : memref<80x128xf32, #tpu.memory_space<vmem>> -> memref<80x128xf32, #tpu.memory_space<vmem>>
    %dma_start3A_271 = arith.constant 0 : i32
    %dma_start3A_272 = tpu.memref_slice %arg10[%add3A_262, %dma_start3A_271] : memref<10240x128xf32, #tpu.memory_space<vmem_shared>> -> memref<80x128xf32, #tpu.memory_space<vmem_shared>>
    tpu.enqueue_dma source(%dma_start3A_272 : memref<80x128xf32, #tpu.memory_space<vmem_shared>>) target(%dma_start3A_270 : memref<80x128xf32, #tpu.memory_space<vmem>>) target_semaphore(%arg11 : memref<!tpu.dma_semaphore, #tpu.memory_space<semaphore_mem>>)
    %mul3A_273 = arith.constant 640 : i32
    %mul3A_274 = arith.muli %arg1, %mul3A_273 : i32
    %dma_wait3A_275 = arith.constant 0 : i32
    %dma_wait3A_276 = arith.constant 0 : i32
    %dma_wait3A_277 = tpu.memref_slice %arg8[%dma_wait3A_275, %dma_wait3A_276] : memref<80x128xf32, #tpu.memory_space<vmem>> -> memref<80x128xf32, #tpu.memory_space<vmem>>
    %dma_wait3A_278 = arith.constant 0 : i32
    %dma_wait3A_279 = tpu.memref_slice %arg10[%mul3A_274, %dma_wait3A_278] : memref<10240x128xf32, #tpu.memory_space<vmem_shared>> -> memref<80x128xf32, #tpu.memory_space<vmem_shared>>
    %dma_wait3A_280 = arith.constant 0 : i32
    %dma_wait3A_281 = arith.constant 0 : i32
    %dma_wait3A_282 = tpu.memref_slice %arg8[%dma_wait3A_280, %dma_wait3A_281] : memref<80x128xf32, #tpu.memory_space<vmem>> -> memref<80x128xf32, #tpu.memory_space<vmem>>
    %dma_wait3A_283 = arith.constant 0 : i32
    %dma_wait3A_284 = tpu.memref_slice %arg10[%mul3A_274, %dma_wait3A_283] : memref<10240x128xf32, #tpu.memory_space<vmem_shared>> -> memref<80x128xf32, #tpu.memory_space<vmem_shared>>
    tpu.wait_dma2 semaphore(%arg11 : memref<!tpu.dma_semaphore, #tpu.memory_space<semaphore_mem>>) src(%dma_wait3A_284 : memref<80x128xf32, #tpu.memory_space<vmem_shared>>) dst(%dma_wait3A_282 : memref<80x128xf32, #tpu.memory_space<vmem>>)
    %mul3A_285 = arith.constant 640 : i32
    %mul3A_286 = arith.muli %arg1, %mul3A_285 : i32
    %add3A_287 = arith.constant 160 : i32
    %add3A_288 = arith.addi %mul3A_286, %add3A_287 : i32
    %dma_start3A_289 = arith.constant 0 : i32
    %dma_start3A_290 = arith.constant 0 : i32
    %dma_start3A_291 = tpu.memref_slice %arg8[%dma_start3A_289, %dma_start3A_290] : memref<80x128xf32, #tpu.memory_space<vmem>> -> memref<80x128xf32, #tpu.memory_space<vmem>>
    %dma_start3A_292 = arith.constant 0 : i32
    %dma_start3A_293 = tpu.memref_slice %arg5[%arg0, %add3A_288, %dma_start3A_292] : memref<2x10240x128xf32, #tpu.memory_space<hbm>> -> memref<1x80x128xf32, #tpu.memory_space<hbm>>
    %dma_start3A_294 = tpu.memref_squeeze %dma_start3A_293 : memref<1x80x128xf32, #tpu.memory_space<hbm>> -> memref<80x128xf32, #tpu.memory_space<hbm>>
    %dma_start3A_295 = arith.constant 0 : i32
    %dma_start3A_296 = tpu.memref_slice %arg5[%arg0, %add3A_288, %dma_start3A_295] : memref<2x10240x128xf32, #tpu.memory_space<hbm>> -> memref<1x80x128xf32, #tpu.memory_space<hbm>>
    %dma_start3A_297 = tpu.memref_squeeze %dma_start3A_296 : memref<1x80x128xf32, #tpu.memory_space<hbm>> -> memref<80x128xf32, #tpu.memory_space<hbm>>
    %dma_start3A_298 = arith.constant 0 : i32
    %dma_start3A_299 = arith.constant 0 : i32
    %dma_start3A_300 = tpu.memref_slice %arg8[%dma_start3A_298, %dma_start3A_299] : memref<80x128xf32, #tpu.memory_space<vmem>> -> memref<80x128xf32, #tpu.memory_space<vmem>>
    tpu.enqueue_dma source(%dma_start3A_300 : memref<80x128xf32, #tpu.memory_space<vmem>>) target(%dma_start3A_297 : memref<80x128xf32, #tpu.memory_space<hbm>>) target_semaphore(%arg13 : memref<!tpu.dma_semaphore, #tpu.memory_space<semaphore_mem>>)
    %mul3A_301 = arith.constant 640 : i32
    %mul3A_302 = arith.muli %arg1, %mul3A_301 : i32
    %dma_wait3A_303 = arith.constant 0 : i32
    %dma_wait3A_304 = arith.constant 0 : i32
    %dma_wait3A_305 = tpu.memref_slice %arg9[%dma_wait3A_303, %dma_wait3A_304] : memref<80x128xf32, #tpu.memory_space<vmem>> -> memref<80x128xf32, #tpu.memory_space<vmem>>
    %dma_wait3A_306 = arith.constant 0 : i32
    %dma_wait3A_307 = tpu.memref_slice %arg5[%arg0, %mul3A_302, %dma_wait3A_306] : memref<2x10240x128xf32, #tpu.memory_space<hbm>> -> memref<1x80x128xf32, #tpu.memory_space<hbm>>
    %dma_wait3A_308 = tpu.memref_squeeze %dma_wait3A_307 : memref<1x80x128xf32, #tpu.memory_space<hbm>> -> memref<80x128xf32, #tpu.memory_space<hbm>>
    %dma_wait3A_309 = arith.constant 0 : i32
    %dma_wait3A_310 = tpu.memref_slice %arg5[%arg0, %mul3A_302, %dma_wait3A_309] : memref<2x10240x128xf32, #tpu.memory_space<hbm>> -> memref<1x80x128xf32, #tpu.memory_space<hbm>>
    %dma_wait3A_311 = tpu.memref_squeeze %dma_wait3A_310 : memref<1x80x128xf32, #tpu.memory_space<hbm>> -> memref<80x128xf32, #tpu.memory_space<hbm>>
    %dma_wait3A_312 = arith.constant 0 : i32
    %dma_wait3A_313 = arith.constant 0 : i32
    %dma_wait3A_314 = tpu.memref_slice %arg9[%dma_wait3A_312, %dma_wait3A_313] : memref<80x128xf32, #tpu.memory_space<vmem>> -> memref<80x128xf32, #tpu.memory_space<vmem>>
    tpu.wait_dma2 semaphore(%arg14 : memref<!tpu.dma_semaphore, #tpu.memory_space<semaphore_mem>>) src(%dma_wait3A_314 : memref<80x128xf32, #tpu.memory_space<vmem>>) dst(%dma_wait3A_311 : memref<80x128xf32, #tpu.memory_space<hbm>>)
    %mul3A_315 = arith.constant 640 : i32
    %mul3A_316 = arith.muli %arg1, %mul3A_315 : i32
    %add3A_317 = arith.constant 240 : i32
    %add3A_318 = arith.addi %mul3A_316, %add3A_317 : i32
    %dma_start3A_319 = arith.constant 0 : i32
    %dma_start3A_320 = arith.constant 0 : i32
    %dma_start3A_321 = tpu.memref_slice %arg9[%dma_start3A_319, %dma_start3A_320] : memref<80x128xf32, #tpu.memory_space<vmem>> -> memref<80x128xf32, #tpu.memory_space<vmem>>
    %dma_start3A_322 = arith.constant 0 : i32
    %dma_start3A_323 = tpu.memref_slice %arg10[%add3A_318, %dma_start3A_322] : memref<10240x128xf32, #tpu.memory_space<vmem_shared>> -> memref<80x128xf32, #tpu.memory_space<vmem_shared>>
    %dma_start3A_324 = arith.constant 0 : i32
    %dma_start3A_325 = arith.constant 0 : i32
    %dma_start3A_326 = tpu.memref_slice %arg9[%dma_start3A_324, %dma_start3A_325] : memref<80x128xf32, #tpu.memory_space<vmem>> -> memref<80x128xf32, #tpu.memory_space<vmem>>
    %dma_start3A_327 = arith.constant 0 : i32
    %dma_start3A_328 = tpu.memref_slice %arg10[%add3A_318, %dma_start3A_327] : memref<10240x128xf32, #tpu.memory_space<vmem_shared>> -> memref<80x128xf32, #tpu.memory_space<vmem_shared>>
    tpu.enqueue_dma source(%dma_start3A_328 : memref<80x128xf32, #tpu.memory_space<vmem_shared>>) target(%dma_start3A_326 : memref<80x128xf32, #tpu.memory_space<vmem>>) target_semaphore(%arg12 : memref<!tpu.dma_semaphore, #tpu.memory_space<semaphore_mem>>)
    %mul3A_329 = arith.constant 640 : i32
    %mul3A_330 = arith.muli %arg1, %mul3A_329 : i32
    %dma_wait3A_331 = arith.constant 0 : i32
    %dma_wait3A_332 = arith.constant 0 : i32
    %dma_wait3A_333 = tpu.memref_slice %arg9[%dma_wait3A_331, %dma_wait3A_332] : memref<80x128xf32, #tpu.memory_space<vmem>> -> memref<80x128xf32, #tpu.memory_space<vmem>>
    %dma_wait3A_334 = arith.constant 0 : i32
    %dma_wait3A_335 = tpu.memref_slice %arg10[%mul3A_330, %dma_wait3A_334] : memref<10240x128xf32, #tpu.memory_space<vmem_shared>> -> memref<80x128xf32, #tpu.memory_space<vmem_shared>>
    %dma_wait3A_336 = arith.constant 0 : i32
    %dma_wait3A_337 = arith.constant 0 : i32
    %dma_wait3A_338 = tpu.memref_slice %arg9[%dma_wait3A_336, %dma_wait3A_337] : memref<80x128xf32, #tpu.memory_space<vmem>> -> memref<80x128xf32, #tpu.memory_space<vmem>>
    %dma_wait3A_339 = arith.constant 0 : i32
    %dma_wait3A_340 = tpu.memref_slice %arg10[%mul3A_330, %dma_wait3A_339] : memref<10240x128xf32, #tpu.memory_space<vmem_shared>> -> memref<80x128xf32, #tpu.memory_space<vmem_shared>>
    tpu.wait_dma2 semaphore(%arg12 : memref<!tpu.dma_semaphore, #tpu.memory_space<semaphore_mem>>) src(%dma_wait3A_340 : memref<80x128xf32, #tpu.memory_space<vmem_shared>>) dst(%dma_wait3A_338 : memref<80x128xf32, #tpu.memory_space<vmem>>)
    %mul3A_341 = arith.constant 640 : i32
    %mul3A_342 = arith.muli %arg1, %mul3A_341 : i32
    %add3A_343 = arith.constant 240 : i32
    %add3A_344 = arith.addi %mul3A_342, %add3A_343 : i32
    %dma_start3A_345 = arith.constant 0 : i32
    %dma_start3A_346 = arith.constant 0 : i32
    %dma_start3A_347 = tpu.memref_slice %arg9[%dma_start3A_345, %dma_start3A_346] : memref<80x128xf32, #tpu.memory_space<vmem>> -> memref<80x128xf32, #tpu.memory_space<vmem>>
    %dma_start3A_348 = arith.constant 0 : i32
    %dma_start3A_349 = tpu.memref_slice %arg5[%arg0, %add3A_344, %dma_start3A_348] : memref<2x10240x128xf32, #tpu.memory_space<hbm>> -> memref<1x80x128xf32, #tpu.memory_space<hbm>>
    %dma_start3A_350 = tpu.memref_squeeze %dma_start3A_349 : memref<1x80x128xf32, #tpu.memory_space<hbm>> -> memref<80x128xf32, #tpu.memory_space<hbm>>
    %dma_start3A_351 = arith.constant 0 : i32
    %dma_start3A_352 = tpu.memref_slice %arg5[%arg0, %add3A_344, %dma_start3A_351] : memref<2x10240x128xf32, #tpu.memory_space<hbm>> -> memref<1x80x128xf32, #tpu.memory_space<hbm>>
    %dma_start3A_353 = tpu.memref_squeeze %dma_start3A_352 : memref<1x80x128xf32, #tpu.memory_space<hbm>> -> memref<80x128xf32, #tpu.memory_space<hbm>>
    %dma_start3A_354 = arith.constant 0 : i32
    %dma_start3A_355 = arith.constant 0 : i32
    %dma_start3A_356 = tpu.memref_slice %arg9[%dma_start3A_354, %dma_start3A_355] : memref<80x128xf32, #tpu.memory_space<vmem>> -> memref<80x128xf32, #tpu.memory_space<vmem>>
    tpu.enqueue_dma source(%dma_start3A_356 : memref<80x128xf32, #tpu.memory_space<vmem>>) target(%dma_start3A_353 : memref<80x128xf32, #tpu.memory_space<hbm>>) target_semaphore(%arg14 : memref<!tpu.dma_semaphore, #tpu.memory_space<semaphore_mem>>)
    %mul3A_357 = arith.constant 640 : i32
    %mul3A_358 = arith.muli %arg1, %mul3A_357 : i32
    %dma_wait3A_359 = arith.constant 0 : i32
    %dma_wait3A_360 = arith.constant 0 : i32
    %dma_wait3A_361 = tpu.memref_slice %arg8[%dma_wait3A_359, %dma_wait3A_360] : memref<80x128xf32, #tpu.memory_space<vmem>> -> memref<80x128xf32, #tpu.memory_space<vmem>>
    %dma_wait3A_362 = arith.constant 0 : i32
    %dma_wait3A_363 = tpu.memref_slice %arg5[%arg0, %mul3A_358, %dma_wait3A_362] : memref<2x10240x128xf32, #tpu.memory_space<hbm>> -> memref<1x80x128xf32, #tpu.memory_space<hbm>>
    %dma_wait3A_364 = tpu.memref_squeeze %dma_wait3A_363 : memref<1x80x128xf32, #tpu.memory_space<hbm>> -> memref<80x128xf32, #tpu.memory_space<hbm>>
    %dma_wait3A_365 = arith.constant 0 : i32
    %dma_wait3A_366 = tpu.memref_slice %arg5[%arg0, %mul3A_358, %dma_wait3A_365] : memref<2x10240x128xf32, #tpu.memory_space<hbm>> -> memref<1x80x128xf32, #tpu.memory_space<hbm>>
    %dma_wait3A_367 = tpu.memref_squeeze %dma_wait3A_366 : memref<1x80x128xf32, #tpu.memory_space<hbm>> -> memref<80x128xf32, #tpu.memory_space<hbm>>
    %dma_wait3A_368 = arith.constant 0 : i32
    %dma_wait3A_369 = arith.constant 0 : i32
    %dma_wait3A_370 = tpu.memref_slice %arg8[%dma_wait3A_368, %dma_wait3A_369] : memref<80x128xf32, #tpu.memory_space<vmem>> -> memref<80x128xf32, #tpu.memory_space<vmem>>
    tpu.wait_dma2 semaphore(%arg13 : memref<!tpu.dma_semaphore, #tpu.memory_space<semaphore_mem>>) src(%dma_wait3A_370 : memref<80x128xf32, #tpu.memory_space<vmem>>) dst(%dma_wait3A_367 : memref<80x128xf32, #tpu.memory_space<hbm>>)
    %mul3A_371 = arith.constant 640 : i32
    %mul3A_372 = arith.muli %arg1, %mul3A_371 : i32
    %add3A_373 = arith.constant 320 : i32
    %add3A_374 = arith.addi %mul3A_372, %add3A_373 : i32
    %dma_start3A_375 = arith.constant 0 : i32
    %dma_start3A_376 = arith.constant 0 : i32
    %dma_start3A_377 = tpu.memref_slice %arg8[%dma_start3A_375, %dma_start3A_376] : memref<80x128xf32, #tpu.memory_space<vmem>> -> memref<80x128xf32, #tpu.memory_space<vmem>>
    %dma_start3A_378 = arith.constant 0 : i32
    %dma_start3A_379 = tpu.memref_slice %arg10[%add3A_374, %dma_start3A_378] : memref<10240x128xf32, #tpu.memory_space<vmem_shared>> -> memref<80x128xf32, #tpu.memory_space<vmem_shared>>
    %dma_start3A_380 = arith.constant 0 : i32
    %dma_start3A_381 = arith.constant 0 : i32
    %dma_start3A_382 = tpu.memref_slice %arg8[%dma_start3A_380, %dma_start3A_381] : memref<80x128xf32, #tpu.memory_space<vmem>> -> memref<80x128xf32, #tpu.memory_space<vmem>>
    %dma_start3A_383 = arith.constant 0 : i32
    %dma_start3A_384 = tpu.memref_slice %arg10[%add3A_374, %dma_start3A_383] : memref<10240x128xf32, #tpu.memory_space<vmem_shared>> -> memref<80x128xf32, #tpu.memory_space<vmem_shared>>
    tpu.enqueue_dma source(%dma_start3A_384 : memref<80x128xf32, #tpu.memory_space<vmem_shared>>) target(%dma_start3A_382 : memref<80x128xf32, #tpu.memory_space<vmem>>) target_semaphore(%arg11 : memref<!tpu.dma_semaphore, #tpu.memory_space<semaphore_mem>>)
    %mul3A_385 = arith.constant 640 : i32
    %mul3A_386 = arith.muli %arg1, %mul3A_385 : i32
    %dma_wait3A_387 = arith.constant 0 : i32
    %dma_wait3A_388 = arith.constant 0 : i32
    %dma_wait3A_389 = tpu.memref_slice %arg8[%dma_wait3A_387, %dma_wait3A_388] : memref<80x128xf32, #tpu.memory_space<vmem>> -> memref<80x128xf32, #tpu.memory_space<vmem>>
    %dma_wait3A_390 = arith.constant 0 : i32
    %dma_wait3A_391 = tpu.memref_slice %arg10[%mul3A_386, %dma_wait3A_390] : memref<10240x128xf32, #tpu.memory_space<vmem_shared>> -> memref<80x128xf32, #tpu.memory_space<vmem_shared>>
    %dma_wait3A_392 = arith.constant 0 : i32
    %dma_wait3A_393 = arith.constant 0 : i32
    %dma_wait3A_394 = tpu.memref_slice %arg8[%dma_wait3A_392, %dma_wait3A_393] : memref<80x128xf32, #tpu.memory_space<vmem>> -> memref<80x128xf32, #tpu.memory_space<vmem>>
    %dma_wait3A_395 = arith.constant 0 : i32
    %dma_wait3A_396 = tpu.memref_slice %arg10[%mul3A_386, %dma_wait3A_395] : memref<10240x128xf32, #tpu.memory_space<vmem_shared>> -> memref<80x128xf32, #tpu.memory_space<vmem_shared>>
    tpu.wait_dma2 semaphore(%arg11 : memref<!tpu.dma_semaphore, #tpu.memory_space<semaphore_mem>>) src(%dma_wait3A_396 : memref<80x128xf32, #tpu.memory_space<vmem_shared>>) dst(%dma_wait3A_394 : memref<80x128xf32, #tpu.memory_space<vmem>>)
    %mul3A_397 = arith.constant 640 : i32
    %mul3A_398 = arith.muli %arg1, %mul3A_397 : i32
    %add3A_399 = arith.constant 320 : i32
    %add3A_400 = arith.addi %mul3A_398, %add3A_399 : i32
    %dma_start3A_401 = arith.constant 0 : i32
    %dma_start3A_402 = arith.constant 0 : i32
    %dma_start3A_403 = tpu.memref_slice %arg8[%dma_start3A_401, %dma_start3A_402] : memref<80x128xf32, #tpu.memory_space<vmem>> -> memref<80x128xf32, #tpu.memory_space<vmem>>
    %dma_start3A_404 = arith.constant 0 : i32
    %dma_start3A_405 = tpu.memref_slice %arg5[%arg0, %add3A_400, %dma_start3A_404] : memref<2x10240x128xf32, #tpu.memory_space<hbm>> -> memref<1x80x128xf32, #tpu.memory_space<hbm>>
    %dma_start3A_406 = tpu.memref_squeeze %dma_start3A_405 : memref<1x80x128xf32, #tpu.memory_space<hbm>> -> memref<80x128xf32, #tpu.memory_space<hbm>>
    %dma_start3A_407 = arith.constant 0 : i32
    %dma_start3A_408 = tpu.memref_slice %arg5[%arg0, %add3A_400, %dma_start3A_407] : memref<2x10240x128xf32, #tpu.memory_space<hbm>> -> memref<1x80x128xf32, #tpu.memory_space<hbm>>
    %dma_start3A_409 = tpu.memref_squeeze %dma_start3A_408 : memref<1x80x128xf32, #tpu.memory_space<hbm>> -> memref<80x128xf32, #tpu.memory_space<hbm>>
    %dma_start3A_410 = arith.constant 0 : i32
    %dma_start3A_411 = arith.constant 0 : i32
    %dma_start3A_412 = tpu.memref_slice %arg8[%dma_start3A_410, %dma_start3A_411] : memref<80x128xf32, #tpu.memory_space<vmem>> -> memref<80x128xf32, #tpu.memory_space<vmem>>
    tpu.enqueue_dma source(%dma_start3A_412 : memref<80x128xf32, #tpu.memory_space<vmem>>) target(%dma_start3A_409 : memref<80x128xf32, #tpu.memory_space<hbm>>) target_semaphore(%arg13 : memref<!tpu.dma_semaphore, #tpu.memory_space<semaphore_mem>>)
    %mul3A_413 = arith.constant 640 : i32
    %mul3A_414 = arith.muli %arg1, %mul3A_413 : i32
    %dma_wait3A_415 = arith.constant 0 : i32
    %dma_wait3A_416 = arith.constant 0 : i32
    %dma_wait3A_417 = tpu.memref_slice %arg9[%dma_wait3A_415, %dma_wait3A_416] : memref<80x128xf32, #tpu.memory_space<vmem>> -> memref<80x128xf32, #tpu.memory_space<vmem>>
    %dma_wait3A_418 = arith.constant 0 : i32
    %dma_wait3A_419 = tpu.memref_slice %arg5[%arg0, %mul3A_414, %dma_wait3A_418] : memref<2x10240x128xf32, #tpu.memory_space<hbm>> -> memref<1x80x128xf32, #tpu.memory_space<hbm>>
    %dma_wait3A_420 = tpu.memref_squeeze %dma_wait3A_419 : memref<1x80x128xf32, #tpu.memory_space<hbm>> -> memref<80x128xf32, #tpu.memory_space<hbm>>
    %dma_wait3A_421 = arith.constant 0 : i32
    %dma_wait3A_422 = tpu.memref_slice %arg5[%arg0, %mul3A_414, %dma_wait3A_421] : memref<2x10240x128xf32, #tpu.memory_space<hbm>> -> memref<1x80x128xf32, #tpu.memory_space<hbm>>
    %dma_wait3A_423 = tpu.memref_squeeze %dma_wait3A_422 : memref<1x80x128xf32, #tpu.memory_space<hbm>> -> memref<80x128xf32, #tpu.memory_space<hbm>>
    %dma_wait3A_424 = arith.constant 0 : i32
    %dma_wait3A_425 = arith.constant 0 : i32
    %dma_wait3A_426 = tpu.memref_slice %arg9[%dma_wait3A_424, %dma_wait3A_425] : memref<80x128xf32, #tpu.memory_space<vmem>> -> memref<80x128xf32, #tpu.memory_space<vmem>>
    tpu.wait_dma2 semaphore(%arg14 : memref<!tpu.dma_semaphore, #tpu.memory_space<semaphore_mem>>) src(%dma_wait3A_426 : memref<80x128xf32, #tpu.memory_space<vmem>>) dst(%dma_wait3A_423 : memref<80x128xf32, #tpu.memory_space<hbm>>)
    %mul3A_427 = arith.constant 640 : i32
    %mul3A_428 = arith.muli %arg1, %mul3A_427 : i32
    %add3A_429 = arith.constant 400 : i32
    %add3A_430 = arith.addi %mul3A_428, %add3A_429 : i32
    %dma_start3A_431 = arith.constant 0 : i32
    %dma_start3A_432 = arith.constant 0 : i32
    %dma_start3A_433 = tpu.memref_slice %arg9[%dma_start3A_431, %dma_start3A_432] : memref<80x128xf32, #tpu.memory_space<vmem>> -> memref<80x128xf32, #tpu.memory_space<vmem>>
    %dma_start3A_434 = arith.constant 0 : i32
    %dma_start3A_435 = tpu.memref_slice %arg10[%add3A_430, %dma_start3A_434] : memref<10240x128xf32, #tpu.memory_space<vmem_shared>> -> memref<80x128xf32, #tpu.memory_space<vmem_shared>>
    %dma_start3A_436 = arith.constant 0 : i32
    %dma_start3A_437 = arith.constant 0 : i32
    %dma_start3A_438 = tpu.memref_slice %arg9[%dma_start3A_436, %dma_start3A_437] : memref<80x128xf32, #tpu.memory_space<vmem>> -> memref<80x128xf32, #tpu.memory_space<vmem>>
    %dma_start3A_439 = arith.constant 0 : i32
    %dma_start3A_440 = tpu.memref_slice %arg10[%add3A_430, %dma_start3A_439] : memref<10240x128xf32, #tpu.memory_space<vmem_shared>> -> memref<80x128xf32, #tpu.memory_space<vmem_shared>>
    tpu.enqueue_dma source(%dma_start3A_440 : memref<80x128xf32, #tpu.memory_space<vmem_shared>>) target(%dma_start3A_438 : memref<80x128xf32, #tpu.memory_space<vmem>>) target_semaphore(%arg12 : memref<!tpu.dma_semaphore, #tpu.memory_space<semaphore_mem>>)
    %mul3A_441 = arith.constant 640 : i32
    %mul3A_442 = arith.muli %arg1, %mul3A_441 : i32
    %dma_wait3A_443 = arith.constant 0 : i32
    %dma_wait3A_444 = arith.constant 0 : i32
    %dma_wait3A_445 = tpu.memref_slice %arg9[%dma_wait3A_443, %dma_wait3A_444] : memref<80x128xf32, #tpu.memory_space<vmem>> -> memref<80x128xf32, #tpu.memory_space<vmem>>
    %dma_wait3A_446 = arith.constant 0 : i32
    %dma_wait3A_447 = tpu.memref_slice %arg10[%mul3A_442, %dma_wait3A_446] : memref<10240x128xf32, #tpu.memory_space<vmem_shared>> -> memref<80x128xf32, #tpu.memory_space<vmem_shared>>
    %dma_wait3A_448 = arith.constant 0 : i32
    %dma_wait3A_449 = arith.constant 0 : i32
    %dma_wait3A_450 = tpu.memref_slice %arg9[%dma_wait3A_448, %dma_wait3A_449] : memref<80x128xf32, #tpu.memory_space<vmem>> -> memref<80x128xf32, #tpu.memory_space<vmem>>
    %dma_wait3A_451 = arith.constant 0 : i32
    %dma_wait3A_452 = tpu.memref_slice %arg10[%mul3A_442, %dma_wait3A_451] : memref<10240x128xf32, #tpu.memory_space<vmem_shared>> -> memref<80x128xf32, #tpu.memory_space<vmem_shared>>
    tpu.wait_dma2 semaphore(%arg12 : memref<!tpu.dma_semaphore, #tpu.memory_space<semaphore_mem>>) src(%dma_wait3A_452 : memref<80x128xf32, #tpu.memory_space<vmem_shared>>) dst(%dma_wait3A_450 : memref<80x128xf32, #tpu.memory_space<vmem>>)
    %mul3A_453 = arith.constant 640 : i32
    %mul3A_454 = arith.muli %arg1, %mul3A_453 : i32
    %add3A_455 = arith.constant 400 : i32
    %add3A_456 = arith.addi %mul3A_454, %add3A_455 : i32
    %dma_start3A_457 = arith.constant 0 : i32
    %dma_start3A_458 = arith.constant 0 : i32
    %dma_start3A_459 = tpu.memref_slice %arg9[%dma_start3A_457, %dma_start3A_458] : memref<80x128xf32, #tpu.memory_space<vmem>> -> memref<80x128xf32, #tpu.memory_space<vmem>>
    %dma_start3A_460 = arith.constant 0 : i32
    %dma_start3A_461 = tpu.memref_slice %arg5[%arg0, %add3A_456, %dma_start3A_460] : memref<2x10240x128xf32, #tpu.memory_space<hbm>> -> memref<1x80x128xf32, #tpu.memory_space<hbm>>
    %dma_start3A_462 = tpu.memref_squeeze %dma_start3A_461 : memref<1x80x128xf32, #tpu.memory_space<hbm>> -> memref<80x128xf32, #tpu.memory_space<hbm>>
    %dma_start3A_463 = arith.constant 0 : i32
    %dma_start3A_464 = tpu.memref_slice %arg5[%arg0, %add3A_456, %dma_start3A_463] : memref<2x10240x128xf32, #tpu.memory_space<hbm>> -> memref<1x80x128xf32, #tpu.memory_space<hbm>>
    %dma_start3A_465 = tpu.memref_squeeze %dma_start3A_464 : memref<1x80x128xf32, #tpu.memory_space<hbm>> -> memref<80x128xf32, #tpu.memory_space<hbm>>
    %dma_start3A_466 = arith.constant 0 : i32
    %dma_start3A_467 = arith.constant 0 : i32
    %dma_start3A_468 = tpu.memref_slice %arg9[%dma_start3A_466, %dma_start3A_467] : memref<80x128xf32, #tpu.memory_space<vmem>> -> memref<80x128xf32, #tpu.memory_space<vmem>>
    tpu.enqueue_dma source(%dma_start3A_468 : memref<80x128xf32, #tpu.memory_space<vmem>>) target(%dma_start3A_465 : memref<80x128xf32, #tpu.memory_space<hbm>>) target_semaphore(%arg14 : memref<!tpu.dma_semaphore, #tpu.memory_space<semaphore_mem>>)
    %mul3A_469 = arith.constant 640 : i32
    %mul3A_470 = arith.muli %arg1, %mul3A_469 : i32
    %dma_wait3A_471 = arith.constant 0 : i32
    %dma_wait3A_472 = arith.constant 0 : i32
    %dma_wait3A_473 = tpu.memref_slice %arg8[%dma_wait3A_471, %dma_wait3A_472] : memref<80x128xf32, #tpu.memory_space<vmem>> -> memref<80x128xf32, #tpu.memory_space<vmem>>
    %dma_wait3A_474 = arith.constant 0 : i32
    %dma_wait3A_475 = tpu.memref_slice %arg5[%arg0, %mul3A_470, %dma_wait3A_474] : memref<2x10240x128xf32, #tpu.memory_space<hbm>> -> memref<1x80x128xf32, #tpu.memory_space<hbm>>
    %dma_wait3A_476 = tpu.memref_squeeze %dma_wait3A_475 : memref<1x80x128xf32, #tpu.memory_space<hbm>> -> memref<80x128xf32, #tpu.memory_space<hbm>>
    %dma_wait3A_477 = arith.constant 0 : i32
    %dma_wait3A_478 = tpu.memref_slice %arg5[%arg0, %mul3A_470, %dma_wait3A_477] : memref<2x10240x128xf32, #tpu.memory_space<hbm>> -> memref<1x80x128xf32, #tpu.memory_space<hbm>>
    %dma_wait3A_479 = tpu.memref_squeeze %dma_wait3A_478 : memref<1x80x128xf32, #tpu.memory_space<hbm>> -> memref<80x128xf32, #tpu.memory_space<hbm>>
    %dma_wait3A_480 = arith.constant 0 : i32
    %dma_wait3A_481 = arith.constant 0 : i32
    %dma_wait3A_482 = tpu.memref_slice %arg8[%dma_wait3A_480, %dma_wait3A_481] : memref<80x128xf32, #tpu.memory_space<vmem>> -> memref<80x128xf32, #tpu.memory_space<vmem>>
    tpu.wait_dma2 semaphore(%arg13 : memref<!tpu.dma_semaphore, #tpu.memory_space<semaphore_mem>>) src(%dma_wait3A_482 : memref<80x128xf32, #tpu.memory_space<vmem>>) dst(%dma_wait3A_479 : memref<80x128xf32, #tpu.memory_space<hbm>>)
    %mul3A_483 = arith.constant 640 : i32
    %mul3A_484 = arith.muli %arg1, %mul3A_483 : i32
    %add3A_485 = arith.constant 480 : i32
    %add3A_486 = arith.addi %mul3A_484, %add3A_485 : i32
    %dma_start3A_487 = arith.constant 0 : i32
    %dma_start3A_488 = arith.constant 0 : i32
    %dma_start3A_489 = tpu.memref_slice %arg8[%dma_start3A_487, %dma_start3A_488] : memref<80x128xf32, #tpu.memory_space<vmem>> -> memref<80x128xf32, #tpu.memory_space<vmem>>
    %dma_start3A_490 = arith.constant 0 : i32
    %dma_start3A_491 = tpu.memref_slice %arg10[%add3A_486, %dma_start3A_490] : memref<10240x128xf32, #tpu.memory_space<vmem_shared>> -> memref<80x128xf32, #tpu.memory_space<vmem_shared>>
    %dma_start3A_492 = arith.constant 0 : i32
    %dma_start3A_493 = arith.constant 0 : i32
    %dma_start3A_494 = tpu.memref_slice %arg8[%dma_start3A_492, %dma_start3A_493] : memref<80x128xf32, #tpu.memory_space<vmem>> -> memref<80x128xf32, #tpu.memory_space<vmem>>
    %dma_start3A_495 = arith.constant 0 : i32
    %dma_start3A_496 = tpu.memref_slice %arg10[%add3A_486, %dma_start3A_495] : memref<10240x128xf32, #tpu.memory_space<vmem_shared>> -> memref<80x128xf32, #tpu.memory_space<vmem_shared>>
    tpu.enqueue_dma source(%dma_start3A_496 : memref<80x128xf32, #tpu.memory_space<vmem_shared>>) target(%dma_start3A_494 : memref<80x128xf32, #tpu.memory_space<vmem>>) target_semaphore(%arg11 : memref<!tpu.dma_semaphore, #tpu.memory_space<semaphore_mem>>)
    %mul3A_497 = arith.constant 640 : i32
    %mul3A_498 = arith.muli %arg1, %mul3A_497 : i32
    %dma_wait3A_499 = arith.constant 0 : i32
    %dma_wait3A_500 = arith.constant 0 : i32
    %dma_wait3A_501 = tpu.memref_slice %arg8[%dma_wait3A_499, %dma_wait3A_500] : memref<80x128xf32, #tpu.memory_space<vmem>> -> memref<80x128xf32, #tpu.memory_space<vmem>>
    %dma_wait3A_502 = arith.constant 0 : i32
    %dma_wait3A_503 = tpu.memref_slice %arg10[%mul3A_498, %dma_wait3A_502] : memref<10240x128xf32, #tpu.memory_space<vmem_shared>> -> memref<80x128xf32, #tpu.memory_space<vmem_shared>>
    %dma_wait3A_504 = arith.constant 0 : i32
    %dma_wait3A_505 = arith.constant 0 : i32
    %dma_wait3A_506 = tpu.memref_slice %arg8[%dma_wait3A_504, %dma_wait3A_505] : memref<80x128xf32, #tpu.memory_space<vmem>> -> memref<80x128xf32, #tpu.memory_space<vmem>>
    %dma_wait3A_507 = arith.constant 0 : i32
    %dma_wait3A_508 = tpu.memref_slice %arg10[%mul3A_498, %dma_wait3A_507] : memref<10240x128xf32, #tpu.memory_space<vmem_shared>> -> memref<80x128xf32, #tpu.memory_space<vmem_shared>>
    tpu.wait_dma2 semaphore(%arg11 : memref<!tpu.dma_semaphore, #tpu.memory_space<semaphore_mem>>) src(%dma_wait3A_508 : memref<80x128xf32, #tpu.memory_space<vmem_shared>>) dst(%dma_wait3A_506 : memref<80x128xf32, #tpu.memory_space<vmem>>)
    %mul3A_509 = arith.constant 640 : i32
    %mul3A_510 = arith.muli %arg1, %mul3A_509 : i32
    %add3A_511 = arith.constant 480 : i32
    %add3A_512 = arith.addi %mul3A_510, %add3A_511 : i32
    %dma_start3A_513 = arith.constant 0 : i32
    %dma_start3A_514 = arith.constant 0 : i32
    %dma_start3A_515 = tpu.memref_slice %arg8[%dma_start3A_513, %dma_start3A_514] : memref<80x128xf32, #tpu.memory_space<vmem>> -> memref<80x128xf32, #tpu.memory_space<vmem>>
    %dma_start3A_516 = arith.constant 0 : i32
    %dma_start3A_517 = tpu.memref_slice %arg5[%arg0, %add3A_512, %dma_start3A_516] : memref<2x10240x128xf32, #tpu.memory_space<hbm>> -> memref<1x80x128xf32, #tpu.memory_space<hbm>>
    %dma_start3A_518 = tpu.memref_squeeze %dma_start3A_517 : memref<1x80x128xf32, #tpu.memory_space<hbm>> -> memref<80x128xf32, #tpu.memory_space<hbm>>
    %dma_start3A_519 = arith.constant 0 : i32
    %dma_start3A_520 = tpu.memref_slice %arg5[%arg0, %add3A_512, %dma_start3A_519] : memref<2x10240x128xf32, #tpu.memory_space<hbm>> -> memref<1x80x128xf32, #tpu.memory_space<hbm>>
    %dma_start3A_521 = tpu.memref_squeeze %dma_start3A_520 : memref<1x80x128xf32, #tpu.memory_space<hbm>> -> memref<80x128xf32, #tpu.memory_space<hbm>>
    %dma_start3A_522 = arith.constant 0 : i32
    %dma_start3A_523 = arith.constant 0 : i32
    %dma_start3A_524 = tpu.memref_slice %arg8[%dma_start3A_522, %dma_start3A_523] : memref<80x128xf32, #tpu.memory_space<vmem>> -> memref<80x128xf32, #tpu.memory_space<vmem>>
    tpu.enqueue_dma source(%dma_start3A_524 : memref<80x128xf32, #tpu.memory_space<vmem>>) target(%dma_start3A_521 : memref<80x128xf32, #tpu.memory_space<hbm>>) target_semaphore(%arg13 : memref<!tpu.dma_semaphore, #tpu.memory_space<semaphore_mem>>)
    %mul3A_525 = arith.constant 640 : i32
    %mul3A_526 = arith.muli %arg1, %mul3A_525 : i32
    %dma_wait3A_527 = arith.constant 0 : i32
    %dma_wait3A_528 = arith.constant 0 : i32
    %dma_wait3A_529 = tpu.memref_slice %arg9[%dma_wait3A_527, %dma_wait3A_528] : memref<80x128xf32, #tpu.memory_space<vmem>> -> memref<80x128xf32, #tpu.memory_space<vmem>>
    %dma_wait3A_530 = arith.constant 0 : i32
    %dma_wait3A_531 = tpu.memref_slice %arg5[%arg0, %mul3A_526, %dma_wait3A_530] : memref<2x10240x128xf32, #tpu.memory_space<hbm>> -> memref<1x80x128xf32, #tpu.memory_space<hbm>>
    %dma_wait3A_532 = tpu.memref_squeeze %dma_wait3A_531 : memref<1x80x128xf32, #tpu.memory_space<hbm>> -> memref<80x128xf32, #tpu.memory_space<hbm>>
    %dma_wait3A_533 = arith.constant 0 : i32
    %dma_wait3A_534 = tpu.memref_slice %arg5[%arg0, %mul3A_526, %dma_wait3A_533] : memref<2x10240x128xf32, #tpu.memory_space<hbm>> -> memref<1x80x128xf32, #tpu.memory_space<hbm>>
    %dma_wait3A_535 = tpu.memref_squeeze %dma_wait3A_534 : memref<1x80x128xf32, #tpu.memory_space<hbm>> -> memref<80x128xf32, #tpu.memory_space<hbm>>
    %dma_wait3A_536 = arith.constant 0 : i32
    %dma_wait3A_537 = arith.constant 0 : i32
    %dma_wait3A_538 = tpu.memref_slice %arg9[%dma_wait3A_536, %dma_wait3A_537] : memref<80x128xf32, #tpu.memory_space<vmem>> -> memref<80x128xf32, #tpu.memory_space<vmem>>
    tpu.wait_dma2 semaphore(%arg14 : memref<!tpu.dma_semaphore, #tpu.memory_space<semaphore_mem>>) src(%dma_wait3A_538 : memref<80x128xf32, #tpu.memory_space<vmem>>) dst(%dma_wait3A_535 : memref<80x128xf32, #tpu.memory_space<hbm>>)
    %mul3A_539 = arith.constant 640 : i32
    %mul3A_540 = arith.muli %arg1, %mul3A_539 : i32
    %add3A_541 = arith.constant 560 : i32
    %add3A_542 = arith.addi %mul3A_540, %add3A_541 : i32
    %dma_start3A_543 = arith.constant 0 : i32
    %dma_start3A_544 = arith.constant 0 : i32
    %dma_start3A_545 = tpu.memref_slice %arg9[%dma_start3A_543, %dma_start3A_544] : memref<80x128xf32, #tpu.memory_space<vmem>> -> memref<80x128xf32, #tpu.memory_space<vmem>>
    %dma_start3A_546 = arith.constant 0 : i32
    %dma_start3A_547 = tpu.memref_slice %arg10[%add3A_542, %dma_start3A_546] : memref<10240x128xf32, #tpu.memory_space<vmem_shared>> -> memref<80x128xf32, #tpu.memory_space<vmem_shared>>
    %dma_start3A_548 = arith.constant 0 : i32
    %dma_start3A_549 = arith.constant 0 : i32
    %dma_start3A_550 = tpu.memref_slice %arg9[%dma_start3A_548, %dma_start3A_549] : memref<80x128xf32, #tpu.memory_space<vmem>> -> memref<80x128xf32, #tpu.memory_space<vmem>>
    %dma_start3A_551 = arith.constant 0 : i32
    %dma_start3A_552 = tpu.memref_slice %arg10[%add3A_542, %dma_start3A_551] : memref<10240x128xf32, #tpu.memory_space<vmem_shared>> -> memref<80x128xf32, #tpu.memory_space<vmem_shared>>
    tpu.enqueue_dma source(%dma_start3A_552 : memref<80x128xf32, #tpu.memory_space<vmem_shared>>) target(%dma_start3A_550 : memref<80x128xf32, #tpu.memory_space<vmem>>) target_semaphore(%arg12 : memref<!tpu.dma_semaphore, #tpu.memory_space<semaphore_mem>>)
    %mul3A_553 = arith.constant 640 : i32
    %mul3A_554 = arith.muli %arg1, %mul3A_553 : i32
    %dma_wait3A_555 = arith.constant 0 : i32
    %dma_wait3A_556 = arith.constant 0 : i32
    %dma_wait3A_557 = tpu.memref_slice %arg9[%dma_wait3A_555, %dma_wait3A_556] : memref<80x128xf32, #tpu.memory_space<vmem>> -> memref<80x128xf32, #tpu.memory_space<vmem>>
    %dma_wait3A_558 = arith.constant 0 : i32
    %dma_wait3A_559 = tpu.memref_slice %arg10[%mul3A_554, %dma_wait3A_558] : memref<10240x128xf32, #tpu.memory_space<vmem_shared>> -> memref<80x128xf32, #tpu.memory_space<vmem_shared>>
    %dma_wait3A_560 = arith.constant 0 : i32
    %dma_wait3A_561 = arith.constant 0 : i32
    %dma_wait3A_562 = tpu.memref_slice %arg9[%dma_wait3A_560, %dma_wait3A_561] : memref<80x128xf32, #tpu.memory_space<vmem>> -> memref<80x128xf32, #tpu.memory_space<vmem>>
    %dma_wait3A_563 = arith.constant 0 : i32
    %dma_wait3A_564 = tpu.memref_slice %arg10[%mul3A_554, %dma_wait3A_563] : memref<10240x128xf32, #tpu.memory_space<vmem_shared>> -> memref<80x128xf32, #tpu.memory_space<vmem_shared>>
    tpu.wait_dma2 semaphore(%arg12 : memref<!tpu.dma_semaphore, #tpu.memory_space<semaphore_mem>>) src(%dma_wait3A_564 : memref<80x128xf32, #tpu.memory_space<vmem_shared>>) dst(%dma_wait3A_562 : memref<80x128xf32, #tpu.memory_space<vmem>>)
    %mul3A_565 = arith.constant 640 : i32
    %mul3A_566 = arith.muli %arg1, %mul3A_565 : i32
    %add3A_567 = arith.constant 560 : i32
    %add3A_568 = arith.addi %mul3A_566, %add3A_567 : i32
    %dma_start3A_569 = arith.constant 0 : i32
    %dma_start3A_570 = arith.constant 0 : i32
    %dma_start3A_571 = tpu.memref_slice %arg9[%dma_start3A_569, %dma_start3A_570] : memref<80x128xf32, #tpu.memory_space<vmem>> -> memref<80x128xf32, #tpu.memory_space<vmem>>
    %dma_start3A_572 = arith.constant 0 : i32
    %dma_start3A_573 = tpu.memref_slice %arg5[%arg0, %add3A_568, %dma_start3A_572] : memref<2x10240x128xf32, #tpu.memory_space<hbm>> -> memref<1x80x128xf32, #tpu.memory_space<hbm>>
    %dma_start3A_574 = tpu.memref_squeeze %dma_start3A_573 : memref<1x80x128xf32, #tpu.memory_space<hbm>> -> memref<80x128xf32, #tpu.memory_space<hbm>>
    %dma_start3A_575 = arith.constant 0 : i32
    %dma_start3A_576 = tpu.memref_slice %arg5[%arg0, %add3A_568, %dma_start3A_575] : memref<2x10240x128xf32, #tpu.memory_space<hbm>> -> memref<1x80x128xf32, #tpu.memory_space<hbm>>
    %dma_start3A_577 = tpu.memref_squeeze %dma_start3A_576 : memref<1x80x128xf32, #tpu.memory_space<hbm>> -> memref<80x128xf32, #tpu.memory_space<hbm>>
    %dma_start3A_578 = arith.constant 0 : i32
    %dma_start3A_579 = arith.constant 0 : i32
    %dma_start3A_580 = tpu.memref_slice %arg9[%dma_start3A_578, %dma_start3A_579] : memref<80x128xf32, #tpu.memory_space<vmem>> -> memref<80x128xf32, #tpu.memory_space<vmem>>
    tpu.enqueue_dma source(%dma_start3A_580 : memref<80x128xf32, #tpu.memory_space<vmem>>) target(%dma_start3A_577 : memref<80x128xf32, #tpu.memory_space<hbm>>) target_semaphore(%arg14 : memref<!tpu.dma_semaphore, #tpu.memory_space<semaphore_mem>>)
    %mul3A_581 = arith.constant 640 : i32
    %mul3A_582 = arith.muli %arg1, %mul3A_581 : i32
    %dma_wait3A_583 = arith.constant 0 : i32
    %dma_wait3A_584 = arith.constant 0 : i32
    %dma_wait3A_585 = tpu.memref_slice %arg8[%dma_wait3A_583, %dma_wait3A_584] : memref<80x128xf32, #tpu.memory_space<vmem>> -> memref<80x128xf32, #tpu.memory_space<vmem>>
    %dma_wait3A_586 = arith.constant 0 : i32
    %dma_wait3A_587 = tpu.memref_slice %arg5[%arg0, %mul3A_582, %dma_wait3A_586] : memref<2x10240x128xf32, #tpu.memory_space<hbm>> -> memref<1x80x128xf32, #tpu.memory_space<hbm>>
    %dma_wait3A_588 = tpu.memref_squeeze %dma_wait3A_587 : memref<1x80x128xf32, #tpu.memory_space<hbm>> -> memref<80x128xf32, #tpu.memory_space<hbm>>
    %dma_wait3A_589 = arith.constant 0 : i32
    %dma_wait3A_590 = tpu.memref_slice %arg5[%arg0, %mul3A_582, %dma_wait3A_589] : memref<2x10240x128xf32, #tpu.memory_space<hbm>> -> memref<1x80x128xf32, #tpu.memory_space<hbm>>
    %dma_wait3A_591 = tpu.memref_squeeze %dma_wait3A_590 : memref<1x80x128xf32, #tpu.memory_space<hbm>> -> memref<80x128xf32, #tpu.memory_space<hbm>>
    %dma_wait3A_592 = arith.constant 0 : i32
    %dma_wait3A_593 = arith.constant 0 : i32
    %dma_wait3A_594 = tpu.memref_slice %arg8[%dma_wait3A_592, %dma_wait3A_593] : memref<80x128xf32, #tpu.memory_space<vmem>> -> memref<80x128xf32, #tpu.memory_space<vmem>>
    tpu.wait_dma2 semaphore(%arg13 : memref<!tpu.dma_semaphore, #tpu.memory_space<semaphore_mem>>) src(%dma_wait3A_594 : memref<80x128xf32, #tpu.memory_space<vmem>>) dst(%dma_wait3A_591 : memref<80x128xf32, #tpu.memory_space<hbm>>)
    %mul3A_595 = arith.constant 640 : i32
    %mul3A_596 = arith.muli %arg1, %mul3A_595 : i32
    %dma_wait3A_597 = arith.constant 0 : i32
    %dma_wait3A_598 = arith.constant 0 : i32
    %dma_wait3A_599 = tpu.memref_slice %arg9[%dma_wait3A_597, %dma_wait3A_598] : memref<80x128xf32, #tpu.memory_space<vmem>> -> memref<80x128xf32, #tpu.memory_space<vmem>>
    %dma_wait3A_600 = arith.constant 0 : i32
    %dma_wait3A_601 = tpu.memref_slice %arg5[%arg0, %mul3A_596, %dma_wait3A_600] : memref<2x10240x128xf32, #tpu.memory_space<hbm>> -> memref<1x80x128xf32, #tpu.memory_space<hbm>>
    %dma_wait3A_602 = tpu.memref_squeeze %dma_wait3A_601 : memref<1x80x128xf32, #tpu.memory_space<hbm>> -> memref<80x128xf32, #tpu.memory_space<hbm>>
    %dma_wait3A_603 = arith.constant 0 : i32
    %dma_wait3A_604 = tpu.memref_slice %arg5[%arg0, %mul3A_596, %dma_wait3A_603] : memref<2x10240x128xf32, #tpu.memory_space<hbm>> -> memref<1x80x128xf32, #tpu.memory_space<hbm>>
    %dma_wait3A_605 = tpu.memref_squeeze %dma_wait3A_604 : memref<1x80x128xf32, #tpu.memory_space<hbm>> -> memref<80x128xf32, #tpu.memory_space<hbm>>
    %dma_wait3A_606 = arith.constant 0 : i32
    %dma_wait3A_607 = arith.constant 0 : i32
    %dma_wait3A_608 = tpu.memref_slice %arg9[%dma_wait3A_606, %dma_wait3A_607] : memref<80x128xf32, #tpu.memory_space<vmem>> -> memref<80x128xf32, #tpu.memory_space<vmem>>
    tpu.wait_dma2 semaphore(%arg14 : memref<!tpu.dma_semaphore, #tpu.memory_space<semaphore_mem>>) src(%dma_wait3A_608 : memref<80x128xf32, #tpu.memory_space<vmem>>) dst(%dma_wait3A_605 : memref<80x128xf32, #tpu.memory_space<hbm>>)
    return
  }
}

#map = affine_map<(d0, d1) -> (0, 0, 0)>
#map1 = affine_map<(d0, d1) -> (0, 0)>
module attributes {stable_mosaic.version = 14 : i64} {
  func.func @_sc_degree(%arg0: i32, %arg1: i32, %arg2: memref<32x125x80xi32, #tpu.memory_space<hbm>>, %arg3: memref<32x10240xf32, #tpu.memory_space<hbm>>, %arg4: memref<125x80xi32, #tpu.memory_space<vmem>>, %arg5: memref<10240xf32, #tpu.memory_space<vmem>>, %arg6: memref<!tpu.dma_semaphore, #tpu.memory_space<semaphore_mem>>) attributes {dimension_semantics = [#tpu.dimension_semantics<core_parallel>, #tpu.dimension_semantics<subcore_parallel>], iteration_bounds = array<i64: 2, 16>, scalar_prefetch = 0 : i64, scratch_operands = 3 : i64, tpu.core_type = #tpu.core_type<sc_vector_subcore>, window_params = [{transform_indices = #map}, {transform_indices = #map1}]} {
    %mul3A = arith.constant 16 : i32
    %mul3A_0 = arith.muli %arg0, %mul3A : i32
    %add3A = arith.addi %mul3A_0, %arg1 : i32
    %dma_start3A = arith.constant 0 : i32
    %dma_start3A_1 = arith.constant 0 : i32
    %dma_start3A_2 = tpu.memref_slice %arg2[%add3A, %dma_start3A, %dma_start3A_1] : memref<32x125x80xi32, #tpu.memory_space<hbm>> -> memref<1x125x80xi32, #tpu.memory_space<hbm>>
    %dma_start3A_3 = tpu.memref_squeeze %dma_start3A_2 : memref<1x125x80xi32, #tpu.memory_space<hbm>> -> memref<125x80xi32, #tpu.memory_space<hbm>>
    %dma_start3A_4 = arith.constant 0 : i32
    %dma_start3A_5 = arith.constant 0 : i32
    %dma_start3A_6 = tpu.memref_slice %arg2[%add3A, %dma_start3A_4, %dma_start3A_5] : memref<32x125x80xi32, #tpu.memory_space<hbm>> -> memref<1x125x80xi32, #tpu.memory_space<hbm>>
    %dma_start3A_7 = tpu.memref_squeeze %dma_start3A_6 : memref<1x125x80xi32, #tpu.memory_space<hbm>> -> memref<125x80xi32, #tpu.memory_space<hbm>>
    tpu.enqueue_dma source(%dma_start3A_7 : memref<125x80xi32, #tpu.memory_space<hbm>>) target(%arg4 : memref<125x80xi32, #tpu.memory_space<vmem>>) target_semaphore(%arg6 : memref<!tpu.dma_semaphore, #tpu.memory_space<semaphore_mem>>)
    %scan3A = arith.constant 0 : i32
    %scan3A_8 = arith.constant 640 : i32
    %scan3A_9 = arith.addi %scan3A, %scan3A_8 : i32
    %scan3A_10 = arith.constant 1 : i32
    scf.for %scan3A_25 = %scan3A to %scan3A_9 step %scan3A_10  : i32 {
      %mul3A_26 = arith.constant 1 : i32
      %mul3A_27 = arith.muli %scan3A_25, %mul3A_26 : i32
      %add3A_28 = arith.constant 0 : i32
      %add3A_29 = arith.addi %add3A_28, %mul3A_27 : i32
      %broadcast_in_dim3A_30 = arith.constant 0.000000e+00 : f32
      %broadcast_in_dim3A_31 = vector.broadcast %broadcast_in_dim3A_30 : f32 to vector<16xf32>
      %mul3A_32 = arith.constant 16 : i32
      %mul3A_33 = arith.muli %add3A_29, %mul3A_32 : i32
      %swap3A = arith.index_cast %mul3A_33 : i32 to index
      %swap3A_34 = tpu.vector_load %arg5[%swap3A] {strides = array<i32>} : memref<10240xf32, #tpu.memory_space<vmem>>, vector<16xf32>,
      tpu.vector_store %arg5[%swap3A], %broadcast_in_dim3A_31 {strides = array<i32>} : memref<10240xf32, #tpu.memory_space<vmem>>, vector<16xf32>,
    }
    %scan3A_11 = arith.constant 640 : i32
    %dma_wait3A = arith.constant 0 : i32
    %dma_wait3A_12 = arith.constant 0 : i32
    %dma_wait3A_13 = tpu.memref_slice %arg2[%add3A, %dma_wait3A, %dma_wait3A_12] : memref<32x125x80xi32, #tpu.memory_space<hbm>> -> memref<1x125x80xi32, #tpu.memory_space<hbm>>
    %dma_wait3A_14 = tpu.memref_squeeze %dma_wait3A_13 : memref<1x125x80xi32, #tpu.memory_space<hbm>> -> memref<125x80xi32, #tpu.memory_space<hbm>>
    %dma_wait3A_15 = arith.constant 0 : i32
    %dma_wait3A_16 = arith.constant 0 : i32
    %dma_wait3A_17 = tpu.memref_slice %arg2[%add3A, %dma_wait3A_15, %dma_wait3A_16] : memref<32x125x80xi32, #tpu.memory_space<hbm>> -> memref<1x125x80xi32, #tpu.memory_space<hbm>>
    %dma_wait3A_18 = tpu.memref_squeeze %dma_wait3A_17 : memref<1x125x80xi32, #tpu.memory_space<hbm>> -> memref<125x80xi32, #tpu.memory_space<hbm>>
    tpu.wait_dma2 semaphore(%arg6 : memref<!tpu.dma_semaphore, #tpu.memory_space<semaphore_mem>>) src(%dma_wait3A_18 : memref<125x80xi32, #tpu.memory_space<hbm>>) dst(%arg4 : memref<125x80xi32, #tpu.memory_space<vmem>>)
    %broadcast_in_dim3A = arith.constant 1.000000e+00 : f32
    %broadcast_in_dim3A_19 = vector.broadcast %broadcast_in_dim3A : f32 to vector<16xf32>
    %scan3A_20 = arith.constant 0 : i32
    %scan3A_21 = arith.constant 125 : i32
    %scan3A_22 = arith.addi %scan3A_20, %scan3A_21 : i32
    %scan3A_23 = arith.constant 1 : i32
    scf.for %scan3A_25 = %scan3A_20 to %scan3A_22 step %scan3A_23  : i32 {
      %mul3A_26 = arith.constant 1 : i32
      %mul3A_27 = arith.muli %scan3A_25, %mul3A_26 : i32
      %add3A_28 = arith.constant 0 : i32
      %add3A_29 = arith.addi %add3A_28, %mul3A_27 : i32
      %get3A = arith.index_cast %add3A_29 : i32 to index
      %get3A_30 = arith.constant 0 : index
      %get3A_31 = tpu.vector_load %arg4[%get3A, %get3A_30] {strides = array<i32>} : memref<125x80xi32, #tpu.memory_space<vmem>>, vector<16xi32>,
      tpu.vector_store_idx %arg5[%get3A_31], %broadcast_in_dim3A_19 {add = true} : memref<10240xf32, #tpu.memory_space<vmem>>[vector<16xi32>], vector<16xf32>,
      %get3A_32 = arith.index_cast %add3A_29 : i32 to index
      %get3A_33 = arith.constant 16 : index
      %get3A_34 = tpu.vector_load %arg4[%get3A_32, %get3A_33] {strides = array<i32>} : memref<125x80xi32, #tpu.memory_space<vmem>>, vector<16xi32>,
      tpu.vector_store_idx %arg5[%get3A_34], %broadcast_in_dim3A_19 {add = true} : memref<10240xf32, #tpu.memory_space<vmem>>[vector<16xi32>], vector<16xf32>,
      %get3A_35 = arith.index_cast %add3A_29 : i32 to index
      %get3A_36 = arith.constant 32 : index
      %get3A_37 = tpu.vector_load %arg4[%get3A_35, %get3A_36] {strides = array<i32>} : memref<125x80xi32, #tpu.memory_space<vmem>>, vector<16xi32>,
      tpu.vector_store_idx %arg5[%get3A_37], %broadcast_in_dim3A_19 {add = true} : memref<10240xf32, #tpu.memory_space<vmem>>[vector<16xi32>], vector<16xf32>,
      %get3A_38 = arith.index_cast %add3A_29 : i32 to index
      %get3A_39 = arith.constant 48 : index
      %get3A_40 = tpu.vector_load %arg4[%get3A_38, %get3A_39] {strides = array<i32>} : memref<125x80xi32, #tpu.memory_space<vmem>>, vector<16xi32>,
      tpu.vector_store_idx %arg5[%get3A_40], %broadcast_in_dim3A_19 {add = true} : memref<10240xf32, #tpu.memory_space<vmem>>[vector<16xi32>], vector<16xf32>,
      %get3A_41 = arith.index_cast %add3A_29 : i32 to index
      %get3A_42 = arith.constant 64 : index
      %get3A_43 = tpu.vector_load %arg4[%get3A_41, %get3A_42] {strides = array<i32>} : memref<125x80xi32, #tpu.memory_space<vmem>>, vector<16xi32>,
      tpu.vector_store_idx %arg5[%get3A_43], %broadcast_in_dim3A_19 {add = true} : memref<10240xf32, #tpu.memory_space<vmem>>[vector<16xi32>], vector<16xf32>,
    }
    %scan3A_24 = arith.constant 125 : i32
    "tpu.region"() ({
      %run_scoped3A = tpu.sem_alloc : memref<!tpu.dma_semaphore, #tpu.memory_space<semaphore_mem>>
      %dma_start3A_25 = arith.constant 0 : i32
      %dma_start3A_26 = tpu.memref_slice %arg3[%add3A, %dma_start3A_25] : memref<32x10240xf32, #tpu.memory_space<hbm>> -> memref<1x10240xf32, #tpu.memory_space<hbm>>
      %dma_start3A_27 = tpu.memref_squeeze %dma_start3A_26 : memref<1x10240xf32, #tpu.memory_space<hbm>> -> memref<10240xf32, #tpu.memory_space<hbm>>
      %dma_start3A_28 = arith.constant 0 : i32
      %dma_start3A_29 = tpu.memref_slice %arg3[%add3A, %dma_start3A_28] : memref<32x10240xf32, #tpu.memory_space<hbm>> -> memref<1x10240xf32, #tpu.memory_space<hbm>>
      %dma_start3A_30 = tpu.memref_squeeze %dma_start3A_29 : memref<1x10240xf32, #tpu.memory_space<hbm>> -> memref<10240xf32, #tpu.memory_space<hbm>>
      tpu.enqueue_dma source(%arg5 : memref<10240xf32, #tpu.memory_space<vmem>>) target(%dma_start3A_30 : memref<10240xf32, #tpu.memory_space<hbm>>) target_semaphore(%run_scoped3A : memref<!tpu.dma_semaphore, #tpu.memory_space<semaphore_mem>>)
      %dma_wait3A_31 = arith.constant 0 : i32
      %dma_wait3A_32 = tpu.memref_slice %arg3[%add3A, %dma_wait3A_31] : memref<32x10240xf32, #tpu.memory_space<hbm>> -> memref<1x10240xf32, #tpu.memory_space<hbm>>
      %dma_wait3A_33 = tpu.memref_squeeze %dma_wait3A_32 : memref<1x10240xf32, #tpu.memory_space<hbm>> -> memref<10240xf32, #tpu.memory_space<hbm>>
      %dma_wait3A_34 = arith.constant 0 : i32
      %dma_wait3A_35 = tpu.memref_slice %arg3[%add3A, %dma_wait3A_34] : memref<32x10240xf32, #tpu.memory_space<hbm>> -> memref<1x10240xf32, #tpu.memory_space<hbm>>
      %dma_wait3A_36 = tpu.memref_squeeze %dma_wait3A_35 : memref<1x10240xf32, #tpu.memory_space<hbm>> -> memref<10240xf32, #tpu.memory_space<hbm>>
      tpu.wait_dma2 semaphore(%run_scoped3A : memref<!tpu.dma_semaphore, #tpu.memory_space<semaphore_mem>>) src(%arg5 : memref<10240xf32, #tpu.memory_space<vmem>>) dst(%dma_wait3A_36 : memref<10240xf32, #tpu.memory_space<hbm>>)
      tpu.yield
    }) : () -> ()
    return
  }
}

module attributes {stable_mosaic.version = 14 : i64} {
  func.func @_tc1_body(%arg0: i32, %arg1: memref<2048x128xf32, #tpu.memory_space<vmem>>, %arg2: memref<128x128xf32, #tpu.memory_space<vmem>>, %arg3: memref<32x2048xf32, #tpu.memory_space<vmem>>, %arg4: memref<2048x128xf32, #tpu.memory_space<vmem>>) attributes {dimension_semantics = [#tpu.dimension_semantics<arbitrary>], iteration_bounds = array<i64: 5>, scalar_prefetch = 0 : i64, scratch_operands = 0 : i64, tpu.core_type = #tpu.core_type<tc>, window_params = [{transform_indices = @transform_0, window_bounds = array<i64: 2048, 128>}, {pipeline_mode = #tpu.pipeline_mode<synchronous>, transform_indices = @transform_1, window_bounds = array<i64: 128, 128>}, {transform_indices = @transform_2, window_bounds = array<i64: 32, 2048>}, {transform_indices = @transform_3, window_bounds = array<i64: 2048, 128>}]} {
    %get3A = arith.constant 0 : index
    %get3A_0 = arith.constant 0 : index
    %get3A_1 = vector.load %arg1[%get3A, %get3A_0] : memref<2048x128xf32, #tpu.memory_space<vmem>>, vector<2048x128xf32>
    %get3A_2 = arith.constant 0 : index
    %get3A_3 = arith.constant 0 : index
    %get3A_4 = vector.load %arg2[%get3A_2, %get3A_3] : memref<128x128xf32, #tpu.memory_space<vmem>>, vector<128x128xf32>
    %dot_general3A = arith.constant dense<0.000000e+00> : vector<2048x128xf32>
    %dot_general3A_5 = tpu.matmul %get3A_1, %get3A_4, %dot_general3A {dimension_numbers = #tpu.dot_dimension_numbers<[1], [0], [0], [1], [0, 0, 1, 1], [], []>, transpose_lhs_hint = false} : vector<2048x128xf32>, vector<128x128xf32>, vector<2048x128xf32> -> vector<2048x128xf32>
    %get3A_6 = arith.constant 0 : index
    %get3A_7 = arith.constant 0 : index
    %get3A_8 = vector.load %arg3[%get3A_6, %get3A_7] : memref<32x2048xf32, #tpu.memory_space<vmem>>, vector<32x2048xf32>
    %reduce_sum3A = arith.constant dense<0.000000e+00> : vector<2048xf32>
    %reduce_sum3A_9 = vector.multi_reduction <add>, %get3A_8, %reduce_sum3A [0] : vector<32x2048xf32> to vector<2048xf32>
    %add3A = arith.constant 1.000000e+00 : f32
    %add3A_10 = vector.broadcast %add3A : f32 to vector<2048xf32>
    %add3A_11 = arith.addf %reduce_sum3A_9, %add3A_10 : vector<2048xf32>
    %rsqrt3A = math.rsqrt %add3A_11 : vector<2048xf32>
    %broadcast_in_dim3A = vector.shape_cast %rsqrt3A : vector<2048xf32> to vector<2048x1xf32>
    %mul3A = vector.broadcast %broadcast_in_dim3A : vector<2048x1xf32> to vector<2048x128xf32>
    %mul3A_12 = arith.mulf %dot_general3A_5, %mul3A : vector<2048x128xf32>
    %swap3A = arith.constant 0 : index
    %swap3A_13 = arith.constant 0 : index
    %swap3A_14 = vector.load %arg4[%swap3A, %swap3A_13] : memref<2048x128xf32, #tpu.memory_space<vmem>>, vector<2048x128xf32>
    tpu.vector_store %arg4[%swap3A, %swap3A_13], %mul3A_12 {strides = array<i32>} : memref<2048x128xf32, #tpu.memory_space<vmem>>, vector<2048x128xf32>,
    return
  }
  func.func @transform_0(%arg0: i32) -> (i32, i32) {
    %c0_i32 = arith.constant 0 : i32
    %c0_i32_0 = arith.constant 0 : i32
    return %arg0, %c0_i32 : i32, i32
  }
  func.func @transform_1(%arg0: i32) -> (i32, i32) {
    %c0_i32 = arith.constant 0 : i32
    %c0_i32_0 = arith.constant 0 : i32
    %c0_i32_1 = arith.constant 0 : i32
    return %c0_i32, %c0_i32_0 : i32, i32
  }
  func.func @transform_2(%arg0: i32) -> (i32, i32) {
    %c0_i32 = arith.constant 0 : i32
    %c0_i32_0 = arith.constant 0 : i32
    return %c0_i32, %arg0 : i32, i32
  }
  func.func @transform_3(%arg0: i32) -> (i32, i32) {
    %c0_i32 = arith.constant 0 : i32
    %c0_i32_0 = arith.constant 0 : i32
    return %arg0, %c0_i32 : i32, i32
  }
}

module attributes {stable_mosaic.version = 14 : i64} {
  func.func @_tc2_body(%arg0: i32, %arg1: memref<2x2048x128xf32, #tpu.memory_space<vmem>>, %arg2: memref<2048x128xf32, #tpu.memory_space<vmem>>, %arg3: memref<32x2048xf32, #tpu.memory_space<vmem>>, %arg4: memref<1x128xf32, #tpu.memory_space<vmem>>, %arg5: memref<128x128xf32, #tpu.memory_space<vmem>>, %arg6: memref<2048x128xf32, #tpu.memory_space<vmem>>) attributes {dimension_semantics = [#tpu.dimension_semantics<arbitrary>], iteration_bounds = array<i64: 5>, scalar_prefetch = 0 : i64, scratch_operands = 0 : i64, tpu.core_type = #tpu.core_type<tc>, window_params = [{transform_indices = @transform_0, window_bounds = array<i64: 2, 2048, 128>}, {transform_indices = @transform_1, window_bounds = array<i64: 2048, 128>}, {transform_indices = @transform_2, window_bounds = array<i64: 32, 2048>}, {pipeline_mode = #tpu.pipeline_mode<synchronous>, transform_indices = @transform_3, window_bounds = array<i64: 1, 128>}, {pipeline_mode = #tpu.pipeline_mode<synchronous>, transform_indices = @transform_4, window_bounds = array<i64: 128, 128>}, {transform_indices = @transform_5, window_bounds = array<i64: 2048, 128>}]} {
    %get3A = arith.constant 0 : index
    %get3A_0 = arith.constant 0 : index
    %get3A_1 = vector.load %arg3[%get3A, %get3A_0] : memref<32x2048xf32, #tpu.memory_space<vmem>>, vector<32x2048xf32>
    %reduce_sum3A = arith.constant dense<0.000000e+00> : vector<2048xf32>
    %reduce_sum3A_2 = vector.multi_reduction <add>, %get3A_1, %reduce_sum3A [0] : vector<32x2048xf32> to vector<2048xf32>
    %add3A = arith.constant 1.000000e+00 : f32
    %add3A_3 = vector.broadcast %add3A : f32 to vector<2048xf32>
    %add3A_4 = arith.addf %reduce_sum3A_2, %add3A_3 : vector<2048xf32>
    %rsqrt3A = math.rsqrt %add3A_4 : vector<2048xf32>
    %broadcast_in_dim3A = vector.shape_cast %rsqrt3A : vector<2048xf32> to vector<2048x1xf32>
    %get3A_5 = arith.constant 0 : index
    %get3A_6 = arith.constant 0 : index
    %get3A_7 = arith.constant 0 : index
    %get3A_8 = vector.load %arg1[%get3A_5, %get3A_6, %get3A_7] : memref<2x2048x128xf32, #tpu.memory_space<vmem>>, vector<1x2048x128xf32>
    %get3A_9 = vector.shape_cast %get3A_8 : vector<1x2048x128xf32> to vector<2048x128xf32>
    %get3A_10 = arith.constant 1 : index
    %get3A_11 = arith.constant 0 : index
    %get3A_12 = arith.constant 0 : index
    %get3A_13 = vector.load %arg1[%get3A_10, %get3A_11, %get3A_12] : memref<2x2048x128xf32, #tpu.memory_space<vmem>>, vector<1x2048x128xf32>
    %get3A_14 = vector.shape_cast %get3A_13 : vector<1x2048x128xf32> to vector<2048x128xf32>
    %add3A_15 = arith.addf %get3A_9, %get3A_14 : vector<2048x128xf32>
    %get3A_16 = arith.constant 0 : index
    %get3A_17 = arith.constant 0 : index
    %get3A_18 = vector.load %arg2[%get3A_16, %get3A_17] : memref<2048x128xf32, #tpu.memory_space<vmem>>, vector<2048x128xf32>
    %add3A_19 = arith.addf %add3A_15, %get3A_18 : vector<2048x128xf32>
    %mul3A = vector.broadcast %broadcast_in_dim3A : vector<2048x1xf32> to vector<2048x128xf32>
    %mul3A_20 = arith.mulf %add3A_19, %mul3A : vector<2048x128xf32>
    %get3A_21 = arith.constant 0 : index
    %get3A_22 = arith.constant 0 : index
    %get3A_23 = vector.load %arg4[%get3A_21, %get3A_22] : memref<1x128xf32, #tpu.memory_space<vmem>>, vector<1x128xf32>
    %add3A_24 = vector.broadcast %get3A_23 : vector<1x128xf32> to vector<2048x128xf32>
    %add3A_25 = arith.addf %mul3A_20, %add3A_24 : vector<2048x128xf32>
    %max3A = arith.constant 0.000000e+00 : f32
    %max3A_26 = vector.broadcast %max3A : f32 to vector<2048x128xf32>
    %max3A_27 = arith.maximumf %add3A_25, %max3A_26 : vector<2048x128xf32>
    %get3A_28 = arith.constant 0 : index
    %get3A_29 = arith.constant 0 : index
    %get3A_30 = vector.load %arg5[%get3A_28, %get3A_29] : memref<128x128xf32, #tpu.memory_space<vmem>>, vector<128x128xf32>
    %dot_general3A = arith.constant dense<0.000000e+00> : vector<2048x128xf32>
    %dot_general3A_31 = tpu.matmul %max3A_27, %get3A_30, %dot_general3A {dimension_numbers = #tpu.dot_dimension_numbers<[1], [0], [0], [1], [0, 0, 1, 1], [], []>, transpose_lhs_hint = false} : vector<2048x128xf32>, vector<128x128xf32>, vector<2048x128xf32> -> vector<2048x128xf32>
    %mul3A_32 = vector.broadcast %broadcast_in_dim3A : vector<2048x1xf32> to vector<2048x128xf32>
    %mul3A_33 = arith.mulf %dot_general3A_31, %mul3A_32 : vector<2048x128xf32>
    %swap3A = arith.constant 0 : index
    %swap3A_34 = arith.constant 0 : index
    %swap3A_35 = vector.load %arg6[%swap3A, %swap3A_34] : memref<2048x128xf32, #tpu.memory_space<vmem>>, vector<2048x128xf32>
    tpu.vector_store %arg6[%swap3A, %swap3A_34], %mul3A_33 {strides = array<i32>} : memref<2048x128xf32, #tpu.memory_space<vmem>>, vector<2048x128xf32>,
    return
  }
  func.func @transform_0(%arg0: i32) -> (i32, i32, i32) {
    %c0_i32 = arith.constant 0 : i32
    %c0_i32_0 = arith.constant 0 : i32
    %c0_i32_1 = arith.constant 0 : i32
    return %c0_i32, %arg0, %c0_i32_0 : i32, i32, i32
  }
  func.func @transform_1(%arg0: i32) -> (i32, i32) {
    %c0_i32 = arith.constant 0 : i32
    %c0_i32_0 = arith.constant 0 : i32
    return %arg0, %c0_i32 : i32, i32
  }
  func.func @transform_2(%arg0: i32) -> (i32, i32) {
    %c0_i32 = arith.constant 0 : i32
    %c0_i32_0 = arith.constant 0 : i32
    return %c0_i32, %arg0 : i32, i32
  }
  func.func @transform_3(%arg0: i32) -> (i32, i32) {
    %c0_i32 = arith.constant 0 : i32
    %c0_i32_0 = arith.constant 0 : i32
    %c0_i32_1 = arith.constant 0 : i32
    return %c0_i32, %c0_i32_0 : i32, i32
  }
  func.func @transform_4(%arg0: i32) -> (i32, i32) {
    %c0_i32 = arith.constant 0 : i32
    %c0_i32_0 = arith.constant 0 : i32
    %c0_i32_1 = arith.constant 0 : i32
    return %c0_i32, %c0_i32_0 : i32, i32
  }
  func.func @transform_5(%arg0: i32) -> (i32, i32) {
    %c0_i32 = arith.constant 0 : i32
    %c0_i32_0 = arith.constant 0 : i32
    return %arg0, %c0_i32 : i32, i32
  }
}

module attributes {stable_mosaic.version = 14 : i64} {
  func.func @_tc3_body(%arg0: i32, %arg1: memref<2x2048x128xf32, #tpu.memory_space<vmem>>, %arg2: memref<2048x128xf32, #tpu.memory_space<vmem>>, %arg3: memref<32x2048xf32, #tpu.memory_space<vmem>>, %arg4: memref<1x128xf32, #tpu.memory_space<vmem>>, %arg5: memref<1x1x2048xi32, #tpu.memory_space<vmem>>, %arg6: memref<128x1xf32, #tpu.memory_space<vmem>>, %arg7: memref<1x1xf32, #tpu.memory_space<vmem>>, %arg8: memref<64x1xf32, #tpu.memory_space<vmem>>, %arg9: memref<64x128xf32, #tpu.memory_space<vmem>>, %arg10: memref<64x128xf32, #tpu.memory_space<vmem>>) attributes {dimension_semantics = [#tpu.dimension_semantics<arbitrary>], iteration_bounds = array<i64: 5>, scalar_prefetch = 0 : i64, scratch_operands = 2 : i64, tpu.core_type = #tpu.core_type<tc>, window_params = [{transform_indices = @transform_0, window_bounds = array<i64: 2, 2048, 128>}, {transform_indices = @transform_1, window_bounds = array<i64: 2048, 128>}, {transform_indices = @transform_2, window_bounds = array<i64: 32, 2048>}, {pipeline_mode = #tpu.pipeline_mode<synchronous>, transform_indices = @transform_3, window_bounds = array<i64: 1, 128>}, {transform_indices = @transform_4, window_bounds = array<i64: 1, 1, 2048>}, {pipeline_mode = #tpu.pipeline_mode<synchronous>, transform_indices = @transform_5, window_bounds = array<i64: 128, 1>}, {pipeline_mode = #tpu.pipeline_mode<synchronous>, transform_indices = @transform_6, window_bounds = array<i64: 1, 1>}, {pipeline_mode = #tpu.pipeline_mode<synchronous>, transform_indices = @transform_7, window_bounds = array<i64: 64, 1>}]} {
    %get3A = arith.constant 0 : index
    %get3A_0 = arith.constant 0 : index
    %get3A_1 = vector.load %arg3[%get3A, %get3A_0] : memref<32x2048xf32, #tpu.memory_space<vmem>>, vector<32x2048xf32>
    %reduce_sum3A = arith.constant dense<0.000000e+00> : vector<2048xf32>
    %reduce_sum3A_2 = vector.multi_reduction <add>, %get3A_1, %reduce_sum3A [0] : vector<32x2048xf32> to vector<2048xf32>
    %add3A = arith.constant 1.000000e+00 : f32
    %add3A_3 = vector.broadcast %add3A : f32 to vector<2048xf32>
    %add3A_4 = arith.addf %reduce_sum3A_2, %add3A_3 : vector<2048xf32>
    %rsqrt3A = math.rsqrt %add3A_4 : vector<2048xf32>
    %broadcast_in_dim3A = vector.shape_cast %rsqrt3A : vector<2048xf32> to vector<2048x1xf32>
    %get3A_5 = arith.constant 0 : index
    %get3A_6 = arith.constant 0 : index
    %get3A_7 = arith.constant 0 : index
    %get3A_8 = vector.load %arg1[%get3A_5, %get3A_6, %get3A_7] : memref<2x2048x128xf32, #tpu.memory_space<vmem>>, vector<1x2048x128xf32>
    %get3A_9 = vector.shape_cast %get3A_8 : vector<1x2048x128xf32> to vector<2048x128xf32>
    %get3A_10 = arith.constant 1 : index
    %get3A_11 = arith.constant 0 : index
    %get3A_12 = arith.constant 0 : index
    %get3A_13 = vector.load %arg1[%get3A_10, %get3A_11, %get3A_12] : memref<2x2048x128xf32, #tpu.memory_space<vmem>>, vector<1x2048x128xf32>
    %get3A_14 = vector.shape_cast %get3A_13 : vector<1x2048x128xf32> to vector<2048x128xf32>
    %add3A_15 = arith.addf %get3A_9, %get3A_14 : vector<2048x128xf32>
    %get3A_16 = arith.constant 0 : index
    %get3A_17 = arith.constant 0 : index
    %get3A_18 = vector.load %arg2[%get3A_16, %get3A_17] : memref<2048x128xf32, #tpu.memory_space<vmem>>, vector<2048x128xf32>
    %add3A_19 = arith.addf %add3A_15, %get3A_18 : vector<2048x128xf32>
    %mul3A = vector.broadcast %broadcast_in_dim3A : vector<2048x1xf32> to vector<2048x128xf32>
    %mul3A_20 = arith.mulf %add3A_19, %mul3A : vector<2048x128xf32>
    %get3A_21 = arith.constant 0 : index
    %get3A_22 = arith.constant 0 : index
    %get3A_23 = vector.load %arg4[%get3A_21, %get3A_22] : memref<1x128xf32, #tpu.memory_space<vmem>>, vector<1x128xf32>
    %add3A_24 = vector.broadcast %get3A_23 : vector<1x128xf32> to vector<2048x128xf32>
    %add3A_25 = arith.addf %mul3A_20, %add3A_24 : vector<2048x128xf32>
    %max3A = arith.constant 0.000000e+00 : f32
    %max3A_26 = vector.broadcast %max3A : f32 to vector<2048x128xf32>
    %max3A_27 = arith.maximumf %add3A_25, %max3A_26 : vector<2048x128xf32>
    %get3A_28 = arith.constant 0 : index
    %get3A_29 = arith.constant 0 : index
    %get3A_30 = arith.constant 0 : index
    %get3A_31 = vector.load %arg5[%get3A_28, %get3A_29, %get3A_30] : memref<1x1x2048xi32, #tpu.memory_space<vmem>>, vector<1x1x2048xi32>
    %get3A_32 = vector.shape_cast %get3A_31 : vector<1x1x2048xi32> to vector<2048xi32>
    %iota3A = tpu.iota {dimensions = array<i32: 0>} : vector<64x2048xi32>
    %broadcast_in_dim3A_33 = vector.shape_cast %get3A_32 : vector<2048xi32> to vector<1x2048xi32>
    %eq3A = vector.broadcast %broadcast_in_dim3A_33 : vector<1x2048xi32> to vector<64x2048xi32>
    %eq3A_34 = arith.cmpi eq, %eq3A, %iota3A : vector<64x2048xi32>
    %convert_element_type3A = arith.extui %eq3A_34 : vector<64x2048xi1> to vector<64x2048xi32>
    %convert_element_type3A_35 = arith.sitofp %convert_element_type3A : vector<64x2048xi32> to vector<64x2048xf32>
    %dot_general3A = arith.constant dense<0.000000e+00> : vector<64x128xf32>
    %dot_general3A_36 = tpu.matmul %convert_element_type3A_35, %max3A_27, %dot_general3A {dimension_numbers = #tpu.dot_dimension_numbers<[1], [0], [0], [1], [0, 0, 1, 1], [], []>, transpose_lhs_hint = false} : vector<64x2048xf32>, vector<2048x128xf32>, vector<64x128xf32> -> vector<64x128xf32>
    %reduce_sum3A_37 = arith.constant dense<0.000000e+00> : vector<64xf32>
    %reduce_sum3A_38 = vector.multi_reduction <add>, %convert_element_type3A_35, %reduce_sum3A_37 [1] : vector<64x2048xf32> to vector<64xf32>
    %broadcast_in_dim3A_39 = vector.shape_cast %reduce_sum3A_38 : vector<64xf32> to vector<64x1xf32>
    %broadcast_in_dim3A_40 = vector.shape_cast %broadcast_in_dim3A_39 : vector<64x1xf32> to vector<64x1xf32>
    %broadcast_in_dim3A_41 = vector.broadcast %broadcast_in_dim3A_40 : vector<64x1xf32> to vector<64x128xf32>
    %eq3A_42 = arith.constant 0 : i32
    %eq3A_43 = arith.cmpi eq, %arg0, %eq3A_42 : i32
    %convert_element_type3A_44 = arith.extui %eq3A_43 : i1 to i32
    %cond3A = arith.constant 0 : i32
    %cond3A_45 = arith.cmpi ne, %convert_element_type3A_44, %cond3A : i32
    scf.if %cond3A_45 {
      %swap3A = arith.constant 0 : index
      %swap3A_55 = arith.constant 0 : index
      %swap3A_56 = vector.load %arg9[%swap3A, %swap3A_55] : memref<64x128xf32, #tpu.memory_space<vmem>>, vector<64x128xf32>
      tpu.vector_store %arg9[%swap3A, %swap3A_55], %dot_general3A_36 {strides = array<i32>} : memref<64x128xf32, #tpu.memory_space<vmem>>, vector<64x128xf32>,
      %swap3A_57 = arith.constant 0 : index
      %swap3A_58 = arith.constant 0 : index
      %swap3A_59 = vector.load %arg10[%swap3A_57, %swap3A_58] : memref<64x128xf32, #tpu.memory_space<vmem>>, vector<64x128xf32>
      tpu.vector_store %arg10[%swap3A_57, %swap3A_58], %broadcast_in_dim3A_41 {strides = array<i32>} : memref<64x128xf32, #tpu.memory_space<vmem>>, vector<64x128xf32>,
    } else {
    }
    %gt3A = arith.constant 0 : i32
    %gt3A_46 = arith.cmpi sgt, %arg0, %gt3A : i32
    %convert_element_type3A_47 = arith.extui %gt3A_46 : i1 to i32
    %cond3A_48 = arith.constant 0 : i32
    %cond3A_49 = arith.cmpi ne, %convert_element_type3A_47, %cond3A_48 : i32
    scf.if %cond3A_49 {
      %get3A_55 = arith.constant 0 : index
      %get3A_56 = arith.constant 0 : index
      %get3A_57 = vector.load %arg9[%get3A_55, %get3A_56] : memref<64x128xf32, #tpu.memory_space<vmem>>, vector<64x128xf32>
      %add3A_58 = arith.addf %get3A_57, %dot_general3A_36 : vector<64x128xf32>
      %swap3A = arith.constant 0 : index
      %swap3A_59 = arith.constant 0 : index
      %swap3A_60 = vector.load %arg9[%swap3A, %swap3A_59] : memref<64x128xf32, #tpu.memory_space<vmem>>, vector<64x128xf32>
      tpu.vector_store %arg9[%swap3A, %swap3A_59], %add3A_58 {strides = array<i32>} : memref<64x128xf32, #tpu.memory_space<vmem>>, vector<64x128xf32>,
      %get3A_61 = arith.constant 0 : index
      %get3A_62 = arith.constant 0 : index
      %get3A_63 = vector.load %arg10[%get3A_61, %get3A_62] : memref<64x128xf32, #tpu.memory_space<vmem>>, vector<64x128xf32>
      %add3A_64 = arith.addf %get3A_63, %broadcast_in_dim3A_41 : vector<64x128xf32>
      %swap3A_65 = arith.constant 0 : index
      %swap3A_66 = arith.constant 0 : index
      %swap3A_67 = vector.load %arg10[%swap3A_65, %swap3A_66] : memref<64x128xf32, #tpu.memory_space<vmem>>, vector<64x128xf32>
      tpu.vector_store %arg10[%swap3A_65, %swap3A_66], %add3A_64 {strides = array<i32>} : memref<64x128xf32, #tpu.memory_space<vmem>>, vector<64x128xf32>,
    } else {
    }
    %eq3A_50 = arith.constant 4 : i32
    %eq3A_51 = arith.cmpi eq, %arg0, %eq3A_50 : i32
    %convert_element_type3A_52 = arith.extui %eq3A_51 : i1 to i32
    %cond3A_53 = arith.constant 0 : i32
    %cond3A_54 = arith.cmpi ne, %convert_element_type3A_52, %cond3A_53 : i32
    scf.if %cond3A_54 {
      %get3A_55 = arith.constant 0 : index
      %get3A_56 = arith.constant 0 : index
      %get3A_57 = vector.load %arg9[%get3A_55, %get3A_56] : memref<64x128xf32, #tpu.memory_space<vmem>>, vector<64x128xf32>
      %get3A_58 = arith.constant 0 : index
      %get3A_59 = arith.constant 0 : index
      %get3A_60 = vector.load %arg10[%get3A_58, %get3A_59] : memref<64x128xf32, #tpu.memory_space<vmem>>, vector<64x128xf32>
      %max3A_61 = arith.constant 1.000000e+00 : f32
      %max3A_62 = vector.broadcast %max3A_61 : f32 to vector<64x128xf32>
      %max3A_63 = arith.maximumf %get3A_60, %max3A_62 : vector<64x128xf32>
      %div3A = arith.divf %get3A_57, %max3A_63 : vector<64x128xf32>
      %get3A_64 = arith.constant 0 : index
      %get3A_65 = arith.constant 0 : index
      %get3A_66 = vector.load %arg6[%get3A_64, %get3A_65] : memref<128x1xf32, #tpu.memory_space<vmem>>, vector<128x1xf32>
      %dot_general3A_67 = arith.constant dense<0.000000e+00> : vector<64x1xf32>
      %dot_general3A_68 = tpu.matmul %div3A, %get3A_66, %dot_general3A_67 {dimension_numbers = #tpu.dot_dimension_numbers<[1], [0], [0], [1], [0, 0, 1, 1], [], []>, transpose_lhs_hint = false} : vector<64x128xf32>, vector<128x1xf32>, vector<64x1xf32> -> vector<64x1xf32>
      %get3A_69 = arith.constant 0 : index
      %get3A_70 = arith.constant 0 : index
      %get3A_71 = vector.load %arg7[%get3A_69, %get3A_70] : memref<1x1xf32, #tpu.memory_space<vmem>>, vector<1x1xf32>
      %add3A_72 = vector.broadcast %get3A_71 : vector<1x1xf32> to vector<64x1xf32>
      %add3A_73 = arith.addf %dot_general3A_68, %add3A_72 : vector<64x1xf32>
      %swap3A = arith.constant 0 : index
      %swap3A_74 = arith.constant 0 : index
      %swap3A_75 = vector.load %arg8[%swap3A, %swap3A_74] : memref<64x1xf32, #tpu.memory_space<vmem>>, vector<64x1xf32>
      tpu.vector_store %arg8[%swap3A, %swap3A_74], %add3A_73 {strides = array<i32>} : memref<64x1xf32, #tpu.memory_space<vmem>>, vector<64x1xf32>,
    } else {
    }
    return
  }
  func.func @transform_0(%arg0: i32) -> (i32, i32, i32) {
    %c0_i32 = arith.constant 0 : i32
    %c0_i32_0 = arith.constant 0 : i32
    %c0_i32_1 = arith.constant 0 : i32
    return %c0_i32, %arg0, %c0_i32_0 : i32, i32, i32
  }
  func.func @transform_1(%arg0: i32) -> (i32, i32) {
    %c0_i32 = arith.constant 0 : i32
    %c0_i32_0 = arith.constant 0 : i32
    return %arg0, %c0_i32 : i32, i32
  }
  func.func @transform_2(%arg0: i32) -> (i32, i32) {
    %c0_i32 = arith.constant 0 : i32
    %c0_i32_0 = arith.constant 0 : i32
    return %c0_i32, %arg0 : i32, i32
  }
  func.func @transform_3(%arg0: i32) -> (i32, i32) {
    %c0_i32 = arith.constant 0 : i32
    %c0_i32_0 = arith.constant 0 : i32
    %c0_i32_1 = arith.constant 0 : i32
    return %c0_i32, %c0_i32_0 : i32, i32
  }
  func.func @transform_4(%arg0: i32) -> (i32, i32, i32) {
    %c0_i32 = arith.constant 0 : i32
    %c0_i32_0 = arith.constant 0 : i32
    %c0_i32_1 = arith.constant 0 : i32
    return %arg0, %c0_i32, %c0_i32_0 : i32, i32, i32
  }
  func.func @transform_5(%arg0: i32) -> (i32, i32) {
    %c0_i32 = arith.constant 0 : i32
    %c0_i32_0 = arith.constant 0 : i32
    %c0_i32_1 = arith.constant 0 : i32
    return %c0_i32, %c0_i32_0 : i32, i32
  }
  func.func @transform_6(%arg0: i32) -> (i32, i32) {
    %c0_i32 = arith.constant 0 : i32
    %c0_i32_0 = arith.constant 0 : i32
    %c0_i32_1 = arith.constant 0 : i32
    return %c0_i32, %c0_i32_0 : i32, i32
  }
  func.func @transform_7(%arg0: i32) -> (i32, i32) {
    %c0_i32 = arith.constant 0 : i32
    %c0_i32_0 = arith.constant 0 : i32
    %c0_i32_1 = arith.constant 0 : i32
    return %c0_i32, %c0_i32_0 : i32, i32
  }
}

</mosaic_0001>

<sc_bundles>
// kernel: kernel.11.cloned.1.call-start
scs
__scs_entry_jumppad:
0x0: {  	(pc) =	sbr.rel $0x88, $3  }
0x1: {  	(tag) =	ssettag $0x0;
	lr =	simm.s32 $0x1  }
0x2: {  	[smem:$0x3F98] =	sst lr;
	_ =	strace $0xD0000000  }
0x3: {  	_ = 	snop  }
0x4: {  	_ = 	snop  }
0x5: {  	_ = 	snop  }
0x6: {  	_ = 	snop  }
0x7: {  	_ = 	snop  }
__scs_overlays_trampoline_lowered:
0x8: {  	[smem:$0x3FA7] =	sst s0  }
0x9: {  	[smem:$0x3FA8] =	sst s1  }
0xa: {  	[smem:$0x3FA9] =	sst s2  }
0xb: {  	[smem:$0x3FAA] =	sst s3  }
0xc: {  	[smem:$0x3FAB] =	sst s4  }
0xd: {  	[smem:$0x3FAC] =	sst s5  }
0xe: {  	[smem:$0x3FAD] =	sst s6  }
0xf: {  	[smem:$0x3FAE] =	sst s7  }
0x10: {  	[smem:$0x3FAF] =	sst s8  }
0x11: {  	[smem:$0x3FB0] =	sst s9;
	s0 =	simm.s32 @!p0 $0x0  }
0x12: {  	s1 =	sld [smem:$0x3F96];
	s0 =	simm.s32 @p0 $0x1  }
0x13: {  	[smem:$0x3FB1] =	sst s0;
	s0 =	simm.s32 @!p1 $0x0  }
0x14: {  	s2 =	sld [smem:$0x3F95];
	s0 =	simm.s32 @p1 $0x1  }
0x15: {  	[smem:$0x3FB2] =	sst s0;
	s0 =	simm.s32 @!p2 $0x0  }
0x16: {  	s3 =	sld [smem:$0x3FDB];
	s0 =	simm.s32 @p2 $0x1  }
0x17: {  	s4 =	simm.s32 $0x1BF5;
	[smem:$0x3FB4] =	sst s0  }
0x18: {  	s0 =	sld [smem:$0x3F97];
	_ =	swait.ge [sflag:s4], $0x0  }
0x19: {  	s7 =	sld [smem:$0x3F98]  }
0x1a: {  	s8 =	sadd.s32 $0xFFFFE003, lr  }
0x1b: {  	s9 =	sadd.s32 $0xFFFFFEF7, lr;
	s5 =	simm.s32 $0xFFFFFFFF;
	p2 =	slt.u32 s8, $0xFFFFF086  }
0x1c: {  	p1 =	slt.u32 s9, $0xF7A;
	s5 =	simm.s32 @!p2 $0x0  }
0x1d: {  	s5 =	simm.s32 @p1 $0x1;
	p0 =	seq.s32 s7, s2  }
0x1e: {  	s7 =	smul.u32 @!p0 $0xF7A, s2;
	p2 =	seq.s32 @!p0 s5, $0x0  }
0x1f: {  	s9 =	smul.u32 $0xF7A, s1;
	s8 =	simm.s32 @!p0 $0x1BF5;
	p2 =	por !p2, p0  }
0x20: {  	[sflag:s8] =	ssyncset.s32 @!p0 $0xFFFFF086;
	s6 =	sadd.s32 @!p0 s3, s7;
	s7 =	simm.s32 @!p0 $0x108  }
0x21: {  	s3 =	sadd.s32 s3, s9;
	s6 =	sadd.s32 @!p0 $0x88, s6;
	s7 =	simm.s32 @p2 $0x1082  }
0x22: {  	[simem:s7], [sflag:s8] =	dma.local @!p0 [hbm:s6], $0xF7A  }
0x23: {  	s9 =	sor.u32 $0xD0000000, s2;
	s6 =	simm.s32 $0x108;
	_ =	swait.ge @!p0 [sflag:s8], $0x0  }
0x24: {  	s3 =	sadd.s32 $0x88, s3;
	s6 =	simm.s32 @!p1 $0x1082;
	[sflag:s4] =	ssyncset.s32 $0xFFFFF086  }
0x25: {  	[simem:s6], [sflag:s4] =	dma.local [hbm:s3], $0xF7A  }
0x26: {  	[smem:$0x3F98] =	sst s1;
	(tag) =	ssettag s2;
	_ =	strace s9  }
0x27: {  	s1 =	sld [smem:$0x3FA8]  }
0x28: {  	s2 =	sld [smem:$0x3FA9]  }
0x29: {  	s4 =	sld [smem:$0x3FAB]  }
0x2a: {  	p0 =	seq.s32 s5, $0x0;
	s5 =	sld [smem:$0x3FAC]  }
0x2b: {  	s6 =	sld [smem:$0x3FAD]  }
0x2c: {  	s7 =	sld [smem:$0x3FAE]  }
0x2d: {  	s3 =	simm.s32 $0x108;
	s8 =	sld [smem:$0x3FAF]  }
0x2e: {  	s3 =	simm.s32 @!p0 $0x1082;
	s9 =	sld [smem:$0x3FB0]  }
0x2f: {  	lr =	sadd.s32 s0, s3;
	s0 =	sld [smem:$0x3FA7]  }
0x30: {  	s3 =	sld [smem:$0x3FAA]  }
0x31: {  	[smem:$0x3FB3] =	sst s10  }
0x32: {  	s10 =	sld [smem:$0x3FB1];
	_ =	sdelay $0x3  }
0x33: {  	p0 =	seq.s32 s10, $0x1;
	s10 =	sld [smem:$0x3FB3];
	_ =	sdelay $0x3  }
0x34: {  	[smem:$0x3FB3] =	sst s10  }
0x35: {  	s10 =	sld [smem:$0x3FB2];
	_ =	sdelay $0x3  }
0x36: {  	p1 =	seq.s32 s10, $0x1;
	s10 =	sld [smem:$0x3FB3];
	_ =	sdelay $0x3  }
0x37: {  	[smem:$0x3FB3] =	sst s10  }
0x38: {  	s10 =	sld [smem:$0x3FB4]  }
0x39: {  	_ = 	snop;
	(pc) =	sbr.ind lr, $3  }
0x3a: {  	_ = 	snop  }
0x3b: {  	_ = 	snop  }
0x3c: {  	p2 =	seq.s32 s10, $0x1;
	s10 =	sld [smem:$0x3FB3]  }
0x3d: {  	_ =	shalt  }
0x3e: {  	_ =	shalt  }
0x3f: {  	_ =	shalt  }
0x40: {  	_ =	shalt  }
0x41: {  	_ =	shalt  }
0x42: {  	_ =	shalt  }
0x43: {  	_ =	shalt  }
0x44: {  	_ =	shalt  }
0x45: {  	_ =	shalt  }
0x46: {  	_ =	shalt  }
0x47: {  	_ =	shalt  }
0x48: {  	_ =	shalt  }
0x49: {  	_ =	shalt  }
0x4a: {  	_ =	shalt  }
0x4b: {  	_ =	shalt  }
0x4c: {  	_ =	shalt  }
0x4d: {  	_ =	shalt  }
0x4e: {  	_ =	shalt  }
0x4f: {  	_ =	shalt  }
0x50: {  	_ =	shalt  }
0x51: {  	_ =	shalt  }
0x52: {  	_ =	shalt  }
0x53: {  	_ =	shalt  }
0x54: {  	_ =	shalt  }
0x55: {  	_ =	shalt  }
0x56: {  	_ =	shalt  }
0x57: {  	_ =	shalt  }
0x58: {  	_ =	shalt  }
0x59: {  	_ =	shalt  }
0x5a: {  	_ =	shalt  }
0x5b: {  	_ =	shalt  }
0x5c: {  	_ =	shalt  }
0x5d: {  	_ =	shalt  }
0x5e: {  	_ =	shalt  }
0x5f: {  	_ =	shalt  }
0x60: {  	_ =	shalt  }
0x61: {  	_ =	shalt  }
0x62: {  	_ =	shalt  }
0x63: {  	_ =	shalt  }
0x64: {  	_ =	shalt  }
0x65: {  	_ =	shalt  }
0x66: {  	_ =	shalt  }
0x67: {  	_ =	shalt  }
0x68: {  	_ =	shalt  }
0x69: {  	_ =	shalt  }
0x6a: {  	_ =	shalt  }
0x6b: {  	_ =	shalt  }
0x6c: {  	_ =	shalt  }
0x6d: {  	_ =	shalt  }
0x6e: {  	_ =	shalt  }
0x6f: {  	_ =	shalt  }
0x70: {  	_ =	shalt  }
0x71: {  	_ =	shalt  }
0x72: {  	_ =	shalt  }
0x73: {  	_ =	shalt  }
0x74: {  	_ =	shalt  }
0x75: {  	_ =	shalt  }
0x76: {  	_ =	shalt  }
0x77: {  	_ =	shalt  }
0x78: {  	_ =	shalt  }
0x79: {  	_ =	shalt  }
0x7a: {  	_ =	shalt  }
0x7b: {  	_ =	shalt  }
0x7c: {  	_ =	shalt  }
0x7d: {  	_ =	shalt  }
0x7e: {  	_ =	shalt  }
0x7f: {  	_ =	shalt  }
0x80: {  	_ =	shalt  }
0x81: {  	_ =	shalt  }
0x82: {  	_ =	shalt  }
0x83: {  	_ =	shalt  }
0x84: {  	_ =	shalt  }
0x85: {  	_ =	shalt  }
0x86: {  	_ =	shalt  }
0x87: {  	_ =	shalt  }
.Lfunc_end0:
.L_simem_size_0:
called_computation.1_lowered:
.L_overlay_start_0:
0x88: {  	s2 =	sld [smem:$0x3FD9]  }
0x89: {  	s3 =	sld [smem:$0x3FFE];
	_ =	sdelay $0x1  }
0x8a: {  	s1 =	srdreg.scid  }
0x8b: {  	s0 =	sand.u32 $0x1, s1  }
0x8c: {  	s16 =	sshll.u32 s0, $0xA;
	s2 =	sadd.s32 s3, s2  }
0x8d: {  	s2 =	sadd.s32 s2, s16  }
0x8e: {  	[smem:$0x3FBF] =	sst s2  }
0x8f: {  	_ = 	snop  }
0x90: {  	(tm) =	ssettm $0x1  }
0x91: {  	s17 =	sld [smem:$0x3FFB];
	_ =	sdelay $0x3  }
0x92: {  	_ =	strace s17  }
0x93: {  	s2 =	sld [smem:$0x3FFC];
	_ =	sdelay $0x3  }
0x94: {  	_ =	strace s2  }
0x95: {  	s2 =	sld [smem:$0x3FFD];
	_ =	sdelay $0x3  }
0x96: {  	_ =	strace s2  }
0x97: {  	_ =	strace $0x8FFFFFFF  }
0x98: {  	s18 =	sld [smem:$0x3FDB];
	_ =	sdelay $0x1  }
0x99: {  	s19 =	simm.s32 $_scs_section_size  }
0x9a: {  	s4 =	simm.s32 $_size__tile_overlayer_lowered;
	s5 =	simm.s32 $_tile_overlayer_lowered  }
0x9b: {  	s22 =	simm.s32 $0x1BFF;
	s21 =	sshll.u32 s5, $0x1;
	s2 =	sadd.s32 s19, s18  }
0x9c: {  	s6 =	simm.s32 $0x0;
	s20 =	sshll.u32 s4, $0x1;
	s4 =	sadd.s32 s21, s2  }
0x9d: {  	[timem:s6], [sflag:s22] =	dma.local [hbm:s4], s20  }
0x9e: {  	_ =	swait.ge [sflag:s22], s20  }
0x9f: {  	s3 =	ssub.s32 $0x0, s20;
	[sflag:s22] =	ssyncset.done $0x0  }
0xa0: {  	[sflag:s22] =	ssyncadd.s32 s3;
	_ =	sdelay $0x1  }
0xa1: {  	s23 =	simm.s32 $0x1B8B  }
0xa2: {  	_ =	swait.ge [sflag:s23], $0x1  }
0xa3: {  	[sflag:s23] =	ssyncset.done $0x0  }
0xa4: {  	s25 =	simm.s32 $0x1B8E;
	s24 =	sld [smem:$0x3FFE];
	[sflag:s23] =	ssyncadd.s32 $0xFFFFFFFF  }
0xa5: {  	s26 =	simm.s32 $execute0_lowered;
	[smem:$0x3FD2] =	sst s25  }
0xa6: {  	s4 =	sshll.u32 s26, $0x1;
	_ =	strace $0x80000049;
	[dreg:$0x1] =	wrdreg $0xFFFFFFFF  }
0xa7: {  	s28 =	simm.s32 $_size_execute0_lowered;
	s2 =	sadd.s32 s2, s4;
	[dreg:$0x0] =	wrdreg $0x0  }
0xa8: {  	s4 =	sshll.u32 s28, $0x1;
	[dreg:$0x2] =	wrdreg s2  }
0xa9: {  	[dreg:$0x3] =	wrdreg s4  }
0xaa: {  	[dreg:$0x4] =	wrdreg $0xC0  }
0xab: {  	_ =	task [dreg:s6], $0x5FFFF  }
0xac: {  	[dreg:$0x1] =	wrdreg $0xFFFFFFFF  }
0xad: {  	[dreg:$0x0] =	wrdreg $0x60  }
0xae: {  	[dreg:$0x2] =	wrdreg s24  }
0xaf: {  	[dreg:$0x3] =	wrdreg $0x9E200  }
0xb0: {  	[dreg:$0x4] =	wrdreg $0x9  }
0xb1: {  	_ =	task.clear_ibuf [dreg:s6], $0x5FFFF;
	_ =	strace $0x90000049  }
0xb2: {  	s29 =	simm.s32 $0x9;
	_ =	strace $0x8000004B  }
0xb3: {  	_ =	swait.ge [sflag:s29], $0x1  }
0xb4: {  	[sflag:s29] =	ssyncadd.s32 $0xFFFFFFFF  }
0xb5: {  	_ =	strace $0x9000004B  }
0xb6: {  	_ =	sfence  }
0xb7: {  	s30 =	sld [smem:$0x0];
	_ =	sdelay $0x2  }
0xb8: {  	s31 =	sshll.u32 s1, $0xD;
	s1 =	sshrl.u32 s1, $0x2  }
0xb9: {  	s3 =	sand.u32 $0x4000, s31;
	s1 =	sadd.s32 s1, s30  }
0xba: {  	s0 =	sor.u32 s3, s0;
	s1 =	sshll.u32 s1, $0x11  }
0xbb: {  	s0 =	sor.u32 s1, s0  }
0xbc: {  	s0 =	sadd.s32 $0x8F2B, s0  }
0xbd: {  	[sflag:s0] =	ssyncadd.remote.s32 $0x1  }
0xbe: {  	_ =	sfence.sel $0xFFFF  }
0xbf: {  	[dreg:$0x0] =	wrdreg $0xFFFFFFFF;
	(pc) =	sbr.abs _section_cstart, $3  }
0xc0: {  	[dreg:$0x1] =	wrdreg $0xFFFFFFFF  }
0xc1: {  	_ =	task.clear_ibuf [dreg:s6], $0x2FFFF;
	_ =	strace $0x9FFFFFFF  }
0xc2: {  	(tm) =	ssettm $0x7FFFFFFF  }
0xc3: {  	_ =	shalt  }
tec
execute0_lowered:
.L_overlay_start_1:
0x0: {  	(tag) =	ssettag $0x1  }
0x1: {  	s0 =	srdreg.scid;
	s1 =	rddreg [dreg:$0x0]  }
0x2: {  	s2 =	rddreg [dreg:$0x1];
	s8 =	stileid.u32  }
0x3: {  	s3 =	simm.s32 $0x0;
	s28 =	simm.s32 $0x1;
	s29 =	simm.s32 $0x2  }
0x4: {  	s30 =	simm.s32 $0x50;
	s31 =	simm.s32 $0x7620;
	s0 =	sand.u32 $0x1, s0  }
0x5: {  	[smem:$0x7FF] =	sst s3;
	s14 =	smul.u32 $0x14000, s8;
	s4 =	sshll.u32 s0, $0x4  }
0x6: {  	_ =	strace $0x8000004A;
	s6 =	ssub.s32 $0x2, s0;
	s0 =	smul.u32 $0x140000, s0  }
0x7: {  	s4 =	sor.u32 s8, s4;
	s7 =	sshrl.u32 s6, $0x1;
	s16 =	sor.u32 $0x2800, s14  }
0x8: {  	s17 =	sadd.s32 $0x5000, s14;
	s18 =	sadd.s32 $0x7800, s14;
	s19 =	sadd.s32 $0xA000, s14  }
0x9: {  	s20 =	sadd.s32 $0xC800, s14;
	s21 =	sadd.s32 $0xF000, s14;
	s22 =	sadd.s32 $0x11800, s14  }
0xa: {  	s5 =	smul.u32 $0x4E2, s4;
	s4 =	sadd.s32 $0x16C00, s1;
	s6 =	ssub.s32 s6, s7  }
0xb: {  	s7 =	sadd.s32 s14, s2;
	s8 =	sadd.s32 s16, s2;
	s9 =	sadd.s32 s17, s2  }
0xc: {  	s10 =	sadd.s32 s18, s2;
	s11 =	sadd.s32 s19, s2;
	s12 =	sadd.s32 s20, s2  }
0xd: {  	s13 =	sadd.s32 s21, s2;
	s23 =	sadd.s32 s0, s17;
	s18 =	sadd.s32 s0, s18  }
0xe: {  	s19 =	sadd.s32 s0, s19;
	s25 =	sadd.s32 s0, s20;
	s21 =	sadd.s32 s0, s21  }
0xf: {  	s24 =	sshrl.u32 s18, $0x3;
	s19 =	sshrl.u32 s19, $0x3;
	s5 =	sadd.s32 s5, s1  }
0x10: {  	s26 =	sshrl.u32 s21, $0x3;
	s1 =	sadd.s32 $0x3EC00, s1;
	s15 =	sadd.s32 $0x3000, s5  }
0x11: {  	s5 =	sadd.s32 $0xCE00, s5;
	s18 =	sadd.s32 s1, s24;
	s19 =	sadd.s32 s1, s19  }
0x12: {  	s21 =	sadd.s32 s1, s26;
	s24 =	simm.s32 $0x2710;
	[dreg:$0x3] =	wrdreg s15  }
0x13: {  	s26 =	simm.s32 $0x3;
	[dreg:$0x4] =	wrdreg s5;
	s15 =	sadd.s32 s14, s0  }
0x14: {  	s5 =	sadd.s32 s0, s16;
	s14 =	sadd.s32 s22, s2;
	s0 =	sadd.s32 s0, s22  }
0x15: {  	s15 =	sshrl.u32 s15, $0x3;
	s5 =	sshrl.u32 s5, $0x3;
	s0 =	sshrl.u32 s0, $0x3  }
0x16: {  	s15 =	sadd.s32 s1, s15;
	s16 =	sadd.s32 s1, s5;
	s5 =	sshrl.u32 s23, $0x3  }
0x17: {  	s22 =	sadd.s32 s1, s0;
	s23 =	smax.u32 s6, $0x1;
	s0 =	simm.s32 $0x4  }
0x18: {  	[dreg:$0x5] =	wrdreg s15;
	s17 =	sadd.s32 s1, s5;
	s5 =	sshrl.u32 s25, $0x3  }
0x19: {  	v0 =	vimm.f32 $0.0e+00;
	s25 =	simm.s32 $0x4E20;
	s20 =	sadd.s32 s1, s5;
	s1 =	simm.s32 $0x0  }
.LBB2_1:
0x1a: {  	s5 =	rddreg [dreg:$0x3]  }
0x1b: {  	[tilespmem:s3], [sflag:$0x1] =	stream.linear.gather [hbm4b:s5+s3], $0x2710, $0x38;
	[tilespmem:$0x1DE20] =	vst v63  }
0x1c: {  	s15 =	rddreg [dreg:$0x4];
	s6 =	simm.s32 $0x200;
	s5 =	simm.s32 $0x0  }
0x1d: {  	[tilespmem:s24], [sflag:$0x2] =	stream.linear.gather [hbm4b:s15+s3], $0x2710, $0x38;
	[tilespmem:$0x1DE20] =	vst v63  }
.LBB2_2:
0x1e: {  	p0 =	sne.s32 s6, $0x9E00;
	[tilespmem:s5+$0x4E90] =	vst v0  }
0x1f: {  	[tilespmem:s5+$0x4E20] =	vst v0  }
0x20: {  	[tilespmem:s5+$0x4E30] =	vst v0  }
.Ltmp0:
0x21: {  	[tilespmem:s5+$0x4E40] =	vst v0;
	(pc) =	sbr.rel @p0 .LBB2_2-.Ltmp0, $4  }
0x22: {  	[tilespmem:s5+$0x4E50] =	vst v0  }
0x23: {  	[tilespmem:s5+$0x4E60] =	vst v0  }
0x24: {  	[tilespmem:s5+$0x4E70] =	vst v0  }
0x25: {  	[tilespmem:s5+$0x4E80] =	vst v0;
	s5 =	sshra.s32 s6, $0x2;
	s6 =	sadd.s32 $0x200, s6  }
0x26: {  	[tilespmem:s5+$0x4E90] =	vst v0  }
0x27: {  	[tilespmem:s5+$0x4E20] =	vst v0  }
0x28: {  	[tilespmem:s5+$0x4E30] =	vst v0  }
0x29: {  	[tilespmem:s5+$0x4E40] =	vst v0  }
0x2a: {  	[tilespmem:s5+$0x4E50] =	vst v0  }
0x2b: {  	[tilespmem:s5+$0x4E60] =	vst v0  }
0x2c: {  	[tilespmem:s5+$0x4E70] =	vst v0  }
0x2d: {  	[tilespmem:s5+$0x4E80] =	vst v0  }
0x2e: {  	[spmem:s7] =	stream.linear.scatter [tilespmem:s25], [sflag:$0x3], $0x2800, $0x38;
	[tilespmem:$0x1DE20] =	vst v63  }
0x2f: {  	_ = 	snop  }
0x30: {  	[spmem:s8] =	stream.linear.scatter [tilespmem:s25], [sflag:$0x3], $0x2800, $0x38;
	[tilespmem:$0x1DE20] =	vst v63  }
0x31: {  	_ = 	snop  }
0x32: {  	[spmem:s9] =	stream.linear.scatter [tilespmem:s25], [sflag:$0x3], $0x2800, $0x38;
	[tilespmem:$0x1DE20] =	vst v63  }
0x33: {  	_ = 	snop  }
0x34: {  	[spmem:s10] =	stream.linear.scatter [tilespmem:s25], [sflag:$0x3], $0x2800, $0x38;
	[tilespmem:$0x1DE20] =	vst v63  }
0x35: {  	_ = 	snop  }
0x36: {  	[spmem:s11] =	stream.linear.scatter [tilespmem:s25], [sflag:$0x3], $0x2800, $0x38;
	[tilespmem:$0x1DE20] =	vst v63  }
0x37: {  	_ = 	snop  }
0x38: {  	[spmem:s12] =	stream.linear.scatter [tilespmem:s25], [sflag:$0x3], $0x2800, $0x38;
	[tilespmem:$0x1DE20] =	vst v63  }
0x39: {  	_ = 	snop  }
0x3a: {  	[spmem:s13] =	stream.linear.scatter [tilespmem:s25], [sflag:$0x3], $0x2800, $0x38;
	[tilespmem:$0x1DE20] =	vst v63  }
0x3b: {  	_ = 	snop  }
0x3c: {  	[spmem:s14] =	stream.linear.scatter [tilespmem:s25], [sflag:$0x3], $0x2800, $0x38;
	[tilespmem:$0x1DE20] =	vst v63  }
0x3d: {  	_ =	swait.ge [sflag:s26], $0x2800  }
0x3e: {  	[sflag:s26] =	ssyncset.done $0x0  }
0x3f: {  	[sflag:s26] =	ssyncadd.s32 $0xFFFFD800  }
0x40: {  	_ =	swait.ge [sflag:s26], $0x2800  }
0x41: {  	[sflag:s26] =	ssyncset.done $0x0  }
0x42: {  	[sflag:s26] =	ssyncadd.s32 $0xFFFFD800  }
0x43: {  	_ =	swait.ge [sflag:s26], $0x2800  }
0x44: {  	[sflag:s26] =	ssyncset.done $0x0  }
0x45: {  	[sflag:s26] =	ssyncadd.s32 $0xFFFFD800  }
0x46: {  	_ =	swait.ge [sflag:s26], $0x2800  }
0x47: {  	[sflag:s26] =	ssyncset.done $0x0  }
0x48: {  	[sflag:s26] =	ssyncadd.s32 $0xFFFFD800  }
0x49: {  	_ =	swait.ge [sflag:s26], $0x2800  }
0x4a: {  	[sflag:s26] =	ssyncset.done $0x0  }
0x4b: {  	[sflag:s26] =	ssyncadd.s32 $0xFFFFD800  }
0x4c: {  	_ =	swait.ge [sflag:s26], $0x2800  }
0x4d: {  	[sflag:s26] =	ssyncset.done $0x0  }
0x4e: {  	[sflag:s26] =	ssyncadd.s32 $0xFFFFD800  }
0x4f: {  	_ =	swait.ge [sflag:s26], $0x2800  }
0x50: {  	[sflag:s26] =	ssyncset.done $0x0  }
0x51: {  	[sflag:s26] =	ssyncadd.s32 $0xFFFFD800  }
0x52: {  	_ =	swait.ge [sflag:s26], $0x2800  }
0x53: {  	[sflag:s26] =	ssyncset.done $0x0  }
0x54: {  	[sflag:s26] =	ssyncadd.s32 $0xFFFFD800  }
0x55: {  	_ =	swait.ge [sflag:s28], $0x2710  }
0x56: {  	[sflag:s28] =	ssyncset.done $0x0  }
0x57: {  	[sflag:s28] =	ssyncadd.s32 $0xFFFFD8F0  }
0x58: {  	_ =	swait.ge [sflag:s29], $0x2710  }
0x59: {  	[sflag:s29] =	ssyncset.done $0x0  }
0x5a: {  	[sflag:s29] =	ssyncadd.s32 $0xFFFFD8F0  }
0x5b: {  	[bflag:$0x0] =	sbarrier.arrive $0xFFFF  }
0x5c: {  	[tilespmem:s25], [sflag:$0x1] =	stream.indirect.gather [hbm4b:s4+s30], $0x80, s3, s30, $0xb8;
	[tilespmem:$0x1DE20] =	vst v63  }
0x5d: {  	_ = 	snop  }
0x5e: {  	[tilespmem:s31], [sflag:$0x2] =	stream.indirect.gather [hbm4b:s4+s30], $0x80, s30, s30, $0xb8;
	[tilespmem:$0x1DE20] =	vst v63  }
0x5f: {  	_ =	swait.ge [sflag:s28], $0x2800  }
0x60: {  	[sflag:s28] =	ssyncset.done $0x0  }
0x61: {  	[sflag:s28] =	ssyncadd.s32 $0xFFFFD800  }
0x62: {  	[spmem:s2] =	stream.indirect.scatter.add.f32 [tilespmem:s25], [sflag:$0x3], $0x80, s24, s30, $0xb8;
	[tilespmem:$0x1DE20] =	vst v63  }
0x63: {  	_ =	swait.ge [sflag:s26], $0x2800  }
0x64: {  	[sflag:s26] =	ssyncset.done $0x0  }
0x65: {  	s15 =	simm.s32 $0xA0;
	[sflag:s26] =	ssyncadd.s32 $0xFFFFD800  }
0x66: {  	[tilespmem:s25], [sflag:$0x1] =	stream.indirect.gather [hbm4b:s4+s30], $0x80, s15, s30, $0xb8;
	[tilespmem:$0x1DE20] =	vst v63  }
0x67: {  	_ =	swait.ge [sflag:s29], $0x2800  }
0x68: {  	[sflag:s29] =	ssyncset.done $0x0  }
0x69: {  	s6 =	simm.s32 $0x2760;
	[sflag:s29] =	ssyncadd.s32 $0xFFFFD800  }
0x6a: {  	[spmem:s2] =	stream.indirect.scatter.add.f32 [tilespmem:s31], [sflag:$0x4], $0x80, s6, s30, $0xb8;
	[tilespmem:$0x1DE20] =	vst v63  }
0x6b: {  	_ =	swait.ge [sflag:s0], $0x2800  }
0x6c: {  	[sflag:s0] =	ssyncset.done $0x0  }
0x6d: {  	s15 =	simm.s32 $0xF0;
	[sflag:s0] =	ssyncadd.s32 $0xFFFFD800  }
0x6e: {  	[tilespmem:s31], [sflag:$0x2] =	stream.indirect.gather [hbm4b:s4+s30], $0x80, s15, s30, $0xb8;
	[tilespmem:$0x1DE20] =	vst v63  }
0x6f: {  	_ =	swait.ge [sflag:s28], $0x2800  }
0x70: {  	[sflag:s28] =	ssyncset.done $0x0  }
0x71: {  	s6 =	simm.s32 $0x27B0;
	[sflag:s28] =	ssyncadd.s32 $0xFFFFD800  }
0x72: {  	[spmem:s2] =	stream.indirect.scatter.add.f32 [tilespmem:s25], [sflag:$0x3], $0x80, s6, s30, $0xb8;
	[tilespmem:$0x1DE20] =	vst v63  }
0x73: {  	_ =	swait.ge [sflag:s26], $0x2800  }
0x74: {  	[sflag:s26] =	ssyncset.done $0x0  }
0x75: {  	s15 =	simm.s32 $0x140;
	[sflag:s26] =	ssyncadd.s32 $0xFFFFD800  }
0x76: {  	[tilespmem:s25], [sflag:$0x1] =	stream.indirect.gather [hbm4b:s4+s30], $0x80, s15, s30, $0xb8;
	[tilespmem:$0x1DE20] =	vst v63  }
0x77: {  	_ =	swait.ge [sflag:s29], $0x2800  }
0x78: {  	[sflag:s29] =	ssyncset.done $0x0  }
0x79: {  	s5 =	simm.s32 $0xFFFF6A00;
	s6 =	simm.s32 $0x2800;
	[sflag:s29] =	ssyncadd.s32 $0xFFFFD800  }
.LBB2_4:
0x7a: {  	[spmem:s2] =	stream.indirect.scatter.add.f32 [tilespmem:s31], [sflag:$0x4], $0x80, s6, s30, $0xb8;
	[tilespmem:$0x1DE20] =	vst v63  }
0x7b: {  	s6 =	smov.u32 s5;
	s5 =	sadd.s32 $0x280, s5;
	_ =	swait.ge [sflag:s0], $0x2800  }
0x7c: {  	s6 =	sshra.s32 s6, $0x2;
	p0 =	sne.s32 s5, $0x0;
	[sflag:s0] =	ssyncset.done $0x0  }
0x7d: {  	s15 =	sadd.s32 $0x2710, s6;
	[sflag:s0] =	ssyncadd.s32 $0xFFFFD800  }
0x7e: {  	[tilespmem:s31], [sflag:$0x2] =	stream.indirect.gather [hbm4b:s4+s30], $0x80, s15, s30, $0xb8;
	[tilespmem:$0x1DE20] =	vst v63  }
0x7f: {  	_ =	swait.ge [sflag:s28], $0x2800  }
0x80: {  	[sflag:s28] =	ssyncset.done $0x0  }
0x81: {  	s15 =	sadd.s32 $0x4DD0, s6;
	[sflag:s28] =	ssyncadd.s32 $0xFFFFD800  }
0x82: {  	[spmem:s2] =	stream.indirect.scatter.add.f32 [tilespmem:s25], [sflag:$0x3], $0x80, s15, s30, $0xb8;
	[tilespmem:$0x1DE20] =	vst v63  }
0x83: {  	_ =	swait.ge [sflag:s26], $0x2800  }
0x84: {  	[sflag:s26] =	ssyncset.done $0x0  }
.Ltmp1:
0x85: {  	s15 =	sadd.s32 $0x2760, s6;
	[sflag:s26] =	ssyncadd.s32 $0xFFFFD800;
	(pc) =	sbr.rel @p0 .LBB2_4-.Ltmp1, $4  }
0x86: {  	[tilespmem:s25], [sflag:$0x1] =	stream.indirect.gather [hbm4b:s4+s30], $0x80, s15, s30, $0xb8;
	[tilespmem:$0x1DE20] =	vst v63  }
0x87: {  	_ =	swait.ge [sflag:s29], $0x2800  }
0x88: {  	[sflag:s29] =	ssyncset.done $0x0  }
0x89: {  	s6 =	sadd.s32 $0x4E20, s6;
	[sflag:s29] =	ssyncadd.s32 $0xFFFFD800  }
0x8a: {  	[spmem:s2] =	stream.indirect.scatter.add.f32 [tilespmem:s31], [sflag:$0x4], $0x80, s6, s30, $0xb8;
	[tilespmem:$0x1DE20] =	vst v63  }
0x8b: {  	_ =	swait.ge [sflag:s0], $0x2800  }
0x8c: {  	[sflag:s0] =	ssyncset.done $0x0  }
0x8d: {  	s15 =	simm.s32 $0x26C0;
	[sflag:s0] =	ssyncadd.s32 $0xFFFFD800  }
0x8e: {  	[tilespmem:s31], [sflag:$0x2] =	stream.indirect.gather [hbm4b:s4+s30], $0x80, s15, s30, $0xb8;
	[tilespmem:$0x1DE20] =	vst v63  }
0x8f: {  	_ =	swait.ge [sflag:s28], $0x2800  }
0x90: {  	s5 =	sshra.s32 s5, $0x2;
	[sflag:s28] =	ssyncset.done $0x0  }
0x91: {  	s5 =	sadd.s32 $0x4DD0, s5;
	[sflag:s28] =	ssyncadd.s32 $0xFFFFD800  }
0x92: {  	[spmem:s2] =	stream.indirect.scatter.add.f32 [tilespmem:s25], [sflag:$0x3], $0x80, s5, s30, $0xb8;
	[tilespmem:$0x1DE20] =	vst v63  }
0x93: {  	_ =	swait.ge [sflag:s26], $0x2800  }
0x94: {  	[sflag:s26] =	ssyncset.done $0x0  }
0x95: {  	[sflag:s26] =	ssyncadd.s32 $0xFFFFD800  }
0x96: {  	_ =	swait.ge [sflag:s29], $0x2800  }
0x97: {  	[sflag:s29] =	ssyncset.done $0x0  }
0x98: {  	[sflag:s29] =	ssyncadd.s32 $0xFFFFD800  }
0x99: {  	[bflag:$0x0] =	sbarrier.arrive $0xFFFF  }
0x9a: {  	[tilespmem:s25], [sflag:$0x1] =	stream.linear.gather [spmem:s7], $0x2800, $0x38;
	[tilespmem:$0x1DE20] =	vst v63  }
0x9b: {  	_ =	swait.ge [sflag:s28], $0x2800  }
0x9c: {  	[sflag:s28] =	ssyncset.done $0x0  }
0x9d: {  	s15 =	rddreg [dreg:$0x5];
	[sflag:s28] =	ssyncadd.s32 $0xFFFFD800  }
0x9e: {  	[hbm4b:s15+s3] =	stream.linear.scatter [tilespmem:s25], [sflag:$0x3], $0x2800, $0x38;
	[tilespmem:$0x1DE20] =	vst v63  }
0x9f: {  	_ = 	snop  }
0xa0: {  	[tilespmem:s31], [sflag:$0x2] =	stream.linear.gather [spmem:s8], $0x2800, $0x38;
	[tilespmem:$0x1DE20] =	vst v63  }
0xa1: {  	_ =	swait.ge [sflag:s29], $0x2800  }
0xa2: {  	[sflag:s29] =	ssyncset.done $0x0  }
0xa3: {  	[sflag:s29] =	ssyncadd.s32 $0xFFFFD800  }
0xa4: {  	[hbm4b:s16+s3] =	stream.linear.scatter [tilespmem:s31], [sflag:$0x4], $0x2800, $0x38;
	[tilespmem:$0x1DE20] =	vst v63  }
0xa5: {  	_ =	swait.ge [sflag:s26], $0x2800  }
0xa6: {  	[sflag:s26] =	ssyncset.done $0x0  }
0xa7: {  	[sflag:s26] =	ssyncadd.s32 $0xFFFFD800  }
0xa8: {  	[tilespmem:s25], [sflag:$0x1] =	stream.linear.gather [spmem:s9], $0x2800, $0x38;
	[tilespmem:$0x1DE20] =	vst v63  }
0xa9: {  	_ =	swait.ge [sflag:s28], $0x2800  }
0xaa: {  	[sflag:s28] =	ssyncset.done $0x0  }
0xab: {  	[sflag:s28] =	ssyncadd.s32 $0xFFFFD800  }
0xac: {  	[hbm4b:s17+s3] =	stream.linear.scatter [tilespmem:s25], [sflag:$0x3], $0x2800, $0x38;
	[tilespmem:$0x1DE20] =	vst v63  }
0xad: {  	_ =	swait.ge [sflag:s0], $0x2800  }
0xae: {  	[sflag:s0] =	ssyncset.done $0x0  }
0xaf: {  	[sflag:s0] =	ssyncadd.s32 $0xFFFFD800  }
0xb0: {  	[tilespmem:s31], [sflag:$0x2] =	stream.linear.gather [spmem:s10], $0x2800, $0x38;
	[tilespmem:$0x1DE20] =	vst v63  }
0xb1: {  	_ =	swait.ge [sflag:s29], $0x2800  }
0xb2: {  	[sflag:s29] =	ssyncset.done $0x0  }
0xb3: {  	[sflag:s29] =	ssyncadd.s32 $0xFFFFD800  }
0xb4: {  	[hbm4b:s18+s3] =	stream.linear.scatter [tilespmem:s31], [sflag:$0x4], $0x2800, $0x38;
	[tilespmem:$0x1DE20] =	vst v63  }
0xb5: {  	_ =	swait.ge [sflag:s26], $0x2800  }
0xb6: {  	[sflag:s26] =	ssyncset.done $0x0  }
0xb7: {  	[sflag:s26] =	ssyncadd.s32 $0xFFFFD800  }
0xb8: {  	[tilespmem:s25], [sflag:$0x1] =	stream.linear.gather [spmem:s11], $0x2800, $0x38;
	[tilespmem:$0x1DE20] =	vst v63  }
0xb9: {  	_ =	swait.ge [sflag:s28], $0x2800  }
0xba: {  	[sflag:s28] =	ssyncset.done $0x0  }
0xbb: {  	[sflag:s28] =	ssyncadd.s32 $0xFFFFD800  }
0xbc: {  	[hbm4b:s19+s3] =	stream.linear.scatter [tilespmem:s25], [sflag:$0x3], $0x2800, $0x38;
	[tilespmem:$0x1DE20] =	vst v63  }
0xbd: {  	_ =	swait.ge [sflag:s0], $0x2800  }
0xbe: {  	[sflag:s0] =	ssyncset.done $0x0  }
0xbf: {  	[sflag:s0] =	ssyncadd.s32 $0xFFFFD800  }
0xc0: {  	[tilespmem:s31], [sflag:$0x2] =	stream.linear.gather [spmem:s12], $0x2800, $0x38;
	[tilespmem:$0x1DE20] =	vst v63  }
0xc1: {  	_ =	swait.ge [sflag:s29], $0x2800  }
0xc2: {  	[sflag:s29] =	ssyncset.done $0x0  }
0xc3: {  	[sflag:s29] =	ssyncadd.s32 $0xFFFFD800  }
0xc4: {  	[hbm4b:s20+s3] =	stream.linear.scatter [tilespmem:s31], [sflag:$0x4], $0x2800, $0x38;
	[tilespmem:$0x1DE20] =	vst v63  }
0xc5: {  	_ =	swait.ge [sflag:s26], $0x2800  }
0xc6: {  	[sflag:s26] =	ssyncset.done $0x0  }
0xc7: {  	[sflag:s26] =	ssyncadd.s32 $0xFFFFD800  }
0xc8: {  	[tilespmem:s25], [sflag:$0x1] =	stream.linear.gather [spmem:s13], $0x2800, $0x38;
	[tilespmem:$0x1DE20] =	vst v63  }
0xc9: {  	_ =	swait.ge [sflag:s28], $0x2800  }
0xca: {  	[sflag:s28] =	ssyncset.done $0x0  }
0xcb: {  	[sflag:s28] =	ssyncadd.s32 $0xFFFFD800  }
0xcc: {  	[hbm4b:s21+s3] =	stream.linear.scatter [tilespmem:s25], [sflag:$0x3], $0x2800, $0x38;
	[tilespmem:$0x1DE20] =	vst v63  }
0xcd: {  	_ =	swait.ge [sflag:s0], $0x2800  }
0xce: {  	[sflag:s0] =	ssyncset.done $0x0  }
0xcf: {  	[sflag:s0] =	ssyncadd.s32 $0xFFFFD800  }
0xd0: {  	[tilespmem:s31], [sflag:$0x2] =	stream.linear.gather [spmem:s14], $0x2800, $0x38;
	[tilespmem:$0x1DE20] =	vst v63  }
0xd1: {  	_ =	swait.ge [sflag:s29], $0x2800  }
0xd2: {  	[sflag:s29] =	ssyncset.done $0x0  }
0xd3: {  	s1 =	sadd.s32 $0x1, s1;
	[sflag:s29] =	ssyncadd.s32 $0xFFFFD800  }
0xd4: {  	[hbm4b:s22+s3] =	stream.linear.scatter [tilespmem:s31], [sflag:$0x4], $0x2800, $0x38;
	[tilespmem:$0x1DE20] =	vst v63  }
0xd5: {  	p0 =	sne.s32 s1, s23;
	_ =	swait.ge [sflag:s26], $0x2800  }
.Ltmp2:
0xd6: {  	[sflag:s26] =	ssyncset.done $0x0;
	(pc) =	sbr.rel @p0 .LBB2_1-.Ltmp2, $4  }
0xd7: {  	[sflag:s26] =	ssyncadd.s32 $0xFFFFD800  }
0xd8: {  	_ =	swait.ge [sflag:s0], $0x2800  }
0xd9: {  	[sflag:s0] =	ssyncset.done $0x0  }
0xda: {  	[sflag:s0] =	ssyncadd.s32 $0xFFFFD800  }
0xdb: {  	_ =	sfence.sel $0x180000  }
0xdc: {  	[bflag:$0x0] =	sbarrier.arrive $0xFFFF  }
0xdd: {  	_ =	strace $0x9000004A  }
0xde: {  	s0 =	stileid.u32;
	[bflag:$0x2] =	sbarrier.arrive $0xFFFF  }
0xdf: {  	p0 =	sne.s32 s0, $0x0;
	s0 =	rddreg [dreg:$0x2]  }
0xe0: {  	s0 =	sadd.s32 @!p0 $0x100000, s0  }
0xe1: {  	[sflag:s0] =	ssyncadd.tile.s32 @!p0 $0x1;
	_ =	shalt  }
.Lfunc_end2:
_tile_overlayer_lowered:
.L_overlay_start_2:
0xe2: {  	(tag) =	ssettag $0x2  }
0xe3: {  	s0 =	rddreg [dreg:$0x0];
	s2 =	stileid.u32  }
0xe4: {  	s1 =	rddreg [dreg:$0x1];
	p0 =	sne.s32 s2, $0x0  }
0xe5: {  	s3 =	rddreg [dreg:$0x2];
	[bflag:$0x3] =	sbarrier.arrive $0xFFFF;
	s2 =	simm.s32 @!p0 $0x1C05  }
0xe6: {  	[timem:s3], [sflag:s2] =	dma.local @!p0 [hbm:s0], s1  }
0xe7: {  	s0 =	simm.s32 @!p0 $0x5  }
0xe8: {  	_ =	swait.ge @!p0 [sflag:s0], s1  }
0xe9: {  	s1 =	ssub.s32 @!p0 $0x0, s1;
	[sflag:s0] =	ssyncset.done @!p0 $0x0  }
0xea: {  	[sflag:s0] =	ssyncadd.s32 @!p0 s1  }
0xeb: {  	[bflag:$0x3] =	sbarrier.arrive $0xFFFF  }
0xec: {  	_ =	shalt  }

// kernel: kernel.14.cloned.1.call-start
scs
__scs_entry_jumppad:
0x0: {  	(pc) =	sbr.rel $0x88, $3  }
0x1: {  	(tag) =	ssettag $0x0;
	lr =	simm.s32 $0x1  }
0x2: {  	[smem:$0x3F98] =	sst lr;
	_ =	strace $0xD0000000  }
0x3: {  	_ = 	snop  }
0x4: {  	_ = 	snop  }
0x5: {  	_ = 	snop  }
0x6: {  	_ = 	snop  }
0x7: {  	_ = 	snop  }
__scs_overlays_trampoline_lowered:
0x8: {  	[smem:$0x3FA7] =	sst s0  }
0x9: {  	[smem:$0x3FA8] =	sst s1  }
0xa: {  	[smem:$0x3FA9] =	sst s2  }
0xb: {  	[smem:$0x3FAA] =	sst s3  }
0xc: {  	[smem:$0x3FAB] =	sst s4  }
0xd: {  	[smem:$0x3FAC] =	sst s5  }
0xe: {  	[smem:$0x3FAD] =	sst s6  }
0xf: {  	[smem:$0x3FAE] =	sst s7  }
0x10: {  	[smem:$0x3FAF] =	sst s8  }
0x11: {  	[smem:$0x3FB0] =	sst s9;
	s0 =	simm.s32 @!p0 $0x0  }
0x12: {  	s1 =	sld [smem:$0x3F96];
	s0 =	simm.s32 @p0 $0x1  }
0x13: {  	[smem:$0x3FB1] =	sst s0;
	s0 =	simm.s32 @!p1 $0x0  }
0x14: {  	s2 =	sld [smem:$0x3F95];
	s0 =	simm.s32 @p1 $0x1  }
0x15: {  	[smem:$0x3FB2] =	sst s0;
	s0 =	simm.s32 @!p2 $0x0  }
0x16: {  	s3 =	sld [smem:$0x3FDB];
	s0 =	simm.s32 @p2 $0x1  }
0x17: {  	s4 =	simm.s32 $0x1BF5;
	[smem:$0x3FB4] =	sst s0  }
0x18: {  	s0 =	sld [smem:$0x3F97];
	_ =	swait.ge [sflag:s4], $0x0  }
0x19: {  	s7 =	sld [smem:$0x3F98]  }
0x1a: {  	s8 =	sadd.s32 $0xFFFFE003, lr  }
0x1b: {  	s9 =	sadd.s32 $0xFFFFFEF7, lr;
	s5 =	simm.s32 $0xFFFFFFFF;
	p2 =	slt.u32 s8, $0xFFFFF086  }
0x1c: {  	p1 =	slt.u32 s9, $0xF7A;
	s5 =	simm.s32 @!p2 $0x0  }
0x1d: {  	s5 =	simm.s32 @p1 $0x1;
	p0 =	seq.s32 s7, s2  }
0x1e: {  	s7 =	smul.u32 @!p0 $0xF7A, s2;
	p2 =	seq.s32 @!p0 s5, $0x0  }
0x1f: {  	s9 =	smul.u32 $0xF7A, s1;
	s8 =	simm.s32 @!p0 $0x1BF5;
	p2 =	por !p2, p0  }
0x20: {  	[sflag:s8] =	ssyncset.s32 @!p0 $0xFFFFF086;
	s6 =	sadd.s32 @!p0 s3, s7;
	s7 =	simm.s32 @!p0 $0x108  }
0x21: {  	s3 =	sadd.s32 s3, s9;
	s6 =	sadd.s32 @!p0 $0x88, s6;
	s7 =	simm.s32 @p2 $0x1082  }
0x22: {  	[simem:s7], [sflag:s8] =	dma.local @!p0 [hbm:s6], $0xF7A  }
0x23: {  	s9 =	sor.u32 $0xD0000000, s2;
	s6 =	simm.s32 $0x108;
	_ =	swait.ge @!p0 [sflag:s8], $0x0  }
0x24: {  	s3 =	sadd.s32 $0x88, s3;
	s6 =	simm.s32 @!p1 $0x1082;
	[sflag:s4] =	ssyncset.s32 $0xFFFFF086  }
0x25: {  	[simem:s6], [sflag:s4] =	dma.local [hbm:s3], $0xF7A  }
0x26: {  	[smem:$0x3F98] =	sst s1;
	(tag) =	ssettag s2;
	_ =	strace s9  }
0x27: {  	s1 =	sld [smem:$0x3FA8]  }
0x28: {  	s2 =	sld [smem:$0x3FA9]  }
0x29: {  	s4 =	sld [smem:$0x3FAB]  }
0x2a: {  	p0 =	seq.s32 s5, $0x0;
	s5 =	sld [smem:$0x3FAC]  }
0x2b: {  	s6 =	sld [smem:$0x3FAD]  }
0x2c: {  	s7 =	sld [smem:$0x3FAE]  }
0x2d: {  	s3 =	simm.s32 $0x108;
	s8 =	sld [smem:$0x3FAF]  }
0x2e: {  	s3 =	simm.s32 @!p0 $0x1082;
	s9 =	sld [smem:$0x3FB0]  }
0x2f: {  	lr =	sadd.s32 s0, s3;
	s0 =	sld [smem:$0x3FA7]  }
0x30: {  	s3 =	sld [smem:$0x3FAA]  }
0x31: {  	[smem:$0x3FB3] =	sst s10  }
0x32: {  	s10 =	sld [smem:$0x3FB1];
	_ =	sdelay $0x3  }
0x33: {  	p0 =	seq.s32 s10, $0x1;
	s10 =	sld [smem:$0x3FB3];
	_ =	sdelay $0x3  }
0x34: {  	[smem:$0x3FB3] =	sst s10  }
0x35: {  	s10 =	sld [smem:$0x3FB2];
	_ =	sdelay $0x3  }
0x36: {  	p1 =	seq.s32 s10, $0x1;
	s10 =	sld [smem:$0x3FB3];
	_ =	sdelay $0x3  }
0x37: {  	[smem:$0x3FB3] =	sst s10  }
0x38: {  	s10 =	sld [smem:$0x3FB4]  }
0x39: {  	_ = 	snop;
	(pc) =	sbr.ind lr, $3  }
0x3a: {  	_ = 	snop  }
0x3b: {  	_ = 	snop  }
0x3c: {  	p2 =	seq.s32 s10, $0x1;
	s10 =	sld [smem:$0x3FB3]  }
0x3d: {  	_ =	shalt  }
0x3e: {  	_ =	shalt  }
0x3f: {  	_ =	shalt  }
0x40: {  	_ =	shalt  }
0x41: {  	_ =	shalt  }
0x42: {  	_ =	shalt  }
0x43: {  	_ =	shalt  }
0x44: {  	_ =	shalt  }
0x45: {  	_ =	shalt  }
0x46: {  	_ =	shalt  }
0x47: {  	_ =	shalt  }
0x48: {  	_ =	shalt  }
0x49: {  	_ =	shalt  }
0x4a: {  	_ =	shalt  }
0x4b: {  	_ =	shalt  }
0x4c: {  	_ =	shalt  }
0x4d: {  	_ =	shalt  }
0x4e: {  	_ =	shalt  }
0x4f: {  	_ =	shalt  }
0x50: {  	_ =	shalt  }
0x51: {  	_ =	shalt  }
0x52: {  	_ =	shalt  }
0x53: {  	_ =	shalt  }
0x54: {  	_ =	shalt  }
0x55: {  	_ =	shalt  }
0x56: {  	_ =	shalt  }
0x57: {  	_ =	shalt  }
0x58: {  	_ =	shalt  }
0x59: {  	_ =	shalt  }
0x5a: {  	_ =	shalt  }
0x5b: {  	_ =	shalt  }
0x5c: {  	_ =	shalt  }
0x5d: {  	_ =	shalt  }
0x5e: {  	_ =	shalt  }
0x5f: {  	_ =	shalt  }
0x60: {  	_ =	shalt  }
0x61: {  	_ =	shalt  }
0x62: {  	_ =	shalt  }
0x63: {  	_ =	shalt  }
0x64: {  	_ =	shalt  }
0x65: {  	_ =	shalt  }
0x66: {  	_ =	shalt  }
0x67: {  	_ =	shalt  }
0x68: {  	_ =	shalt  }
0x69: {  	_ =	shalt  }
0x6a: {  	_ =	shalt  }
0x6b: {  	_ =	shalt  }
0x6c: {  	_ =	shalt  }
0x6d: {  	_ =	shalt  }
0x6e: {  	_ =	shalt  }
0x6f: {  	_ =	shalt  }
0x70: {  	_ =	shalt  }
0x71: {  	_ =	shalt  }
0x72: {  	_ =	shalt  }
0x73: {  	_ =	shalt  }
0x74: {  	_ =	shalt  }
0x75: {  	_ =	shalt  }
0x76: {  	_ =	shalt  }
0x77: {  	_ =	shalt  }
0x78: {  	_ =	shalt  }
0x79: {  	_ =	shalt  }
0x7a: {  	_ =	shalt  }
0x7b: {  	_ =	shalt  }
0x7c: {  	_ =	shalt  }
0x7d: {  	_ =	shalt  }
0x7e: {  	_ =	shalt  }
0x7f: {  	_ =	shalt  }
0x80: {  	_ =	shalt  }
0x81: {  	_ =	shalt  }
0x82: {  	_ =	shalt  }
0x83: {  	_ =	shalt  }
0x84: {  	_ =	shalt  }
0x85: {  	_ =	shalt  }
0x86: {  	_ =	shalt  }
0x87: {  	_ =	shalt  }
.Lfunc_end0:
.L_simem_size_0:
called_computation.2_lowered:
.L_overlay_start_0:
0x88: {  	s2 =	sld [smem:$0x3FD9]  }
0x89: {  	s3 =	sld [smem:$0x3FFE];
	_ =	sdelay $0x1  }
0x8a: {  	s1 =	srdreg.scid  }
0x8b: {  	s0 =	sand.u32 $0x1, s1  }
0x8c: {  	s16 =	sshll.u32 s0, $0xA;
	s2 =	sadd.s32 s3, s2  }
0x8d: {  	s2 =	sadd.s32 s2, s16  }
0x8e: {  	[smem:$0x3FBF] =	sst s2  }
0x8f: {  	_ = 	snop  }
0x90: {  	(tm) =	ssettm $0x1  }
0x91: {  	s17 =	sld [smem:$0x3FFB];
	_ =	sdelay $0x3  }
0x92: {  	_ =	strace s17  }
0x93: {  	s2 =	sld [smem:$0x3FFC];
	_ =	sdelay $0x3  }
0x94: {  	_ =	strace s2  }
0x95: {  	s2 =	sld [smem:$0x3FFD];
	_ =	sdelay $0x3  }
0x96: {  	_ =	strace s2  }
0x97: {  	_ =	strace $0x8FFFFFFF  }
0x98: {  	s18 =	sld [smem:$0x3FDB];
	_ =	sdelay $0x1  }
0x99: {  	s19 =	simm.s32 $_scs_section_size  }
0x9a: {  	s4 =	simm.s32 $_size__tile_overlayer_lowered;
	s5 =	simm.s32 $_tile_overlayer_lowered  }
0x9b: {  	s22 =	simm.s32 $0x1BFF;
	s21 =	sshll.u32 s5, $0x1;
	s2 =	sadd.s32 s19, s18  }
0x9c: {  	s6 =	simm.s32 $0x0;
	s20 =	sshll.u32 s4, $0x1;
	s4 =	sadd.s32 s21, s2  }
0x9d: {  	[timem:s6], [sflag:s22] =	dma.local [hbm:s4], s20  }
0x9e: {  	_ =	swait.ge [sflag:s22], s20  }
0x9f: {  	s3 =	ssub.s32 $0x0, s20;
	[sflag:s22] =	ssyncset.done $0x0  }
0xa0: {  	[sflag:s22] =	ssyncadd.s32 s3;
	_ =	sdelay $0x1  }
0xa1: {  	s23 =	simm.s32 $0x1B8B  }
0xa2: {  	_ =	swait.ge [sflag:s23], $0x1  }
0xa3: {  	[sflag:s23] =	ssyncset.done $0x0  }
0xa4: {  	s25 =	simm.s32 $0x1B8E;
	s24 =	sld [smem:$0x3FFE];
	[sflag:s23] =	ssyncadd.s32 $0xFFFFFFFF  }
0xa5: {  	s26 =	simm.s32 $execute0_lowered;
	[smem:$0x3FD2] =	sst s25  }
0xa6: {  	s4 =	sshll.u32 s26, $0x1;
	_ =	strace $0x8000004C;
	[dreg:$0x1] =	wrdreg $0xFFFFFFFF  }
0xa7: {  	s28 =	simm.s32 $_size_execute0_lowered;
	s2 =	sadd.s32 s2, s4;
	[dreg:$0x0] =	wrdreg $0x0  }
0xa8: {  	s4 =	sshll.u32 s28, $0x1;
	[dreg:$0x2] =	wrdreg s2  }
0xa9: {  	[dreg:$0x3] =	wrdreg s4  }
0xaa: {  	[dreg:$0x4] =	wrdreg $0xC0  }
0xab: {  	_ =	task [dreg:s6], $0x5FFFF  }
0xac: {  	[dreg:$0x1] =	wrdreg $0xFFFFFFFF  }
0xad: {  	[dreg:$0x0] =	wrdreg $0x60  }
0xae: {  	[dreg:$0x2] =	wrdreg s24  }
0xaf: {  	[dreg:$0x3] =	wrdreg $0x9E200  }
0xb0: {  	[dreg:$0x4] =	wrdreg $0x9  }
0xb1: {  	_ =	task.clear_ibuf [dreg:s6], $0x5FFFF;
	_ =	strace $0x9000004C  }
0xb2: {  	s29 =	simm.s32 $0x9;
	_ =	strace $0x8000004E  }
0xb3: {  	_ =	swait.ge [sflag:s29], $0x1  }
0xb4: {  	[sflag:s29] =	ssyncadd.s32 $0xFFFFFFFF  }
0xb5: {  	_ =	strace $0x9000004E  }
0xb6: {  	_ =	sfence  }
0xb7: {  	s30 =	sld [smem:$0x0];
	_ =	sdelay $0x2  }
0xb8: {  	s31 =	sshll.u32 s1, $0xD;
	s1 =	sshrl.u32 s1, $0x2  }
0xb9: {  	s3 =	sand.u32 $0x4000, s31;
	s1 =	sadd.s32 s1, s30  }
0xba: {  	s0 =	sor.u32 s3, s0;
	s1 =	sshll.u32 s1, $0x11  }
0xbb: {  	s0 =	sor.u32 s1, s0  }
0xbc: {  	s0 =	sadd.s32 $0x8F2B, s0  }
0xbd: {  	[sflag:s0] =	ssyncadd.remote.s32 $0x1  }
0xbe: {  	_ =	sfence.sel $0xFFFF  }
0xbf: {  	[dreg:$0x0] =	wrdreg $0xFFFFFFFF;
	(pc) =	sbr.abs _section_cstart, $3  }
0xc0: {  	[dreg:$0x1] =	wrdreg $0xFFFFFFFF  }
0xc1: {  	_ =	task.clear_ibuf [dreg:s6], $0x2FFFF;
	_ =	strace $0x9FFFFFFF  }
0xc2: {  	(tm) =	ssettm $0x7FFFFFFF  }
0xc3: {  	_ =	shalt  }
tec
execute0_lowered:
.L_overlay_start_1:
0x0: {  	(tag) =	ssettag $0x1  }
0x1: {  	s0 =	srdreg.scid;
	s1 =	rddreg [dreg:$0x0]  }
0x2: {  	s2 =	rddreg [dreg:$0x1];
	s8 =	stileid.u32  }
0x3: {  	s3 =	simm.s32 $0x0;
	s28 =	simm.s32 $0x1;
	s29 =	simm.s32 $0x2  }
0x4: {  	s30 =	simm.s32 $0x50;
	s31 =	simm.s32 $0x7620;
	s0 =	sand.u32 $0x1, s0  }
0x5: {  	[smem:$0x7FF] =	sst s3;
	s14 =	smul.u32 $0x14000, s8;
	s4 =	sshll.u32 s0, $0x4  }
0x6: {  	_ =	strace $0x8000004D;
	s6 =	ssub.s32 $0x2, s0;
	s0 =	smul.u32 $0x140000, s0  }
0x7: {  	s4 =	sor.u32 s8, s4;
	s7 =	sshrl.u32 s6, $0x1;
	s16 =	sor.u32 $0x2800, s14  }
0x8: {  	s17 =	sadd.s32 $0x5000, s14;
	s18 =	sadd.s32 $0x7800, s14;
	s19 =	sadd.s32 $0xA000, s14  }
0x9: {  	s20 =	sadd.s32 $0xC800, s14;
	s21 =	sadd.s32 $0xF000, s14;
	s22 =	sadd.s32 $0x11800, s14  }
0xa: {  	s5 =	smul.u32 $0x4E2, s4;
	s4 =	sadd.s32 $0x16C00, s1;
	s6 =	ssub.s32 s6, s7  }
0xb: {  	s7 =	sadd.s32 s14, s2;
	s8 =	sadd.s32 s16, s2;
	s9 =	sadd.s32 s17, s2  }
0xc: {  	s10 =	sadd.s32 s18, s2;
	s11 =	sadd.s32 s19, s2;
	s12 =	sadd.s32 s20, s2  }
0xd: {  	s13 =	sadd.s32 s21, s2;
	s23 =	sadd.s32 s0, s17;
	s18 =	sadd.s32 s0, s18  }
0xe: {  	s19 =	sadd.s32 s0, s19;
	s25 =	sadd.s32 s0, s20;
	s21 =	sadd.s32 s0, s21  }
0xf: {  	s24 =	sshrl.u32 s18, $0x3;
	s19 =	sshrl.u32 s19, $0x3;
	s5 =	sadd.s32 s5, s1  }
0x10: {  	s26 =	sshrl.u32 s21, $0x3;
	s1 =	sadd.s32 $0x3EC00, s1;
	s15 =	sadd.s32 $0x3000, s5  }
0x11: {  	s5 =	sadd.s32 $0xCE00, s5;
	s18 =	sadd.s32 s1, s24;
	s19 =	sadd.s32 s1, s19  }
0x12: {  	s21 =	sadd.s32 s1, s26;
	s24 =	simm.s32 $0x2710;
	[dreg:$0x3] =	wrdreg s15  }
0x13: {  	s26 =	simm.s32 $0x3;
	[dreg:$0x4] =	wrdreg s5;
	s15 =	sadd.s32 s14, s0  }
0x14: {  	s5 =	sadd.s32 s0, s16;
	s14 =	sadd.s32 s22, s2;
	s0 =	sadd.s32 s0, s22  }
0x15: {  	s15 =	sshrl.u32 s15, $0x3;
	s5 =	sshrl.u32 s5, $0x3;
	s0 =	sshrl.u32 s0, $0x3  }
0x16: {  	s15 =	sadd.s32 s1, s15;
	s16 =	sadd.s32 s1, s5;
	s5 =	sshrl.u32 s23, $0x3  }
0x17: {  	s22 =	sadd.s32 s1, s0;
	s23 =	smax.u32 s6, $0x1;
	s0 =	simm.s32 $0x4  }
0x18: {  	[dreg:$0x5] =	wrdreg s15;
	s17 =	sadd.s32 s1, s5;
	s5 =	sshrl.u32 s25, $0x3  }
0x19: {  	v0 =	vimm.f32 $0.0e+00;
	s25 =	simm.s32 $0x4E20;
	s20 =	sadd.s32 s1, s5;
	s1 =	simm.s32 $0x0  }
.LBB2_1:
0x1a: {  	s5 =	rddreg [dreg:$0x3]  }
0x1b: {  	[tilespmem:s3], [sflag:$0x1] =	stream.linear.gather [hbm4b:s5+s3], $0x2710, $0x38;
	[tilespmem:$0x1DE20] =	vst v63  }
0x1c: {  	s15 =	rddreg [dreg:$0x4];
	s6 =	simm.s32 $0x200;
	s5 =	simm.s32 $0x0  }
0x1d: {  	[tilespmem:s24], [sflag:$0x2] =	stream.linear.gather [hbm4b:s15+s3], $0x2710, $0x38;
	[tilespmem:$0x1DE20] =	vst v63  }
.LBB2_2:
0x1e: {  	p0 =	sne.s32 s6, $0x9E00;
	[tilespmem:s5+$0x4E90] =	vst v0  }
0x1f: {  	[tilespmem:s5+$0x4E20] =	vst v0  }
0x20: {  	[tilespmem:s5+$0x4E30] =	vst v0  }
.Ltmp0:
0x21: {  	[tilespmem:s5+$0x4E40] =	vst v0;
	(pc) =	sbr.rel @p0 .LBB2_2-.Ltmp0, $4  }
0x22: {  	[tilespmem:s5+$0x4E50] =	vst v0  }
0x23: {  	[tilespmem:s5+$0x4E60] =	vst v0  }
0x24: {  	[tilespmem:s5+$0x4E70] =	vst v0  }
0x25: {  	[tilespmem:s5+$0x4E80] =	vst v0;
	s5 =	sshra.s32 s6, $0x2;
	s6 =	sadd.s32 $0x200, s6  }
0x26: {  	[tilespmem:s5+$0x4E90] =	vst v0  }
0x27: {  	[tilespmem:s5+$0x4E20] =	vst v0  }
0x28: {  	[tilespmem:s5+$0x4E30] =	vst v0  }
0x29: {  	[tilespmem:s5+$0x4E40] =	vst v0  }
0x2a: {  	[tilespmem:s5+$0x4E50] =	vst v0  }
0x2b: {  	[tilespmem:s5+$0x4E60] =	vst v0  }
0x2c: {  	[tilespmem:s5+$0x4E70] =	vst v0  }
0x2d: {  	[tilespmem:s5+$0x4E80] =	vst v0  }
0x2e: {  	[spmem:s7] =	stream.linear.scatter [tilespmem:s25], [sflag:$0x3], $0x2800, $0x38;
	[tilespmem:$0x1DE20] =	vst v63  }
0x2f: {  	_ = 	snop  }
0x30: {  	[spmem:s8] =	stream.linear.scatter [tilespmem:s25], [sflag:$0x3], $0x2800, $0x38;
	[tilespmem:$0x1DE20] =	vst v63  }
0x31: {  	_ = 	snop  }
0x32: {  	[spmem:s9] =	stream.linear.scatter [tilespmem:s25], [sflag:$0x3], $0x2800, $0x38;
	[tilespmem:$0x1DE20] =	vst v63  }
0x33: {  	_ = 	snop  }
0x34: {  	[spmem:s10] =	stream.linear.scatter [tilespmem:s25], [sflag:$0x3], $0x2800, $0x38;
	[tilespmem:$0x1DE20] =	vst v63  }
0x35: {  	_ = 	snop  }
0x36: {  	[spmem:s11] =	stream.linear.scatter [tilespmem:s25], [sflag:$0x3], $0x2800, $0x38;
	[tilespmem:$0x1DE20] =	vst v63  }
0x37: {  	_ = 	snop  }
0x38: {  	[spmem:s12] =	stream.linear.scatter [tilespmem:s25], [sflag:$0x3], $0x2800, $0x38;
	[tilespmem:$0x1DE20] =	vst v63  }
0x39: {  	_ = 	snop  }
0x3a: {  	[spmem:s13] =	stream.linear.scatter [tilespmem:s25], [sflag:$0x3], $0x2800, $0x38;
	[tilespmem:$0x1DE20] =	vst v63  }
0x3b: {  	_ = 	snop  }
0x3c: {  	[spmem:s14] =	stream.linear.scatter [tilespmem:s25], [sflag:$0x3], $0x2800, $0x38;
	[tilespmem:$0x1DE20] =	vst v63  }
0x3d: {  	_ =	swait.ge [sflag:s26], $0x2800  }
0x3e: {  	[sflag:s26] =	ssyncset.done $0x0  }
0x3f: {  	[sflag:s26] =	ssyncadd.s32 $0xFFFFD800  }
0x40: {  	_ =	swait.ge [sflag:s26], $0x2800  }
0x41: {  	[sflag:s26] =	ssyncset.done $0x0  }
0x42: {  	[sflag:s26] =	ssyncadd.s32 $0xFFFFD800  }
0x43: {  	_ =	swait.ge [sflag:s26], $0x2800  }
0x44: {  	[sflag:s26] =	ssyncset.done $0x0  }
0x45: {  	[sflag:s26] =	ssyncadd.s32 $0xFFFFD800  }
0x46: {  	_ =	swait.ge [sflag:s26], $0x2800  }
0x47: {  	[sflag:s26] =	ssyncset.done $0x0  }
0x48: {  	[sflag:s26] =	ssyncadd.s32 $0xFFFFD800  }
0x49: {  	_ =	swait.ge [sflag:s26], $0x2800  }
0x4a: {  	[sflag:s26] =	ssyncset.done $0x0  }
0x4b: {  	[sflag:s26] =	ssyncadd.s32 $0xFFFFD800  }
0x4c: {  	_ =	swait.ge [sflag:s26], $0x2800  }
0x4d: {  	[sflag:s26] =	ssyncset.done $0x0  }
0x4e: {  	[sflag:s26] =	ssyncadd.s32 $0xFFFFD800  }
0x4f: {  	_ =	swait.ge [sflag:s26], $0x2800  }
0x50: {  	[sflag:s26] =	ssyncset.done $0x0  }
0x51: {  	[sflag:s26] =	ssyncadd.s32 $0xFFFFD800  }
0x52: {  	_ =	swait.ge [sflag:s26], $0x2800  }
0x53: {  	[sflag:s26] =	ssyncset.done $0x0  }
0x54: {  	[sflag:s26] =	ssyncadd.s32 $0xFFFFD800  }
0x55: {  	_ =	swait.ge [sflag:s28], $0x2710  }
0x56: {  	[sflag:s28] =	ssyncset.done $0x0  }
0x57: {  	[sflag:s28] =	ssyncadd.s32 $0xFFFFD8F0  }
0x58: {  	_ =	swait.ge [sflag:s29], $0x2710  }
0x59: {  	[sflag:s29] =	ssyncset.done $0x0  }
0x5a: {  	[sflag:s29] =	ssyncadd.s32 $0xFFFFD8F0  }
0x5b: {  	[bflag:$0x0] =	sbarrier.arrive $0xFFFF  }
0x5c: {  	[tilespmem:s25], [sflag:$0x1] =	stream.indirect.gather [hbm4b:s4+s30], $0x80, s3, s30, $0xb8;
	[tilespmem:$0x1DE20] =	vst v63  }
0x5d: {  	_ = 	snop  }
0x5e: {  	[tilespmem:s31], [sflag:$0x2] =	stream.indirect.gather [hbm4b:s4+s30], $0x80, s30, s30, $0xb8;
	[tilespmem:$0x1DE20] =	vst v63  }
0x5f: {  	_ =	swait.ge [sflag:s28], $0x2800  }
0x60: {  	[sflag:s28] =	ssyncset.done $0x0  }
0x61: {  	[sflag:s28] =	ssyncadd.s32 $0xFFFFD800  }
0x62: {  	[spmem:s2] =	stream.indirect.scatter.add.f32 [tilespmem:s25], [sflag:$0x3], $0x80, s24, s30, $0xb8;
	[tilespmem:$0x1DE20] =	vst v63  }
0x63: {  	_ =	swait.ge [sflag:s26], $0x2800  }
0x64: {  	[sflag:s26] =	ssyncset.done $0x0  }
0x65: {  	s15 =	simm.s32 $0xA0;
	[sflag:s26] =	ssyncadd.s32 $0xFFFFD800  }
0x66: {  	[tilespmem:s25], [sflag:$0x1] =	stream.indirect.gather [hbm4b:s4+s30], $0x80, s15, s30, $0xb8;
	[tilespmem:$0x1DE20] =	vst v63  }
0x67: {  	_ =	swait.ge [sflag:s29], $0x2800  }
0x68: {  	[sflag:s29] =	ssyncset.done $0x0  }
0x69: {  	s6 =	simm.s32 $0x2760;
	[sflag:s29] =	ssyncadd.s32 $0xFFFFD800  }
0x6a: {  	[spmem:s2] =	stream.indirect.scatter.add.f32 [tilespmem:s31], [sflag:$0x4], $0x80, s6, s30, $0xb8;
	[tilespmem:$0x1DE20] =	vst v63  }
0x6b: {  	_ =	swait.ge [sflag:s0], $0x2800  }
0x6c: {  	[sflag:s0] =	ssyncset.done $0x0  }
0x6d: {  	s15 =	simm.s32 $0xF0;
	[sflag:s0] =	ssyncadd.s32 $0xFFFFD800  }
0x6e: {  	[tilespmem:s31], [sflag:$0x2] =	stream.indirect.gather [hbm4b:s4+s30], $0x80, s15, s30, $0xb8;
	[tilespmem:$0x1DE20] =	vst v63  }
0x6f: {  	_ =	swait.ge [sflag:s28], $0x2800  }
0x70: {  	[sflag:s28] =	ssyncset.done $0x0  }
0x71: {  	s6 =	simm.s32 $0x27B0;
	[sflag:s28] =	ssyncadd.s32 $0xFFFFD800  }
0x72: {  	[spmem:s2] =	stream.indirect.scatter.add.f32 [tilespmem:s25], [sflag:$0x3], $0x80, s6, s30, $0xb8;
	[tilespmem:$0x1DE20] =	vst v63  }
0x73: {  	_ =	swait.ge [sflag:s26], $0x2800  }
0x74: {  	[sflag:s26] =	ssyncset.done $0x0  }
0x75: {  	s15 =	simm.s32 $0x140;
	[sflag:s26] =	ssyncadd.s32 $0xFFFFD800  }
0x76: {  	[tilespmem:s25], [sflag:$0x1] =	stream.indirect.gather [hbm4b:s4+s30], $0x80, s15, s30, $0xb8;
	[tilespmem:$0x1DE20] =	vst v63  }
0x77: {  	_ =	swait.ge [sflag:s29], $0x2800  }
0x78: {  	[sflag:s29] =	ssyncset.done $0x0  }
0x79: {  	s5 =	simm.s32 $0xFFFF6A00;
	s6 =	simm.s32 $0x2800;
	[sflag:s29] =	ssyncadd.s32 $0xFFFFD800  }
.LBB2_4:
0x7a: {  	[spmem:s2] =	stream.indirect.scatter.add.f32 [tilespmem:s31], [sflag:$0x4], $0x80, s6, s30, $0xb8;
	[tilespmem:$0x1DE20] =	vst v63  }
0x7b: {  	s6 =	smov.u32 s5;
	s5 =	sadd.s32 $0x280, s5;
	_ =	swait.ge [sflag:s0], $0x2800  }
0x7c: {  	s6 =	sshra.s32 s6, $0x2;
	p0 =	sne.s32 s5, $0x0;
	[sflag:s0] =	ssyncset.done $0x0  }
0x7d: {  	s15 =	sadd.s32 $0x2710, s6;
	[sflag:s0] =	ssyncadd.s32 $0xFFFFD800  }
0x7e: {  	[tilespmem:s31], [sflag:$0x2] =	stream.indirect.gather [hbm4b:s4+s30], $0x80, s15, s30, $0xb8;
	[tilespmem:$0x1DE20] =	vst v63  }
0x7f: {  	_ =	swait.ge [sflag:s28], $0x2800  }
0x80: {  	[sflag:s28] =	ssyncset.done $0x0  }
0x81: {  	s15 =	sadd.s32 $0x4DD0, s6;
	[sflag:s28] =	ssyncadd.s32 $0xFFFFD800  }
0x82: {  	[spmem:s2] =	stream.indirect.scatter.add.f32 [tilespmem:s25], [sflag:$0x3], $0x80, s15, s30, $0xb8;
	[tilespmem:$0x1DE20] =	vst v63  }
0x83: {  	_ =	swait.ge [sflag:s26], $0x2800  }
0x84: {  	[sflag:s26] =	ssyncset.done $0x0  }
.Ltmp1:
0x85: {  	s15 =	sadd.s32 $0x2760, s6;
	[sflag:s26] =	ssyncadd.s32 $0xFFFFD800;
	(pc) =	sbr.rel @p0 .LBB2_4-.Ltmp1, $4  }
0x86: {  	[tilespmem:s25], [sflag:$0x1] =	stream.indirect.gather [hbm4b:s4+s30], $0x80, s15, s30, $0xb8;
	[tilespmem:$0x1DE20] =	vst v63  }
0x87: {  	_ =	swait.ge [sflag:s29], $0x2800  }
0x88: {  	[sflag:s29] =	ssyncset.done $0x0  }
0x89: {  	s6 =	sadd.s32 $0x4E20, s6;
	[sflag:s29] =	ssyncadd.s32 $0xFFFFD800  }
0x8a: {  	[spmem:s2] =	stream.indirect.scatter.add.f32 [tilespmem:s31], [sflag:$0x4], $0x80, s6, s30, $0xb8;
	[tilespmem:$0x1DE20] =	vst v63  }
0x8b: {  	_ =	swait.ge [sflag:s0], $0x2800  }
0x8c: {  	[sflag:s0] =	ssyncset.done $0x0  }
0x8d: {  	s15 =	simm.s32 $0x26C0;
	[sflag:s0] =	ssyncadd.s32 $0xFFFFD800  }
0x8e: {  	[tilespmem:s31], [sflag:$0x2] =	stream.indirect.gather [hbm4b:s4+s30], $0x80, s15, s30, $0xb8;
	[tilespmem:$0x1DE20] =	vst v63  }
0x8f: {  	_ =	swait.ge [sflag:s28], $0x2800  }
0x90: {  	s5 =	sshra.s32 s5, $0x2;
	[sflag:s28] =	ssyncset.done $0x0  }
0x91: {  	s5 =	sadd.s32 $0x4DD0, s5;
	[sflag:s28] =	ssyncadd.s32 $0xFFFFD800  }
0x92: {  	[spmem:s2] =	stream.indirect.scatter.add.f32 [tilespmem:s25], [sflag:$0x3], $0x80, s5, s30, $0xb8;
	[tilespmem:$0x1DE20] =	vst v63  }
0x93: {  	_ =	swait.ge [sflag:s26], $0x2800  }
0x94: {  	[sflag:s26] =	ssyncset.done $0x0  }
0x95: {  	[sflag:s26] =	ssyncadd.s32 $0xFFFFD800  }
0x96: {  	_ =	swait.ge [sflag:s29], $0x2800  }
0x97: {  	[sflag:s29] =	ssyncset.done $0x0  }
0x98: {  	[sflag:s29] =	ssyncadd.s32 $0xFFFFD800  }
0x99: {  	[bflag:$0x0] =	sbarrier.arrive $0xFFFF  }
0x9a: {  	[tilespmem:s25], [sflag:$0x1] =	stream.linear.gather [spmem:s7], $0x2800, $0x38;
	[tilespmem:$0x1DE20] =	vst v63  }
0x9b: {  	_ =	swait.ge [sflag:s28], $0x2800  }
0x9c: {  	[sflag:s28] =	ssyncset.done $0x0  }
0x9d: {  	s15 =	rddreg [dreg:$0x5];
	[sflag:s28] =	ssyncadd.s32 $0xFFFFD800  }
0x9e: {  	[hbm4b:s15+s3] =	stream.linear.scatter [tilespmem:s25], [sflag:$0x3], $0x2800, $0x38;
	[tilespmem:$0x1DE20] =	vst v63  }
0x9f: {  	_ = 	snop  }
0xa0: {  	[tilespmem:s31], [sflag:$0x2] =	stream.linear.gather [spmem:s8], $0x2800, $0x38;
	[tilespmem:$0x1DE20] =	vst v63  }
0xa1: {  	_ =	swait.ge [sflag:s29], $0x2800  }
0xa2: {  	[sflag:s29] =	ssyncset.done $0x0  }
0xa3: {  	[sflag:s29] =	ssyncadd.s32 $0xFFFFD800  }
0xa4: {  	[hbm4b:s16+s3] =	stream.linear.scatter [tilespmem:s31], [sflag:$0x4], $0x2800, $0x38;
	[tilespmem:$0x1DE20] =	vst v63  }
0xa5: {  	_ =	swait.ge [sflag:s26], $0x2800  }
0xa6: {  	[sflag:s26] =	ssyncset.done $0x0  }
0xa7: {  	[sflag:s26] =	ssyncadd.s32 $0xFFFFD800  }
0xa8: {  	[tilespmem:s25], [sflag:$0x1] =	stream.linear.gather [spmem:s9], $0x2800, $0x38;
	[tilespmem:$0x1DE20] =	vst v63  }
0xa9: {  	_ =	swait.ge [sflag:s28], $0x2800  }
0xaa: {  	[sflag:s28] =	ssyncset.done $0x0  }
0xab: {  	[sflag:s28] =	ssyncadd.s32 $0xFFFFD800  }
0xac: {  	[hbm4b:s17+s3] =	stream.linear.scatter [tilespmem:s25], [sflag:$0x3], $0x2800, $0x38;
	[tilespmem:$0x1DE20] =	vst v63  }
0xad: {  	_ =	swait.ge [sflag:s0], $0x2800  }
0xae: {  	[sflag:s0] =	ssyncset.done $0x0  }
0xaf: {  	[sflag:s0] =	ssyncadd.s32 $0xFFFFD800  }
0xb0: {  	[tilespmem:s31], [sflag:$0x2] =	stream.linear.gather [spmem:s10], $0x2800, $0x38;
	[tilespmem:$0x1DE20] =	vst v63  }
0xb1: {  	_ =	swait.ge [sflag:s29], $0x2800  }
0xb2: {  	[sflag:s29] =	ssyncset.done $0x0  }
0xb3: {  	[sflag:s29] =	ssyncadd.s32 $0xFFFFD800  }
0xb4: {  	[hbm4b:s18+s3] =	stream.linear.scatter [tilespmem:s31], [sflag:$0x4], $0x2800, $0x38;
	[tilespmem:$0x1DE20] =	vst v63  }
0xb5: {  	_ =	swait.ge [sflag:s26], $0x2800  }
0xb6: {  	[sflag:s26] =	ssyncset.done $0x0  }
0xb7: {  	[sflag:s26] =	ssyncadd.s32 $0xFFFFD800  }
0xb8: {  	[tilespmem:s25], [sflag:$0x1] =	stream.linear.gather [spmem:s11], $0x2800, $0x38;
	[tilespmem:$0x1DE20] =	vst v63  }
0xb9: {  	_ =	swait.ge [sflag:s28], $0x2800  }
0xba: {  	[sflag:s28] =	ssyncset.done $0x0  }
0xbb: {  	[sflag:s28] =	ssyncadd.s32 $0xFFFFD800  }
0xbc: {  	[hbm4b:s19+s3] =	stream.linear.scatter [tilespmem:s25], [sflag:$0x3], $0x2800, $0x38;
	[tilespmem:$0x1DE20] =	vst v63  }
0xbd: {  	_ =	swait.ge [sflag:s0], $0x2800  }
0xbe: {  	[sflag:s0] =	ssyncset.done $0x0  }
0xbf: {  	[sflag:s0] =	ssyncadd.s32 $0xFFFFD800  }
0xc0: {  	[tilespmem:s31], [sflag:$0x2] =	stream.linear.gather [spmem:s12], $0x2800, $0x38;
	[tilespmem:$0x1DE20] =	vst v63  }
0xc1: {  	_ =	swait.ge [sflag:s29], $0x2800  }
0xc2: {  	[sflag:s29] =	ssyncset.done $0x0  }
0xc3: {  	[sflag:s29] =	ssyncadd.s32 $0xFFFFD800  }
0xc4: {  	[hbm4b:s20+s3] =	stream.linear.scatter [tilespmem:s31], [sflag:$0x4], $0x2800, $0x38;
	[tilespmem:$0x1DE20] =	vst v63  }
0xc5: {  	_ =	swait.ge [sflag:s26], $0x2800  }
0xc6: {  	[sflag:s26] =	ssyncset.done $0x0  }
0xc7: {  	[sflag:s26] =	ssyncadd.s32 $0xFFFFD800  }
0xc8: {  	[tilespmem:s25], [sflag:$0x1] =	stream.linear.gather [spmem:s13], $0x2800, $0x38;
	[tilespmem:$0x1DE20] =	vst v63  }
0xc9: {  	_ =	swait.ge [sflag:s28], $0x2800  }
0xca: {  	[sflag:s28] =	ssyncset.done $0x0  }
0xcb: {  	[sflag:s28] =	ssyncadd.s32 $0xFFFFD800  }
0xcc: {  	[hbm4b:s21+s3] =	stream.linear.scatter [tilespmem:s25], [sflag:$0x3], $0x2800, $0x38;
	[tilespmem:$0x1DE20] =	vst v63  }
0xcd: {  	_ =	swait.ge [sflag:s0], $0x2800  }
0xce: {  	[sflag:s0] =	ssyncset.done $0x0  }
0xcf: {  	[sflag:s0] =	ssyncadd.s32 $0xFFFFD800  }
0xd0: {  	[tilespmem:s31], [sflag:$0x2] =	stream.linear.gather [spmem:s14], $0x2800, $0x38;
	[tilespmem:$0x1DE20] =	vst v63  }
0xd1: {  	_ =	swait.ge [sflag:s29], $0x2800  }
0xd2: {  	[sflag:s29] =	ssyncset.done $0x0  }
0xd3: {  	s1 =	sadd.s32 $0x1, s1;
	[sflag:s29] =	ssyncadd.s32 $0xFFFFD800  }
0xd4: {  	[hbm4b:s22+s3] =	stream.linear.scatter [tilespmem:s31], [sflag:$0x4], $0x2800, $0x38;
	[tilespmem:$0x1DE20] =	vst v63  }
0xd5: {  	p0 =	sne.s32 s1, s23;
	_ =	swait.ge [sflag:s26], $0x2800  }
.Ltmp2:
0xd6: {  	[sflag:s26] =	ssyncset.done $0x0;
	(pc) =	sbr.rel @p0 .LBB2_1-.Ltmp2, $4  }
0xd7: {  	[sflag:s26] =	ssyncadd.s32 $0xFFFFD800  }
0xd8: {  	_ =	swait.ge [sflag:s0], $0x2800  }
0xd9: {  	[sflag:s0] =	ssyncset.done $0x0  }
0xda: {  	[sflag:s0] =	ssyncadd.s32 $0xFFFFD800  }
0xdb: {  	_ =	sfence.sel $0x180000  }
0xdc: {  	[bflag:$0x0] =	sbarrier.arrive $0xFFFF  }
0xdd: {  	_ =	strace $0x9000004D  }
0xde: {  	s0 =	stileid.u32;
	[bflag:$0x2] =	sbarrier.arrive $0xFFFF  }
0xdf: {  	p0 =	sne.s32 s0, $0x0;
	s0 =	rddreg [dreg:$0x2]  }
0xe0: {  	s0 =	sadd.s32 @!p0 $0x100000, s0  }
0xe1: {  	[sflag:s0] =	ssyncadd.tile.s32 @!p0 $0x1;
	_ =	shalt  }
.Lfunc_end2:
_tile_overlayer_lowered:
.L_overlay_start_2:
0xe2: {  	(tag) =	ssettag $0x2  }
0xe3: {  	s0 =	rddreg [dreg:$0x0];
	s2 =	stileid.u32  }
0xe4: {  	s1 =	rddreg [dreg:$0x1];
	p0 =	sne.s32 s2, $0x0  }
0xe5: {  	s3 =	rddreg [dreg:$0x2];
	[bflag:$0x3] =	sbarrier.arrive $0xFFFF;
	s2 =	simm.s32 @!p0 $0x1C05  }
0xe6: {  	[timem:s3], [sflag:s2] =	dma.local @!p0 [hbm:s0], s1  }
0xe7: {  	s0 =	simm.s32 @!p0 $0x5  }
0xe8: {  	_ =	swait.ge @!p0 [sflag:s0], s1  }
0xe9: {  	s1 =	ssub.s32 @!p0 $0x0, s1;
	[sflag:s0] =	ssyncset.done @!p0 $0x0  }
0xea: {  	[sflag:s0] =	ssyncadd.s32 @!p0 s1  }
0xeb: {  	[bflag:$0x3] =	sbarrier.arrive $0xFFFF  }
0xec: {  	_ =	shalt  }

// kernel: kernel.8.cloned.1.call-start
scs
__scs_entry_jumppad:
0x0: {  	(pc) =	sbr.rel $0x88, $3  }
0x1: {  	(tag) =	ssettag $0x0;
	lr =	simm.s32 $0x1  }
0x2: {  	[smem:$0x3F98] =	sst lr;
	_ =	strace $0xD0000000  }
0x3: {  	_ = 	snop  }
0x4: {  	_ = 	snop  }
0x5: {  	_ = 	snop  }
0x6: {  	_ = 	snop  }
0x7: {  	_ = 	snop  }
__scs_overlays_trampoline_lowered:
0x8: {  	[smem:$0x3FA7] =	sst s0  }
0x9: {  	[smem:$0x3FA8] =	sst s1  }
0xa: {  	[smem:$0x3FA9] =	sst s2  }
0xb: {  	[smem:$0x3FAA] =	sst s3  }
0xc: {  	[smem:$0x3FAB] =	sst s4  }
0xd: {  	[smem:$0x3FAC] =	sst s5  }
0xe: {  	[smem:$0x3FAD] =	sst s6  }
0xf: {  	[smem:$0x3FAE] =	sst s7  }
0x10: {  	[smem:$0x3FAF] =	sst s8  }
0x11: {  	[smem:$0x3FB0] =	sst s9;
	s0 =	simm.s32 @!p0 $0x0  }
0x12: {  	s1 =	sld [smem:$0x3F96];
	s0 =	simm.s32 @p0 $0x1  }
0x13: {  	[smem:$0x3FB1] =	sst s0;
	s0 =	simm.s32 @!p1 $0x0  }
0x14: {  	s2 =	sld [smem:$0x3F95];
	s0 =	simm.s32 @p1 $0x1  }
0x15: {  	[smem:$0x3FB2] =	sst s0;
	s0 =	simm.s32 @!p2 $0x0  }
0x16: {  	s3 =	sld [smem:$0x3FDB];
	s0 =	simm.s32 @p2 $0x1  }
0x17: {  	s4 =	simm.s32 $0x1BF5;
	[smem:$0x3FB4] =	sst s0  }
0x18: {  	s0 =	sld [smem:$0x3F97];
	_ =	swait.ge [sflag:s4], $0x0  }
0x19: {  	s7 =	sld [smem:$0x3F98]  }
0x1a: {  	s8 =	sadd.s32 $0xFFFFE003, lr  }
0x1b: {  	s9 =	sadd.s32 $0xFFFFFEF7, lr;
	s5 =	simm.s32 $0xFFFFFFFF;
	p2 =	slt.u32 s8, $0xFFFFF086  }
0x1c: {  	p1 =	slt.u32 s9, $0xF7A;
	s5 =	simm.s32 @!p2 $0x0  }
0x1d: {  	s5 =	simm.s32 @p1 $0x1;
	p0 =	seq.s32 s7, s2  }
0x1e: {  	s7 =	smul.u32 @!p0 $0xF7A, s2;
	p2 =	seq.s32 @!p0 s5, $0x0  }
0x1f: {  	s9 =	smul.u32 $0xF7A, s1;
	s8 =	simm.s32 @!p0 $0x1BF5;
	p2 =	por !p2, p0  }
0x20: {  	[sflag:s8] =	ssyncset.s32 @!p0 $0xFFFFF086;
	s6 =	sadd.s32 @!p0 s3, s7;
	s7 =	simm.s32 @!p0 $0x108  }
0x21: {  	s3 =	sadd.s32 s3, s9;
	s6 =	sadd.s32 @!p0 $0x88, s6;
	s7 =	simm.s32 @p2 $0x1082  }
0x22: {  	[simem:s7], [sflag:s8] =	dma.local @!p0 [hbm:s6], $0xF7A  }
0x23: {  	s9 =	sor.u32 $0xD0000000, s2;
	s6 =	simm.s32 $0x108;
	_ =	swait.ge @!p0 [sflag:s8], $0x0  }
0x24: {  	s3 =	sadd.s32 $0x88, s3;
	s6 =	simm.s32 @!p1 $0x1082;
	[sflag:s4] =	ssyncset.s32 $0xFFFFF086  }
0x25: {  	[simem:s6], [sflag:s4] =	dma.local [hbm:s3], $0xF7A  }
0x26: {  	[smem:$0x3F98] =	sst s1;
	(tag) =	ssettag s2;
	_ =	strace s9  }
0x27: {  	s1 =	sld [smem:$0x3FA8]  }
0x28: {  	s2 =	sld [smem:$0x3FA9]  }
0x29: {  	s4 =	sld [smem:$0x3FAB]  }
0x2a: {  	p0 =	seq.s32 s5, $0x0;
	s5 =	sld [smem:$0x3FAC]  }
0x2b: {  	s6 =	sld [smem:$0x3FAD]  }
0x2c: {  	s7 =	sld [smem:$0x3FAE]  }
0x2d: {  	s3 =	simm.s32 $0x108;
	s8 =	sld [smem:$0x3FAF]  }
0x2e: {  	s3 =	simm.s32 @!p0 $0x1082;
	s9 =	sld [smem:$0x3FB0]  }
0x2f: {  	lr =	sadd.s32 s0, s3;
	s0 =	sld [smem:$0x3FA7]  }
0x30: {  	s3 =	sld [smem:$0x3FAA]  }
0x31: {  	[smem:$0x3FB3] =	sst s10  }
0x32: {  	s10 =	sld [smem:$0x3FB1];
	_ =	sdelay $0x3  }
0x33: {  	p0 =	seq.s32 s10, $0x1;
	s10 =	sld [smem:$0x3FB3];
	_ =	sdelay $0x3  }
0x34: {  	[smem:$0x3FB3] =	sst s10  }
0x35: {  	s10 =	sld [smem:$0x3FB2];
	_ =	sdelay $0x3  }
0x36: {  	p1 =	seq.s32 s10, $0x1;
	s10 =	sld [smem:$0x3FB3];
	_ =	sdelay $0x3  }
0x37: {  	[smem:$0x3FB3] =	sst s10  }
0x38: {  	s10 =	sld [smem:$0x3FB4]  }
0x39: {  	_ = 	snop;
	(pc) =	sbr.ind lr, $3  }
0x3a: {  	_ = 	snop  }
0x3b: {  	_ = 	snop  }
0x3c: {  	p2 =	seq.s32 s10, $0x1;
	s10 =	sld [smem:$0x3FB3]  }
0x3d: {  	_ =	shalt  }
0x3e: {  	_ =	shalt  }
0x3f: {  	_ =	shalt  }
0x40: {  	_ =	shalt  }
0x41: {  	_ =	shalt  }
0x42: {  	_ =	shalt  }
0x43: {  	_ =	shalt  }
0x44: {  	_ =	shalt  }
0x45: {  	_ =	shalt  }
0x46: {  	_ =	shalt  }
0x47: {  	_ =	shalt  }
0x48: {  	_ =	shalt  }
0x49: {  	_ =	shalt  }
0x4a: {  	_ =	shalt  }
0x4b: {  	_ =	shalt  }
0x4c: {  	_ =	shalt  }
0x4d: {  	_ =	shalt  }
0x4e: {  	_ =	shalt  }
0x4f: {  	_ =	shalt  }
0x50: {  	_ =	shalt  }
0x51: {  	_ =	shalt  }
0x52: {  	_ =	shalt  }
0x53: {  	_ =	shalt  }
0x54: {  	_ =	shalt  }
0x55: {  	_ =	shalt  }
0x56: {  	_ =	shalt  }
0x57: {  	_ =	shalt  }
0x58: {  	_ =	shalt  }
0x59: {  	_ =	shalt  }
0x5a: {  	_ =	shalt  }
0x5b: {  	_ =	shalt  }
0x5c: {  	_ =	shalt  }
0x5d: {  	_ =	shalt  }
0x5e: {  	_ =	shalt  }
0x5f: {  	_ =	shalt  }
0x60: {  	_ =	shalt  }
0x61: {  	_ =	shalt  }
0x62: {  	_ =	shalt  }
0x63: {  	_ =	shalt  }
0x64: {  	_ =	shalt  }
0x65: {  	_ =	shalt  }
0x66: {  	_ =	shalt  }
0x67: {  	_ =	shalt  }
0x68: {  	_ =	shalt  }
0x69: {  	_ =	shalt  }
0x6a: {  	_ =	shalt  }
0x6b: {  	_ =	shalt  }
0x6c: {  	_ =	shalt  }
0x6d: {  	_ =	shalt  }
0x6e: {  	_ =	shalt  }
0x6f: {  	_ =	shalt  }
0x70: {  	_ =	shalt  }
0x71: {  	_ =	shalt  }
0x72: {  	_ =	shalt  }
0x73: {  	_ =	shalt  }
0x74: {  	_ =	shalt  }
0x75: {  	_ =	shalt  }
0x76: {  	_ =	shalt  }
0x77: {  	_ =	shalt  }
0x78: {  	_ =	shalt  }
0x79: {  	_ =	shalt  }
0x7a: {  	_ =	shalt  }
0x7b: {  	_ =	shalt  }
0x7c: {  	_ =	shalt  }
0x7d: {  	_ =	shalt  }
0x7e: {  	_ =	shalt  }
0x7f: {  	_ =	shalt  }
0x80: {  	_ =	shalt  }
0x81: {  	_ =	shalt  }
0x82: {  	_ =	shalt  }
0x83: {  	_ =	shalt  }
0x84: {  	_ =	shalt  }
0x85: {  	_ =	shalt  }
0x86: {  	_ =	shalt  }
0x87: {  	_ =	shalt  }
.Lfunc_end0:
.L_simem_size_0:
called_computation_lowered:
.L_overlay_start_0:
0x88: {  	s2 =	sld [smem:$0x3FD9]  }
0x89: {  	s3 =	sld [smem:$0x3FFE];
	_ =	sdelay $0x1  }
0x8a: {  	s1 =	srdreg.scid  }
0x8b: {  	s0 =	sand.u32 $0x1, s1  }
0x8c: {  	s16 =	sshll.u32 s0, $0xA;
	s2 =	sadd.s32 s3, s2  }
0x8d: {  	s2 =	sadd.s32 s2, s16  }
0x8e: {  	[smem:$0x3FBF] =	sst s2  }
0x8f: {  	_ = 	snop  }
0x90: {  	(tm) =	ssettm $0x1  }
0x91: {  	s17 =	sld [smem:$0x3FFB];
	_ =	sdelay $0x3  }
0x92: {  	_ =	strace s17  }
0x93: {  	s2 =	sld [smem:$0x3FFC];
	_ =	sdelay $0x3  }
0x94: {  	_ =	strace s2  }
0x95: {  	s2 =	sld [smem:$0x3FFD];
	_ =	sdelay $0x3  }
0x96: {  	_ =	strace s2  }
0x97: {  	_ =	strace $0x8FFFFFFF  }
0x98: {  	s18 =	sld [smem:$0x3FDB];
	_ =	sdelay $0x1  }
0x99: {  	s19 =	simm.s32 $_scs_section_size  }
0x9a: {  	s4 =	simm.s32 $_size__tile_overlayer_lowered;
	s5 =	simm.s32 $_tile_overlayer_lowered  }
0x9b: {  	s22 =	simm.s32 $0x1BFF;
	s21 =	sshll.u32 s5, $0x1;
	s2 =	sadd.s32 s19, s18  }
0x9c: {  	s6 =	simm.s32 $0x0;
	s20 =	sshll.u32 s4, $0x1;
	s4 =	sadd.s32 s21, s2  }
0x9d: {  	[timem:s6], [sflag:s22] =	dma.local [hbm:s4], s20  }
0x9e: {  	_ =	swait.ge [sflag:s22], s20  }
0x9f: {  	s3 =	ssub.s32 $0x0, s20;
	[sflag:s22] =	ssyncset.done $0x0  }
0xa0: {  	[sflag:s22] =	ssyncadd.s32 s3;
	_ =	sdelay $0x1  }
0xa1: {  	s23 =	simm.s32 $0x1B8B  }
0xa2: {  	_ =	swait.ge [sflag:s23], $0x1  }
0xa3: {  	[sflag:s23] =	ssyncset.done $0x0  }
0xa4: {  	s25 =	simm.s32 $0x1B8E;
	s24 =	sld [smem:$0x3FFE];
	[sflag:s23] =	ssyncadd.s32 $0xFFFFFFFF  }
0xa5: {  	s26 =	simm.s32 $execute0_lowered;
	[smem:$0x3FD2] =	sst s25  }
0xa6: {  	s4 =	sshll.u32 s26, $0x1;
	_ =	strace $0x80000046;
	[dreg:$0x1] =	wrdreg $0xFFFFFFFF  }
0xa7: {  	s28 =	simm.s32 $_size_execute0_lowered;
	s2 =	sadd.s32 s2, s4;
	[dreg:$0x0] =	wrdreg $0x0  }
0xa8: {  	s4 =	sshll.u32 s28, $0x1;
	[dreg:$0x2] =	wrdreg s2  }
0xa9: {  	[dreg:$0x3] =	wrdreg s4  }
0xaa: {  	[dreg:$0x4] =	wrdreg $0xC0  }
0xab: {  	_ =	task [dreg:s6], $0x5FFFF  }
0xac: {  	[dreg:$0x1] =	wrdreg $0xFFFFFFFF  }
0xad: {  	[dreg:$0x0] =	wrdreg $0x60  }
0xae: {  	[dreg:$0x2] =	wrdreg s24  }
0xaf: {  	[dreg:$0x3] =	wrdreg $0x9  }
0xb0: {  	_ =	task.clear_ibuf [dreg:s6], $0x4FFFF;
	_ =	strace $0x90000046  }
0xb1: {  	s29 =	simm.s32 $0x9;
	_ =	strace $0x80000048  }
0xb2: {  	_ =	swait.ge [sflag:s29], $0x1  }
0xb3: {  	[sflag:s29] =	ssyncadd.s32 $0xFFFFFFFF  }
0xb4: {  	_ =	strace $0x90000048  }
0xb5: {  	_ =	sfence  }
0xb6: {  	s30 =	sld [smem:$0x0];
	_ =	sdelay $0x2  }
0xb7: {  	s31 =	sshll.u32 s1, $0xD;
	s1 =	sshrl.u32 s1, $0x2  }
0xb8: {  	s3 =	sand.u32 $0x4000, s31;
	s1 =	sadd.s32 s1, s30  }
0xb9: {  	s0 =	sor.u32 s3, s0;
	s1 =	sshll.u32 s1, $0x11  }
0xba: {  	s0 =	sor.u32 s1, s0  }
0xbb: {  	s0 =	sadd.s32 $0x8F2B, s0  }
0xbc: {  	[sflag:s0] =	ssyncadd.remote.s32 $0x1  }
0xbd: {  	_ =	sfence.sel $0xFFFF  }
0xbe: {  	[dreg:$0x0] =	wrdreg $0xFFFFFFFF;
	(pc) =	sbr.abs _section_cstart, $3  }
0xbf: {  	[dreg:$0x1] =	wrdreg $0xFFFFFFFF  }
0xc0: {  	_ =	task.clear_ibuf [dreg:s6], $0x2FFFF;
	_ =	strace $0x9FFFFFFF  }
0xc1: {  	(tm) =	ssettm $0x7FFFFFFF  }
tec
execute0_lowered:
.L_overlay_start_1:
0x0: {  	(tag) =	ssettag $0x1  }
0x1: {  	s0 =	srdreg.scid  }
0x2: {  	s4 =	rddreg [dreg:$0x0];
	s3 =	sand.u32 $0x1, s0  }
0x3: {  	s2 =	simm.s32 $0x0;
	s0 =	stileid.u32;
	s1 =	sshll.u32 s3, $0x4  }
0x4: {  	s8 =	simm.s32 $0x2;
	s9 =	simm.s32 $0x0;
	s5 =	sor.u32 s0, s1  }
0x5: {  	[smem:$0x7FF] =	sst s2;
	s3 =	ssub.s32 $0x2, s3;
	s6 =	smul.u32 $0x4E2, s5  }
0x6: {  	s1 =	rddreg [dreg:$0x1];
	s7 =	sshrl.u32 s3, $0x1;
	s5 =	smul.u32 $0x500, s5  }
0x7: {  	_ =	strace $0x80000047;
	s31 =	ssub.s32 s3, s7;
	s7 =	simm.s32 $0x2710  }
0x8: {  	s6 =	sadd.s32 s6, s4;
	s4 =	sadd.s32 s5, s4;
	s5 =	smax.u32 s31, $0x1  }
0x9: {  	v0 =	vimm.f32 $0.0e+00;
	v1 =	vimm.f32 $1.000000000e+00;
	s3 =	sadd.s32 $0xCE00, s6;
	s4 =	sadd.s32 $0x16C00, s4;
	s6 =	simm.s32 $0x1  }
.LBB2_1:
0xa: {  	[tilespmem:s2], [sflag:$0x1] =	stream.linear.gather [hbm4b:s3+s2], $0x2710, $0x38;
	[tilespmem:$0x4F10] =	vst v63  }
0xb: {  	s10 =	simm.s32 $0x40;
	s11 =	simm.s32 $0x0  }
.LBB2_2:
0xc: {  	p0 =	sne.s32 s10, $0x9FC0;
	[tilespmem:s11+$0x2710] =	vst v0;
	s11 =	smov.u32 s10;
	s10 =	sadd.s32 $0x40, s10  }
.Ltmp0:
0xd: {  	(pc) =	sbr.rel @p0 .LBB2_2-.Ltmp0, $2  }
0xe: {  	_ =	sdelay $0x2  }
0xf: {  	s11 =	sshra.s32 s11, $0x2  }
0x10: {  	[tilespmem:s11+$0x2710] =	vst v0  }
0x11: {  	_ =	swait.ge [sflag:s6], $0x2710  }
0x12: {  	[sflag:s6] =	ssyncset.done $0x0  }
0x13: {  	s10 =	simm.s32 $0x0;
	[sflag:s6] =	ssyncadd.s32 $0xFFFFD8F0  }
.LBB2_4:
0x14: {  	s11 =	sshra.s32 s10, $0x2  }
0x15: {  	v2 =	vld [tilespmem:s11+$0x0];
	_ =	sdelay $0x7  }
0x16: {  	[tilespmem:v2+s7+$0x0] =	vst.idx.add.f32.msk $0xffff, v1  }
0x17: {  	v2 =	vld [tilespmem:s11+$0x10];
	_ =	sdelay $0x7  }
0x18: {  	[tilespmem:v2+s7+$0x0] =	vst.idx.add.f32.msk $0xffff, v1  }
0x19: {  	v2 =	vld [tilespmem:s11+$0x20];
	_ =	sdelay $0x7  }
0x1a: {  	[tilespmem:v2+s7+$0x0] =	vst.idx.add.f32.msk $0xffff, v1  }
0x1b: {  	v2 =	vld [tilespmem:s11+$0x30];
	_ =	sdelay $0x7  }
0x1c: {  	[tilespmem:v2+s7+$0x0] =	vst.idx.add.f32.msk $0xffff, v1  }
0x1d: {  	v2 =	vld [tilespmem:s11+$0x40];
	_ =	sdelay $0x2  }
0x1e: {  	p0 =	sne.s32 s10, $0x9B00  }
.Ltmp1:
0x1f: {  	_ = 	snop;
	(pc) =	sbr.rel @p0 .LBB2_4-.Ltmp1, $2  }
0x20: {  	_ =	sdelay $0x2  }
0x21: {  	s10 =	sadd.s32 $0x140, s10;
	[tilespmem:v2+s7+$0x0] =	vst.idx.add.f32.msk $0xffff, v1  }
0x22: {  	s9 =	sadd.s32 $0x1, s9  }
0x23: {  	p0 =	sne.s32 s9, s5  }
.Ltmp2:
0x24: {  	_ = 	snop;
	(pc) =	sbr.rel @p0 .LBB2_1-.Ltmp2, $4  }
0x25: {  	[hbm4b:s4+s2] =	stream.linear.scatter [tilespmem:s7], [sflag:$0x2], $0x2800, $0x38;
	[tilespmem:$0x4F10] =	vst v63  }
0x26: {  	_ =	swait.ge [sflag:s8], $0x2800  }
0x27: {  	[sflag:s8] =	ssyncset.done $0x0  }
0x28: {  	[sflag:s8] =	ssyncadd.s32 $0xFFFFD800  }
0x29: {  	_ =	sfence.sel $0x180000  }
0x2a: {  	[bflag:$0x0] =	sbarrier.arrive $0xFFFF  }
0x2b: {  	p0 =	sne.s32 s0, $0x0;
	_ =	strace $0x90000047  }
0x2c: {  	s0 =	sadd.s32 @!p0 $0x100000, s1;
	[bflag:$0x2] =	sbarrier.arrive $0xFFFF  }
0x2d: {  	[sflag:s0] =	ssyncadd.tile.s32 @!p0 $0x1;
	_ =	shalt  }
.Lfunc_end2:
_tile_overlayer_lowered:
.L_overlay_start_2:
0x2e: {  	(tag) =	ssettag $0x2  }
0x2f: {  	s0 =	rddreg [dreg:$0x0];
	s2 =	stileid.u32  }
0x30: {  	s1 =	rddreg [dreg:$0x1];
	p0 =	sne.s32 s2, $0x0  }
0x31: {  	s3 =	rddreg [dreg:$0x2];
	[bflag:$0x3] =	sbarrier.arrive $0xFFFF;
	s2 =	simm.s32 @!p0 $0x1C02  }
0x32: {  	[timem:s3], [sflag:s2] =	dma.local @!p0 [hbm:s0], s1  }
0x33: {  	s0 =	simm.s32 @!p0 $0x2  }
0x34: {  	_ =	swait.ge @!p0 [sflag:s0], s1  }
0x35: {  	s1 =	ssub.s32 @!p0 $0x0, s1;
	[sflag:s0] =	ssyncset.done @!p0 $0x0  }
0x36: {  	[sflag:s0] =	ssyncadd.s32 @!p0 s1  }
0x37: {  	[bflag:$0x3] =	sbarrier.arrive $0xFFFF  }
0x38: {  	_ =	shalt  }

</sc_bundles>
